<compile_context>
chip_gen: v7x
topology: tpu7x:2x2x1
jax: 0.10.2.dev20260603
libtpu: 0.0.44.dev20260713+nightly
codegen_flags: <defaults>
</compile_context>

<pallas_src>
import dataclasses
import functools
import math

import jax
import jax.numpy as jnp
from jax import lax
from jax.experimental import pallas as pl
from jax.experimental.pallas import tpu as pltpu
from jax.experimental.pallas import tpu_sc as plsc

N = 4096
NS = 16
L = 16
CHUNK = N // NS
NCH = CHUNK // L
TMAX = int(0.05 * N)
INV_SQRT = 1.0 / math.sqrt(N)
INF = float("inf")


def _lane_iota():
    return lax.iota(jnp.int32, L)


def _astar_body(cost_hbm, adj_hbm, wadj_hbm, sg_hbm, hist_out, path_out,
                h_v, g_v, open_v, hist_v, par_v, arow_v, wrow_v,
                arow2_v, wrow2_v, sg_v,
                row_v, cand_v, parall_v, path_v, cand_sh, par_sh, sem, sem2):
    cid = lax.axis_index("c")
    sid = lax.axis_index("s")

    @pl.when(cid == 0)
    def _work():
        base = sid * CHUNK
        lane = _lane_iota()

        pltpu.async_copy(sg_hbm, sg_v, sem).wait()
        sgv = sg_v[...]
        start = sgv[0]
        goal = sgv[1]
        goal_f = goal.astype(jnp.float32)

        pltpu.async_copy(cost_hbm.at[sid], h_v, sem).wait()
        pltpu.async_copy(wadj_hbm.at[start, sid], g_v, sem).wait()

        def init_body(c, _):
            sl = pl.ds(c * L, L)
            gi = base + c * L + lane
            gv = g_v[sl]
            gv = jnp.where(gv == INF, 0.0, gv)
            gv = jnp.where(gi == start, 0.0, gv)
            g_v[sl] = gv
            open_v[sl] = jnp.where(gi == start, 1.0, 0.0)
            hist_v[sl] = jnp.zeros((L,), jnp.float32)
            par_v[sl] = lax.broadcast(goal_f, (L,))
            return 0

        lax.fori_loop(0, NCH, init_body, 0, unroll=False)

        vmax0 = lax.broadcast(jnp.float32(-1.0), (L,))
        cidx0 = jnp.zeros((L,), jnp.int32)
        for c in range(NCH):
            sl = pl.ds(c * L, L)
            fe = jnp.exp((g_v[sl] * 0.5 + h_v[sl] * 0.5) * (-INV_SQRT))
            fe = fe * open_v[sl]
            take = fe > vmax0
            vmax0 = jnp.where(take, fe, vmax0)
            cidx0 = jnp.where(take, c, cidx0)
        best0 = jnp.max(vmax0)
        bidx0 = jnp.min(jnp.where(vmax0 == best0,
                                  cidx0 * L + lane, CHUNK))

        pltpu.async_copy(adj_hbm.at[0, sid], arow2_v, sem2)
        pltpu.async_copy(wadj_hbm.at[0, sid], wrow2_v, sem2)

        def step(t, carry):
            best, bidx, spec, tb = carry
            bv = g_v[pl.ds((bidx >> 4) << 4, L)]
            gbest = jnp.sum(jnp.where(lane == (bidx & 15), bv, 0.0))

            row = jnp.where(lane == 0, best, 0.0)
            row = jnp.where(lane == 1, (base + bidx).astype(jnp.float32), row)
            row = jnp.where(lane == 2, gbest, row)
            row_v[...] = row
            buf = t & 1
            pltpu.sync_copy(row_v, cand_sh.at[buf, sid])
            plsc.subcore_barrier()

            pltpu.sync_copy(cand_sh.at[buf], cand_v)

            vals = plsc.load_gather(cand_v, [lane, jnp.zeros((L,), jnp.int32)])
            gm = jnp.max(vals)
            tstar = jnp.max(plsc.all_reduce_ffs(vals == gm))
            crow = cand_v[tstar, pl.ds(0, L)]
            ind = crow[1].astype(jnp.int32)
            gsel = crow[2]
            ind_f = ind.astype(jnp.float32)

            vals2 = jnp.where(lane == tstar, -1.0, vals)
            gm2 = jnp.max(vals2)
            t2 = jnp.max(plsc.all_reduce_ffs(vals2 == gm2))
            ind2 = cand_v[t2, pl.ds(0, L)][1].astype(jnp.int32)

            pltpu.make_async_copy(adj_hbm.at[0, sid], arow2_v, sem2).wait()
            pltpu.make_async_copy(wadj_hbm.at[0, sid], wrow2_v, sem2).wait()

            miss = ind != spec

            @pl.when(miss & (tb == 0))
            def _fetch0():
                pltpu.async_copy(adj_hbm.at[ind, sid], arow_v, sem)
                pltpu.async_copy(wadj_hbm.at[ind, sid], wrow_v, sem)

            @pl.when(miss & (tb == 1))
            def _fetch1():
                pltpu.async_copy(adj_hbm.at[ind, sid], arow2_v, sem)
                pltpu.async_copy(wadj_hbm.at[ind, sid], wrow2_v, sem)

            @pl.when(tb == 0)
            def _spec1():
                pltpu.async_copy(adj_hbm.at[ind2, sid], arow2_v, sem2)
                pltpu.async_copy(wadj_hbm.at[ind2, sid], wrow2_v, sem2)

            @pl.when(tb == 1)
            def _spec0():
                pltpu.async_copy(adj_hbm.at[ind2, sid], arow_v, sem2)
                pltpu.async_copy(wadj_hbm.at[ind2, sid], wrow_v, sem2)

            loc = ind - base

            @pl.when((loc >= 0) & (loc < CHUNK))
            def _owner():
                osl = pl.ds((loc >> 4) << 4, L)
                hit = lane == (loc & 15)
                open_v[osl] = jnp.where(hit, 0.0, open_v[osl])
                hist_v[osl] = jnp.where(hit, 1.0, hist_v[osl])

            @pl.when(miss)
            def _wait_fetch():
                pltpu.make_async_copy(adj_hbm.at[0, sid], arow_v, sem).wait()
                pltpu.make_async_copy(wadj_hbm.at[0, sid], wrow_v, sem).wait()

            use1 = tb == 1

            nvmax = lax.broadcast(jnp.float32(-1.0), (L,))
            ncidx = jnp.zeros((L,), jnp.int32)
            for c in range(NCH):
                sl = pl.ds(c * L, L)
                gi = base + c * L + lane
                at_ind = gi == ind
                ai = plsc.bitcast(jnp.where(use1, arow2_v[sl], arow_v[sl]),
                                  jnp.int32)
                ai = (ai + 0x7FFF + ((ai >> 16) & 1)) & jnp.int32(-65536)
                ar = plsc.bitcast(ai, jnp.float32)
                ar = jnp.where(at_ind, 0.0, ar)
                wr = jnp.where(use1, wrow2_v[sl], wrow_v[sl])
                wr = jnp.where(wr == INF, 0.0, wr)
                wr = jnp.where(at_ind, 0.0, wr)
                ov = open_v[sl]
                hv = hist_v[sl]
                gv = g_v[sl]
                pv = par_v[sl]
                no = (1.0 - ov) * (1.0 - hv)
                nn = ar * no
                g2 = gsel + wr
                gt = (gv > g2).astype(jnp.float32)
                idxv = (no + ov * gt) * nn
                one_m = 1.0 - idxv
                gnew = g2 * idxv + gv * one_m
                onew = jnp.clip(ov + idxv, 0.0, 1.0)
                g_v[sl] = gnew
                open_v[sl] = onew
                par_v[sl] = ind_f * idxv + pv * one_m
                fe = jnp.exp((gnew * 0.5 + h_v[sl] * 0.5) * (-INV_SQRT))
                fe = fe * onew
                take = fe > nvmax
                nvmax = jnp.where(take, fe, nvmax)
                ncidx = jnp.where(take, c, ncidx)
            nbest = jnp.max(nvmax)
            nbidx = jnp.min(jnp.where(nvmax == nbest,
                                      ncidx * L + lane, CHUNK))
            return nbest, nbidx, ind2, 1 - tb

        lax.fori_loop(0, TMAX, step,
                      (best0, bidx0, jnp.int32(-1), jnp.int32(1)),
                      unroll=False)

        pltpu.make_async_copy(adj_hbm.at[0, sid], arow2_v, sem2).wait()
        pltpu.make_async_copy(wadj_hbm.at[0, sid], wrow2_v, sem2).wait()

        pltpu.sync_copy(hist_v, hist_out.at[sid])
        pltpu.sync_copy(par_v, par_sh.at[pl.ds(base, CHUNK)])
        plsc.subcore_barrier()

        @pl.when(sid == 0)
        def _backtrack():
            pltpu.sync_copy(par_sh, parall_v)

            def zero_body(c, _):
                path_v[pl.ds(c * L, L)] = jnp.zeros((L,), jnp.int32)
                return 0

            lax.fori_loop(0, N // L, zero_body, 0, unroll=False)

            def path_set(loc):
                locv = lax.broadcast(loc, (L,))
                plsc.store_scatter(path_v, [locv], jnp.ones((L,), jnp.int32),
                                   mask=lane == 0)
                pv = plsc.load_gather(parall_v, [locv])
                pvm = jnp.max(pv)
                i = pvm.astype(jnp.int32)
                return i - (i.astype(jnp.float32) > pvm).astype(jnp.int32)

            loc0 = path_set(goal)

            def chase(i, loc):
                return path_set(loc)

            lax.fori_loop(0, TMAX - 1, chase, loc0, unroll=False)
            pltpu.sync_copy(path_v, path_out)


@functools.partial(jax.jit, static_argnums=())
def _run(cost2, adj3, wadj3, sg):
    mesh = plsc.VectorSubcoreMesh(core_axis_name="c", subcore_axis_name="s")
    cp = pltpu.CompilerParams()
    if "needs_layout_passes" in pltpu.CompilerParams.__dataclass_fields__:
        cp = dataclasses.replace(cp, needs_layout_passes=False)
    f = pl.kernel(
        _astar_body,
        out_type=(
            jax.ShapeDtypeStruct((NS, CHUNK), jnp.float32),
            jax.ShapeDtypeStruct((N,), jnp.int32),
        ),
        mesh=mesh,
        scratch_types=[
            pltpu.VMEM((CHUNK,), jnp.float32),
            pltpu.VMEM((CHUNK,), jnp.float32),
            pltpu.VMEM((CHUNK,), jnp.float32),
            pltpu.VMEM((CHUNK,), jnp.float32),
            pltpu.VMEM((CHUNK,), jnp.float32),
            pltpu.VMEM((CHUNK,), jnp.float32),
            pltpu.VMEM((CHUNK,), jnp.float32),
            pltpu.VMEM((CHUNK,), jnp.float32),
            pltpu.VMEM((CHUNK,), jnp.float32),
            pltpu.VMEM((L,), jnp.int32),
            pltpu.VMEM((L,), jnp.float32),
            pltpu.VMEM((NS, L), jnp.float32),
            pltpu.VMEM((N,), jnp.float32),
            pltpu.VMEM((N,), jnp.int32),
            pltpu.VMEM_SHARED((2, NS, L), jnp.float32),
            pltpu.VMEM_SHARED((N,), jnp.float32),
            pltpu.SemaphoreType.DMA,
            pltpu.SemaphoreType.DMA,
        ],
        compiler_params=cp,
    )
    return f(cost2, adj3, wadj3, sg)


def kernel(start_index, goal_index, cost_maps, nodes, adj, weighted_adj):
    del nodes
    sg = jnp.zeros((L,), jnp.int32)
    sg = sg.at[0].set(jnp.asarray(start_index, jnp.int32))
    sg = sg.at[1].set(jnp.asarray(goal_index, jnp.int32))
    cost2 = cost_maps.reshape(NS, CHUNK)
    adj3 = adj.reshape(N, NS, CHUNK)
    wadj3 = weighted_adj.reshape(N, NS, CHUNK)
    hist2, path1 = _run(cost2, adj3, wadj3, sg)
    return hist2.reshape(N), path1

# --- scband reference (transcript-rebuilt; emitter-appended) ---
"""Pipeline reference for scband-differentiable-astar-30210799960599 (READ-ONLY COPY).

The authoritative reference and input builder live on the scoring server;
editing this copy changes nothing except your own understanding.
"""

import math
import jax
import jax.numpy as jnp
import numpy as np

N = 4096
G_RATIO = 0.5
TMAX_RATIO = 0.05  # training-mode Tmax


def setup_inputs(seed: int = 0) -> dict:
    key = jax.random.key(seed)
    k1, k2, k3, k4 = jax.random.split(key, 4)
    return {
        "start_index": 0,
        "goal_index": N - 1,
        "cost_maps": jax.random.uniform(k1, (N,), dtype=jnp.float32),
        "nodes": jax.random.uniform(k2, (N, 2), dtype=jnp.float32),
        "adj": jax.random.uniform(k3, (N, N), dtype=jnp.float32),
        "weighted_adj": jax.random.uniform(k4, (N, N), dtype=jnp.float32),
    }


def _st_softmax_noexp(val):
    y = val / jnp.sum(val, axis=0, keepdims=True)
    ind = jnp.argmax(y, axis=-1)
    y_hard = jnp.zeros_like(y).at[ind].set(1.0)
    return jax.lax.stop_gradient(y_hard - y) + y


def backtrack(goal_n, parents, current_t):
    parents = parents.astype(jnp.int32)
    goal_n = goal_n.astype(jnp.int32)
    path_maps = goal_n
    loc = jnp.sum(parents * goal_n)
    for _ in range(current_t):
        path_maps = path_maps.at[loc].set(1)
        loc = parents[loc]
    return path_maps


def reference(start_index, goal_index, cost_maps, nodes, adj, weighted_adj):
    n = nodes.shape[0]
    eye = jnp.eye(n, dtype=adj.dtype)
    adj = adj * (1.0 - eye)
    weighted_adj = jnp.where(weighted_adj == jnp.inf, 0.0, weighted_adj)
    weighted_adj = weighted_adj * (1.0 - eye)

    open_maps = jnp.zeros((n,), jnp.float32).at[start_index].set(1.0)
    goal_maps = jnp.zeros((n,), jnp.float32).at[goal_index].set(1.0)
    histories = jnp.zeros((n,), jnp.float32)

    h = cost_maps
    g = weighted_adj[start_index]
    parents = jnp.ones((n,), jnp.float32) * jnp.argmax(goal_maps).astype(jnp.float32)

    Tmax = int(TMAX_RATIO * n)
    inv_sqrt = 1.0 / math.sqrt(cost_maps.shape[-1])
    for t in range(Tmax):
        f = G_RATIO * g + (1.0 - G_RATIO) * h
        f_exp = jnp.exp(-1.0 * f * inv_sqrt)
        f_exp = f_exp * open_maps
        snm = _st_softmax_noexp(f_exp)
        new_parents = jnp.argmax(snm)
        open_maps = jnp.clip(open_maps - snm, 0.0, 1.0)
        histories = jnp.clip(histories + snm, 0.0, 1.0)
        neighbor_nodes = (snm[None, :] @ adj)[0] * (1.0 - open_maps) * (1.0 - histories)
        g2 = g[new_parents] + weighted_adj[new_parents]
        idx = (1.0 - open_maps) * (1.0 - histories) + open_maps * (g > g2).astype(jnp.float32)
        idx = jax.lax.stop_gradient(idx * neighbor_nodes)
        g = jax.lax.stop_gradient(g2 * idx + g * (1.0 - idx))
        open_maps = jax.lax.stop_gradient(jnp.clip(open_maps + idx, 0.0, 1.0))
        parents = new_parents.astype(jnp.float32) * idx + parents * (1.0 - idx)

    path_maps = backtrack(goal_maps, parents, Tmax - 1)
    return (histories, path_maps)

if __name__ == "__main__":
    import jax
    _d = setup_inputs()
    print(jax.jit(kernel)(*tuple(_d.values())))

</pallas_src>

<mosaic_0001>
#map = affine_map<(d0, d1) -> (0, 0)>
#map1 = affine_map<(d0, d1) -> (0, 0, 0)>
#map2 = affine_map<(d0, d1) -> (0)>
module attributes {stable_mosaic.version = 14 : i64} {
  func.func @_astar_body(%arg0: i32, %arg1: i32, %arg2: memref<16x256xf32, #tpu.memory_space<hbm>>, %arg3: memref<4096x16x256xf32, #tpu.memory_space<hbm>>, %arg4: memref<4096x16x256xf32, #tpu.memory_space<hbm>>, %arg5: memref<16xi32, #tpu.memory_space<hbm>>, %arg6: memref<16x256xf32, #tpu.memory_space<hbm>>, %arg7: memref<4096xi32, #tpu.memory_space<hbm>>, %arg8: memref<256xf32, #tpu.memory_space<vmem>>, %arg9: memref<256xf32, #tpu.memory_space<vmem>>, %arg10: memref<256xf32, #tpu.memory_space<vmem>>, %arg11: memref<256xf32, #tpu.memory_space<vmem>>, %arg12: memref<256xf32, #tpu.memory_space<vmem>>, %arg13: memref<256xf32, #tpu.memory_space<vmem>>, %arg14: memref<256xf32, #tpu.memory_space<vmem>>, %arg15: memref<256xf32, #tpu.memory_space<vmem>>, %arg16: memref<256xf32, #tpu.memory_space<vmem>>, %arg17: memref<16xi32, #tpu.memory_space<vmem>>, %arg18: memref<16xf32, #tpu.memory_space<vmem>>, %arg19: memref<16x16xf32, #tpu.memory_space<vmem>>, %arg20: memref<4096xf32, #tpu.memory_space<vmem>>, %arg21: memref<4096xi32, #tpu.memory_space<vmem>>, %arg22: memref<2x16x16xf32, #tpu.memory_space<vmem_shared>>, %arg23: memref<4096xf32, #tpu.memory_space<vmem_shared>>, %arg24: memref<!tpu.dma_semaphore, #tpu.memory_space<semaphore_mem>>, %arg25: memref<!tpu.dma_semaphore, #tpu.memory_space<semaphore_mem>>) attributes {dimension_semantics = [#tpu.dimension_semantics<core_parallel>, #tpu.dimension_semantics<subcore_parallel>], iteration_bounds = array<i64: 2, 16>, scalar_prefetch = 0 : i64, scratch_operands = 18 : i64, tpu.core_type = #tpu.core_type<sc_vector_subcore>, window_params = [{transform_indices = #map}, {transform_indices = #map1}, {transform_indices = #map1}, {transform_indices = #map2}, {transform_indices = #map}, {transform_indices = #map2}]} {
    %eq3A = arith.constant 0 : i32
    %eq3A_0 = arith.cmpi eq, %arg0, %eq3A : i32
    %convert_element_type3A = arith.extui %eq3A_0 : i1 to i32
    %cond3A = arith.constant 0 : i32
    %cond3A_1 = arith.cmpi ne, %convert_element_type3A, %cond3A : i32
    scf.if %cond3A_1 {
      %mul3A = arith.constant 256 : i32
      %mul3A_2 = arith.muli %arg1, %mul3A : i32
      %iota3A = tpu.iota {dimensions = array<i32: 0>} : vector<16xi32>
      tpu.enqueue_dma source(%arg5 : memref<16xi32, #tpu.memory_space<hbm>>) target(%arg17 : memref<16xi32, #tpu.memory_space<vmem>>) target_semaphore(%arg24 : memref<!tpu.dma_semaphore, #tpu.memory_space<semaphore_mem>>)
      tpu.wait_dma2 semaphore(%arg24 : memref<!tpu.dma_semaphore, #tpu.memory_space<semaphore_mem>>) src(%arg5 : memref<16xi32, #tpu.memory_space<hbm>>) dst(%arg17 : memref<16xi32, #tpu.memory_space<vmem>>)
      %get3A = arith.constant 0 : index
      %get3A_3 = tpu.vector_load %arg17[%get3A] {strides = array<i32>} : memref<16xi32, #tpu.memory_space<vmem>>, vector<16xi32>,
      %slice3A = vector.extract_strided_slice %get3A_3 {offsets = [0], sizes = [1], strides = [1]} : vector<16xi32> to vector<1xi32>
      %squeeze3A = vector.extract %slice3A[0] : i32 from vector<1xi32>
      %slice3A_4 = vector.extract_strided_slice %get3A_3 {offsets = [1], sizes = [1], strides = [1]} : vector<16xi32> to vector<1xi32>
      %squeeze3A_5 = vector.extract %slice3A_4[0] : i32 from vector<1xi32>
      %convert_element_type3A_6 = arith.sitofp %squeeze3A_5 : i32 to f32
      %dma_start3A = arith.constant 0 : i32
      %dma_start3A_7 = tpu.memref_slice %arg2[%arg1, %dma_start3A] : memref<16x256xf32, #tpu.memory_space<hbm>> -> memref<1x256xf32, #tpu.memory_space<hbm>>
      %dma_start3A_8 = tpu.memref_squeeze %dma_start3A_7 : memref<1x256xf32, #tpu.memory_space<hbm>> -> memref<256xf32, #tpu.memory_space<hbm>>
      %dma_start3A_9 = arith.constant 0 : i32
      %dma_start3A_10 = tpu.memref_slice %arg2[%arg1, %dma_start3A_9] : memref<16x256xf32, #tpu.memory_space<hbm>> -> memref<1x256xf32, #tpu.memory_space<hbm>>
      %dma_start3A_11 = tpu.memref_squeeze %dma_start3A_10 : memref<1x256xf32, #tpu.memory_space<hbm>> -> memref<256xf32, #tpu.memory_space<hbm>>
      tpu.enqueue_dma source(%dma_start3A_11 : memref<256xf32, #tpu.memory_space<hbm>>) target(%arg8 : memref<256xf32, #tpu.memory_space<vmem>>) target_semaphore(%arg24 : memref<!tpu.dma_semaphore, #tpu.memory_space<semaphore_mem>>)
      %dma_wait3A = arith.constant 0 : i32
      %dma_wait3A_12 = tpu.memref_slice %arg2[%arg1, %dma_wait3A] : memref<16x256xf32, #tpu.memory_space<hbm>> -> memref<1x256xf32, #tpu.memory_space<hbm>>
      %dma_wait3A_13 = tpu.memref_squeeze %dma_wait3A_12 : memref<1x256xf32, #tpu.memory_space<hbm>> -> memref<256xf32, #tpu.memory_space<hbm>>
      %dma_wait3A_14 = arith.constant 0 : i32
      %dma_wait3A_15 = tpu.memref_slice %arg2[%arg1, %dma_wait3A_14] : memref<16x256xf32, #tpu.memory_space<hbm>> -> memref<1x256xf32, #tpu.memory_space<hbm>>
      %dma_wait3A_16 = tpu.memref_squeeze %dma_wait3A_15 : memref<1x256xf32, #tpu.memory_space<hbm>> -> memref<256xf32, #tpu.memory_space<hbm>>
      tpu.wait_dma2 semaphore(%arg24 : memref<!tpu.dma_semaphore, #tpu.memory_space<semaphore_mem>>) src(%dma_wait3A_16 : memref<256xf32, #tpu.memory_space<hbm>>) dst(%arg8 : memref<256xf32, #tpu.memory_space<vmem>>)
      %dma_start3A_17 = arith.constant 0 : i32
      %dma_start3A_18 = tpu.memref_slice %arg4[%squeeze3A, %arg1, %dma_start3A_17] : memref<4096x16x256xf32, #tpu.memory_space<hbm>> -> memref<1x1x256xf32, #tpu.memory_space<hbm>>
      %dma_start3A_19 = tpu.memref_squeeze %dma_start3A_18 : memref<1x1x256xf32, #tpu.memory_space<hbm>> -> memref<256xf32, #tpu.memory_space<hbm>>
      %dma_start3A_20 = arith.constant 0 : i32
      %dma_start3A_21 = tpu.memref_slice %arg4[%squeeze3A, %arg1, %dma_start3A_20] : memref<4096x16x256xf32, #tpu.memory_space<hbm>> -> memref<1x1x256xf32, #tpu.memory_space<hbm>>
      %dma_start3A_22 = tpu.memref_squeeze %dma_start3A_21 : memref<1x1x256xf32, #tpu.memory_space<hbm>> -> memref<256xf32, #tpu.memory_space<hbm>>
      tpu.enqueue_dma source(%dma_start3A_22 : memref<256xf32, #tpu.memory_space<hbm>>) target(%arg9 : memref<256xf32, #tpu.memory_space<vmem>>) target_semaphore(%arg24 : memref<!tpu.dma_semaphore, #tpu.memory_space<semaphore_mem>>)
      %dma_wait3A_23 = arith.constant 0 : i32
      %dma_wait3A_24 = tpu.memref_slice %arg4[%squeeze3A, %arg1, %dma_wait3A_23] : memref<4096x16x256xf32, #tpu.memory_space<hbm>> -> memref<1x1x256xf32, #tpu.memory_space<hbm>>
      %dma_wait3A_25 = tpu.memref_squeeze %dma_wait3A_24 : memref<1x1x256xf32, #tpu.memory_space<hbm>> -> memref<256xf32, #tpu.memory_space<hbm>>
      %dma_wait3A_26 = arith.constant 0 : i32
      %dma_wait3A_27 = tpu.memref_slice %arg4[%squeeze3A, %arg1, %dma_wait3A_26] : memref<4096x16x256xf32, #tpu.memory_space<hbm>> -> memref<1x1x256xf32, #tpu.memory_space<hbm>>
      %dma_wait3A_28 = tpu.memref_squeeze %dma_wait3A_27 : memref<1x1x256xf32, #tpu.memory_space<hbm>> -> memref<256xf32, #tpu.memory_space<hbm>>
      tpu.wait_dma2 semaphore(%arg24 : memref<!tpu.dma_semaphore, #tpu.memory_space<semaphore_mem>>) src(%dma_wait3A_28 : memref<256xf32, #tpu.memory_space<hbm>>) dst(%arg9 : memref<256xf32, #tpu.memory_space<vmem>>)
      %scan3A = arith.constant 0 : i32
      %scan3A_29 = arith.constant 0 : i32
      %scan3A_30 = arith.constant 16 : i32
      %scan3A_31 = arith.addi %scan3A_29, %scan3A_30 : i32
      %scan3A_32 = arith.constant 1 : i32
      %scan3A_33 = scf.for %scan3A_461 = %scan3A_29 to %scan3A_31 step %scan3A_32 iter_args(%scan3A_462 = %scan3A) -> (i32)  : i32 {
        %mul3A_463 = arith.constant 16 : i32
        %mul3A_464 = arith.muli %scan3A_461, %mul3A_463 : i32
        %mul3A_465 = arith.constant 16 : i32
        %mul3A_466 = arith.muli %scan3A_461, %mul3A_465 : i32
        %add3A_467 = arith.addi %mul3A_2, %mul3A_466 : i32
        %add3A_468 = vector.broadcast %add3A_467 : i32 to vector<16xi32>
        %add3A_469 = arith.addi %add3A_468, %iota3A : vector<16xi32>
        %get3A_470 = arith.index_cast %mul3A_464 : i32 to index
        %get3A_471 = tpu.vector_load %arg9[%get3A_470] {strides = array<i32>} : memref<256xf32, #tpu.memory_space<vmem>>, vector<16xf32>,
        %eq3A_472 = arith.constant 0x7F800000 : f32
        %eq3A_473 = vector.broadcast %eq3A_472 : f32 to vector<16xf32>
        %eq3A_474 = arith.cmpf oeq, %get3A_471, %eq3A_473 : vector<16xf32>
        %jit3A_475 = arith.constant 0.000000e+00 : f32
        %broadcast_in_dim3A_476 = vector.broadcast %jit3A_475 : f32 to vector<16xf32>
        %select_n3A_477 = arith.select %eq3A_474, %broadcast_in_dim3A_476, %get3A_471 : vector<16xi1>, vector<16xf32>
        %eq3A_478 = vector.broadcast %squeeze3A : i32 to vector<16xi32>
        %eq3A_479 = arith.cmpi eq, %add3A_469, %eq3A_478 : vector<16xi32>
        %jit3A_480 = arith.constant 0.000000e+00 : f32
        %broadcast_in_dim3A_481 = vector.broadcast %jit3A_480 : f32 to vector<16xf32>
        %select_n3A_482 = arith.select %eq3A_479, %broadcast_in_dim3A_481, %select_n3A_477 : vector<16xi1>, vector<16xf32>
        %swap3A = arith.index_cast %mul3A_464 : i32 to index
        %swap3A_483 = tpu.vector_load %arg9[%swap3A] {strides = array<i32>} : memref<256xf32, #tpu.memory_space<vmem>>, vector<16xf32>,
        tpu.vector_store %arg9[%swap3A], %select_n3A_482 {strides = array<i32>} : memref<256xf32, #tpu.memory_space<vmem>>, vector<16xf32>,
        %eq3A_484 = vector.broadcast %squeeze3A : i32 to vector<16xi32>
        %eq3A_485 = arith.cmpi eq, %add3A_469, %eq3A_484 : vector<16xi32>
        %jit3A_486 = arith.constant 1.000000e+00 : f32
        %jit3A_487 = arith.constant 0.000000e+00 : f32
        %broadcast_in_dim3A_488 = vector.broadcast %jit3A_486 : f32 to vector<16xf32>
        %broadcast_in_dim3A_489 = vector.broadcast %jit3A_487 : f32 to vector<16xf32>
        %select_n3A_490 = arith.select %eq3A_485, %broadcast_in_dim3A_488, %broadcast_in_dim3A_489 : vector<16xi1>, vector<16xf32>
        %swap3A_491 = arith.index_cast %mul3A_464 : i32 to index
        %swap3A_492 = tpu.vector_load %arg10[%swap3A_491] {strides = array<i32>} : memref<256xf32, #tpu.memory_space<vmem>>, vector<16xf32>,
        tpu.vector_store %arg10[%swap3A_491], %select_n3A_490 {strides = array<i32>} : memref<256xf32, #tpu.memory_space<vmem>>, vector<16xf32>,
        %broadcast_in_dim3A_493 = arith.constant 0.000000e+00 : f32
        %broadcast_in_dim3A_494 = vector.broadcast %broadcast_in_dim3A_493 : f32 to vector<16xf32>
        %swap3A_495 = arith.index_cast %mul3A_464 : i32 to index
        %swap3A_496 = tpu.vector_load %arg11[%swap3A_495] {strides = array<i32>} : memref<256xf32, #tpu.memory_space<vmem>>, vector<16xf32>,
        tpu.vector_store %arg11[%swap3A_495], %broadcast_in_dim3A_494 {strides = array<i32>} : memref<256xf32, #tpu.memory_space<vmem>>, vector<16xf32>,
        %broadcast_in_dim3A_497 = vector.broadcast %convert_element_type3A_6 : f32 to vector<16xf32>
        %swap3A_498 = arith.index_cast %mul3A_464 : i32 to index
        %swap3A_499 = tpu.vector_load %arg12[%swap3A_498] {strides = array<i32>} : memref<256xf32, #tpu.memory_space<vmem>>, vector<16xf32>,
        tpu.vector_store %arg12[%swap3A_498], %broadcast_in_dim3A_497 {strides = array<i32>} : memref<256xf32, #tpu.memory_space<vmem>>, vector<16xf32>,
        %scan3A_500 = arith.constant 0 : i32
        scf.yield %scan3A_500 : i32
      }
      %scan3A_34 = arith.constant 16 : i32
      %broadcast_in_dim3A = arith.constant -1.000000e+00 : f32
      %broadcast_in_dim3A_35 = vector.broadcast %broadcast_in_dim3A : f32 to vector<16xf32>
      %broadcast_in_dim3A_36 = arith.constant 0 : i32
      %broadcast_in_dim3A_37 = vector.broadcast %broadcast_in_dim3A_36 : i32 to vector<16xi32>
      %get3A_38 = arith.constant 0 : index
      %get3A_39 = tpu.vector_load %arg9[%get3A_38] {strides = array<i32>} : memref<256xf32, #tpu.memory_space<vmem>>, vector<16xf32>,
      %mul3A_40 = arith.constant 5.000000e-01 : f32
      %mul3A_41 = vector.broadcast %mul3A_40 : f32 to vector<16xf32>
      %mul3A_42 = arith.mulf %get3A_39, %mul3A_41 : vector<16xf32>
      %get3A_43 = arith.constant 0 : index
      %get3A_44 = tpu.vector_load %arg8[%get3A_43] {strides = array<i32>} : memref<256xf32, #tpu.memory_space<vmem>>, vector<16xf32>,
      %mul3A_45 = arith.constant 5.000000e-01 : f32
      %mul3A_46 = vector.broadcast %mul3A_45 : f32 to vector<16xf32>
      %mul3A_47 = arith.mulf %get3A_44, %mul3A_46 : vector<16xf32>
      %add3A = arith.addf %mul3A_42, %mul3A_47 : vector<16xf32>
      %mul3A_48 = arith.constant -1.562500e-02 : f32
      %mul3A_49 = vector.broadcast %mul3A_48 : f32 to vector<16xf32>
      %mul3A_50 = arith.mulf %add3A, %mul3A_49 : vector<16xf32>
      %exp3A = math.exp %mul3A_50 : vector<16xf32>
      %get3A_51 = arith.constant 0 : index
      %get3A_52 = tpu.vector_load %arg10[%get3A_51] {strides = array<i32>} : memref<256xf32, #tpu.memory_space<vmem>>, vector<16xf32>,
      %mul3A_53 = arith.mulf %exp3A, %get3A_52 : vector<16xf32>
      %gt3A = arith.cmpf ogt, %mul3A_53, %broadcast_in_dim3A_35 : vector<16xf32>
      %select_n3A = arith.select %gt3A, %mul3A_53, %broadcast_in_dim3A_35 : vector<16xi1>, vector<16xf32>
      %jit3A = arith.constant 0 : i32
      %broadcast_in_dim3A_54 = vector.broadcast %jit3A : i32 to vector<16xi32>
      %select_n3A_55 = arith.select %gt3A, %broadcast_in_dim3A_54, %broadcast_in_dim3A_37 : vector<16xi1>, vector<16xi32>
      %get3A_56 = arith.constant 16 : index
      %get3A_57 = tpu.vector_load %arg9[%get3A_56] {strides = array<i32>} : memref<256xf32, #tpu.memory_space<vmem>>, vector<16xf32>,
      %mul3A_58 = arith.constant 5.000000e-01 : f32
      %mul3A_59 = vector.broadcast %mul3A_58 : f32 to vector<16xf32>
      %mul3A_60 = arith.mulf %get3A_57, %mul3A_59 : vector<16xf32>
      %get3A_61 = arith.constant 16 : index
      %get3A_62 = tpu.vector_load %arg8[%get3A_61] {strides = array<i32>} : memref<256xf32, #tpu.memory_space<vmem>>, vector<16xf32>,
      %mul3A_63 = arith.constant 5.000000e-01 : f32
      %mul3A_64 = vector.broadcast %mul3A_63 : f32 to vector<16xf32>
      %mul3A_65 = arith.mulf %get3A_62, %mul3A_64 : vector<16xf32>
      %add3A_66 = arith.addf %mul3A_60, %mul3A_65 : vector<16xf32>
      %mul3A_67 = arith.constant -1.562500e-02 : f32
      %mul3A_68 = vector.broadcast %mul3A_67 : f32 to vector<16xf32>
      %mul3A_69 = arith.mulf %add3A_66, %mul3A_68 : vector<16xf32>
      %exp3A_70 = math.exp %mul3A_69 : vector<16xf32>
      %get3A_71 = arith.constant 16 : index
      %get3A_72 = tpu.vector_load %arg10[%get3A_71] {strides = array<i32>} : memref<256xf32, #tpu.memory_space<vmem>>, vector<16xf32>,
      %mul3A_73 = arith.mulf %exp3A_70, %get3A_72 : vector<16xf32>
      %gt3A_74 = arith.cmpf ogt, %mul3A_73, %select_n3A : vector<16xf32>
      %select_n3A_75 = arith.select %gt3A_74, %mul3A_73, %select_n3A : vector<16xi1>, vector<16xf32>
      %jit3A_76 = arith.constant 1 : i32
      %broadcast_in_dim3A_77 = vector.broadcast %jit3A_76 : i32 to vector<16xi32>
      %select_n3A_78 = arith.select %gt3A_74, %broadcast_in_dim3A_77, %select_n3A_55 : vector<16xi1>, vector<16xi32>
      %get3A_79 = arith.constant 32 : index
      %get3A_80 = tpu.vector_load %arg9[%get3A_79] {strides = array<i32>} : memref<256xf32, #tpu.memory_space<vmem>>, vector<16xf32>,
      %mul3A_81 = arith.constant 5.000000e-01 : f32
      %mul3A_82 = vector.broadcast %mul3A_81 : f32 to vector<16xf32>
      %mul3A_83 = arith.mulf %get3A_80, %mul3A_82 : vector<16xf32>
      %get3A_84 = arith.constant 32 : index
      %get3A_85 = tpu.vector_load %arg8[%get3A_84] {strides = array<i32>} : memref<256xf32, #tpu.memory_space<vmem>>, vector<16xf32>,
      %mul3A_86 = arith.constant 5.000000e-01 : f32
      %mul3A_87 = vector.broadcast %mul3A_86 : f32 to vector<16xf32>
      %mul3A_88 = arith.mulf %get3A_85, %mul3A_87 : vector<16xf32>
      %add3A_89 = arith.addf %mul3A_83, %mul3A_88 : vector<16xf32>
      %mul3A_90 = arith.constant -1.562500e-02 : f32
      %mul3A_91 = vector.broadcast %mul3A_90 : f32 to vector<16xf32>
      %mul3A_92 = arith.mulf %add3A_89, %mul3A_91 : vector<16xf32>
      %exp3A_93 = math.exp %mul3A_92 : vector<16xf32>
      %get3A_94 = arith.constant 32 : index
      %get3A_95 = tpu.vector_load %arg10[%get3A_94] {strides = array<i32>} : memref<256xf32, #tpu.memory_space<vmem>>, vector<16xf32>,
      %mul3A_96 = arith.mulf %exp3A_93, %get3A_95 : vector<16xf32>
      %gt3A_97 = arith.cmpf ogt, %mul3A_96, %select_n3A_75 : vector<16xf32>
      %select_n3A_98 = arith.select %gt3A_97, %mul3A_96, %select_n3A_75 : vector<16xi1>, vector<16xf32>
      %jit3A_99 = arith.constant 2 : i32
      %broadcast_in_dim3A_100 = vector.broadcast %jit3A_99 : i32 to vector<16xi32>
      %select_n3A_101 = arith.select %gt3A_97, %broadcast_in_dim3A_100, %select_n3A_78 : vector<16xi1>, vector<16xi32>
      %get3A_102 = arith.constant 48 : index
      %get3A_103 = tpu.vector_load %arg9[%get3A_102] {strides = array<i32>} : memref<256xf32, #tpu.memory_space<vmem>>, vector<16xf32>,
      %mul3A_104 = arith.constant 5.000000e-01 : f32
      %mul3A_105 = vector.broadcast %mul3A_104 : f32 to vector<16xf32>
      %mul3A_106 = arith.mulf %get3A_103, %mul3A_105 : vector<16xf32>
      %get3A_107 = arith.constant 48 : index
      %get3A_108 = tpu.vector_load %arg8[%get3A_107] {strides = array<i32>} : memref<256xf32, #tpu.memory_space<vmem>>, vector<16xf32>,
      %mul3A_109 = arith.constant 5.000000e-01 : f32
      %mul3A_110 = vector.broadcast %mul3A_109 : f32 to vector<16xf32>
      %mul3A_111 = arith.mulf %get3A_108, %mul3A_110 : vector<16xf32>
      %add3A_112 = arith.addf %mul3A_106, %mul3A_111 : vector<16xf32>
      %mul3A_113 = arith.constant -1.562500e-02 : f32
      %mul3A_114 = vector.broadcast %mul3A_113 : f32 to vector<16xf32>
      %mul3A_115 = arith.mulf %add3A_112, %mul3A_114 : vector<16xf32>
      %exp3A_116 = math.exp %mul3A_115 : vector<16xf32>
      %get3A_117 = arith.constant 48 : index
      %get3A_118 = tpu.vector_load %arg10[%get3A_117] {strides = array<i32>} : memref<256xf32, #tpu.memory_space<vmem>>, vector<16xf32>,
      %mul3A_119 = arith.mulf %exp3A_116, %get3A_118 : vector<16xf32>
      %gt3A_120 = arith.cmpf ogt, %mul3A_119, %select_n3A_98 : vector<16xf32>
      %select_n3A_121 = arith.select %gt3A_120, %mul3A_119, %select_n3A_98 : vector<16xi1>, vector<16xf32>
      %jit3A_122 = arith.constant 3 : i32
      %broadcast_in_dim3A_123 = vector.broadcast %jit3A_122 : i32 to vector<16xi32>
      %select_n3A_124 = arith.select %gt3A_120, %broadcast_in_dim3A_123, %select_n3A_101 : vector<16xi1>, vector<16xi32>
      %get3A_125 = arith.constant 64 : index
      %get3A_126 = tpu.vector_load %arg9[%get3A_125] {strides = array<i32>} : memref<256xf32, #tpu.memory_space<vmem>>, vector<16xf32>,
      %mul3A_127 = arith.constant 5.000000e-01 : f32
      %mul3A_128 = vector.broadcast %mul3A_127 : f32 to vector<16xf32>
      %mul3A_129 = arith.mulf %get3A_126, %mul3A_128 : vector<16xf32>
      %get3A_130 = arith.constant 64 : index
      %get3A_131 = tpu.vector_load %arg8[%get3A_130] {strides = array<i32>} : memref<256xf32, #tpu.memory_space<vmem>>, vector<16xf32>,
      %mul3A_132 = arith.constant 5.000000e-01 : f32
      %mul3A_133 = vector.broadcast %mul3A_132 : f32 to vector<16xf32>
      %mul3A_134 = arith.mulf %get3A_131, %mul3A_133 : vector<16xf32>
      %add3A_135 = arith.addf %mul3A_129, %mul3A_134 : vector<16xf32>
      %mul3A_136 = arith.constant -1.562500e-02 : f32
      %mul3A_137 = vector.broadcast %mul3A_136 : f32 to vector<16xf32>
      %mul3A_138 = arith.mulf %add3A_135, %mul3A_137 : vector<16xf32>
      %exp3A_139 = math.exp %mul3A_138 : vector<16xf32>
      %get3A_140 = arith.constant 64 : index
      %get3A_141 = tpu.vector_load %arg10[%get3A_140] {strides = array<i32>} : memref<256xf32, #tpu.memory_space<vmem>>, vector<16xf32>,
      %mul3A_142 = arith.mulf %exp3A_139, %get3A_141 : vector<16xf32>
      %gt3A_143 = arith.cmpf ogt, %mul3A_142, %select_n3A_121 : vector<16xf32>
      %select_n3A_144 = arith.select %gt3A_143, %mul3A_142, %select_n3A_121 : vector<16xi1>, vector<16xf32>
      %jit3A_145 = arith.constant 4 : i32
      %broadcast_in_dim3A_146 = vector.broadcast %jit3A_145 : i32 to vector<16xi32>
      %select_n3A_147 = arith.select %gt3A_143, %broadcast_in_dim3A_146, %select_n3A_124 : vector<16xi1>, vector<16xi32>
      %get3A_148 = arith.constant 80 : index
      %get3A_149 = tpu.vector_load %arg9[%get3A_148] {strides = array<i32>} : memref<256xf32, #tpu.memory_space<vmem>>, vector<16xf32>,
      %mul3A_150 = arith.constant 5.000000e-01 : f32
      %mul3A_151 = vector.broadcast %mul3A_150 : f32 to vector<16xf32>
      %mul3A_152 = arith.mulf %get3A_149, %mul3A_151 : vector<16xf32>
      %get3A_153 = arith.constant 80 : index
      %get3A_154 = tpu.vector_load %arg8[%get3A_153] {strides = array<i32>} : memref<256xf32, #tpu.memory_space<vmem>>, vector<16xf32>,
      %mul3A_155 = arith.constant 5.000000e-01 : f32
      %mul3A_156 = vector.broadcast %mul3A_155 : f32 to vector<16xf32>
      %mul3A_157 = arith.mulf %get3A_154, %mul3A_156 : vector<16xf32>
      %add3A_158 = arith.addf %mul3A_152, %mul3A_157 : vector<16xf32>
      %mul3A_159 = arith.constant -1.562500e-02 : f32
      %mul3A_160 = vector.broadcast %mul3A_159 : f32 to vector<16xf32>
      %mul3A_161 = arith.mulf %add3A_158, %mul3A_160 : vector<16xf32>
      %exp3A_162 = math.exp %mul3A_161 : vector<16xf32>
      %get3A_163 = arith.constant 80 : index
      %get3A_164 = tpu.vector_load %arg10[%get3A_163] {strides = array<i32>} : memref<256xf32, #tpu.memory_space<vmem>>, vector<16xf32>,
      %mul3A_165 = arith.mulf %exp3A_162, %get3A_164 : vector<16xf32>
      %gt3A_166 = arith.cmpf ogt, %mul3A_165, %select_n3A_144 : vector<16xf32>
      %select_n3A_167 = arith.select %gt3A_166, %mul3A_165, %select_n3A_144 : vector<16xi1>, vector<16xf32>
      %jit3A_168 = arith.constant 5 : i32
      %broadcast_in_dim3A_169 = vector.broadcast %jit3A_168 : i32 to vector<16xi32>
      %select_n3A_170 = arith.select %gt3A_166, %broadcast_in_dim3A_169, %select_n3A_147 : vector<16xi1>, vector<16xi32>
      %get3A_171 = arith.constant 96 : index
      %get3A_172 = tpu.vector_load %arg9[%get3A_171] {strides = array<i32>} : memref<256xf32, #tpu.memory_space<vmem>>, vector<16xf32>,
      %mul3A_173 = arith.constant 5.000000e-01 : f32
      %mul3A_174 = vector.broadcast %mul3A_173 : f32 to vector<16xf32>
      %mul3A_175 = arith.mulf %get3A_172, %mul3A_174 : vector<16xf32>
      %get3A_176 = arith.constant 96 : index
      %get3A_177 = tpu.vector_load %arg8[%get3A_176] {strides = array<i32>} : memref<256xf32, #tpu.memory_space<vmem>>, vector<16xf32>,
      %mul3A_178 = arith.constant 5.000000e-01 : f32
      %mul3A_179 = vector.broadcast %mul3A_178 : f32 to vector<16xf32>
      %mul3A_180 = arith.mulf %get3A_177, %mul3A_179 : vector<16xf32>
      %add3A_181 = arith.addf %mul3A_175, %mul3A_180 : vector<16xf32>
      %mul3A_182 = arith.constant -1.562500e-02 : f32
      %mul3A_183 = vector.broadcast %mul3A_182 : f32 to vector<16xf32>
      %mul3A_184 = arith.mulf %add3A_181, %mul3A_183 : vector<16xf32>
      %exp3A_185 = math.exp %mul3A_184 : vector<16xf32>
      %get3A_186 = arith.constant 96 : index
      %get3A_187 = tpu.vector_load %arg10[%get3A_186] {strides = array<i32>} : memref<256xf32, #tpu.memory_space<vmem>>, vector<16xf32>,
      %mul3A_188 = arith.mulf %exp3A_185, %get3A_187 : vector<16xf32>
      %gt3A_189 = arith.cmpf ogt, %mul3A_188, %select_n3A_167 : vector<16xf32>
      %select_n3A_190 = arith.select %gt3A_189, %mul3A_188, %select_n3A_167 : vector<16xi1>, vector<16xf32>
      %jit3A_191 = arith.constant 6 : i32
      %broadcast_in_dim3A_192 = vector.broadcast %jit3A_191 : i32 to vector<16xi32>
      %select_n3A_193 = arith.select %gt3A_189, %broadcast_in_dim3A_192, %select_n3A_170 : vector<16xi1>, vector<16xi32>
      %get3A_194 = arith.constant 112 : index
      %get3A_195 = tpu.vector_load %arg9[%get3A_194] {strides = array<i32>} : memref<256xf32, #tpu.memory_space<vmem>>, vector<16xf32>,
      %mul3A_196 = arith.constant 5.000000e-01 : f32
      %mul3A_197 = vector.broadcast %mul3A_196 : f32 to vector<16xf32>
      %mul3A_198 = arith.mulf %get3A_195, %mul3A_197 : vector<16xf32>
      %get3A_199 = arith.constant 112 : index
      %get3A_200 = tpu.vector_load %arg8[%get3A_199] {strides = array<i32>} : memref<256xf32, #tpu.memory_space<vmem>>, vector<16xf32>,
      %mul3A_201 = arith.constant 5.000000e-01 : f32
      %mul3A_202 = vector.broadcast %mul3A_201 : f32 to vector<16xf32>
      %mul3A_203 = arith.mulf %get3A_200, %mul3A_202 : vector<16xf32>
      %add3A_204 = arith.addf %mul3A_198, %mul3A_203 : vector<16xf32>
      %mul3A_205 = arith.constant -1.562500e-02 : f32
      %mul3A_206 = vector.broadcast %mul3A_205 : f32 to vector<16xf32>
      %mul3A_207 = arith.mulf %add3A_204, %mul3A_206 : vector<16xf32>
      %exp3A_208 = math.exp %mul3A_207 : vector<16xf32>
      %get3A_209 = arith.constant 112 : index
      %get3A_210 = tpu.vector_load %arg10[%get3A_209] {strides = array<i32>} : memref<256xf32, #tpu.memory_space<vmem>>, vector<16xf32>,
      %mul3A_211 = arith.mulf %exp3A_208, %get3A_210 : vector<16xf32>
      %gt3A_212 = arith.cmpf ogt, %mul3A_211, %select_n3A_190 : vector<16xf32>
      %select_n3A_213 = arith.select %gt3A_212, %mul3A_211, %select_n3A_190 : vector<16xi1>, vector<16xf32>
      %jit3A_214 = arith.constant 7 : i32
      %broadcast_in_dim3A_215 = vector.broadcast %jit3A_214 : i32 to vector<16xi32>
      %select_n3A_216 = arith.select %gt3A_212, %broadcast_in_dim3A_215, %select_n3A_193 : vector<16xi1>, vector<16xi32>
      %get3A_217 = arith.constant 128 : index
      %get3A_218 = tpu.vector_load %arg9[%get3A_217] {strides = array<i32>} : memref<256xf32, #tpu.memory_space<vmem>>, vector<16xf32>,
      %mul3A_219 = arith.constant 5.000000e-01 : f32
      %mul3A_220 = vector.broadcast %mul3A_219 : f32 to vector<16xf32>
      %mul3A_221 = arith.mulf %get3A_218, %mul3A_220 : vector<16xf32>
      %get3A_222 = arith.constant 128 : index
      %get3A_223 = tpu.vector_load %arg8[%get3A_222] {strides = array<i32>} : memref<256xf32, #tpu.memory_space<vmem>>, vector<16xf32>,
      %mul3A_224 = arith.constant 5.000000e-01 : f32
      %mul3A_225 = vector.broadcast %mul3A_224 : f32 to vector<16xf32>
      %mul3A_226 = arith.mulf %get3A_223, %mul3A_225 : vector<16xf32>
      %add3A_227 = arith.addf %mul3A_221, %mul3A_226 : vector<16xf32>
      %mul3A_228 = arith.constant -1.562500e-02 : f32
      %mul3A_229 = vector.broadcast %mul3A_228 : f32 to vector<16xf32>
      %mul3A_230 = arith.mulf %add3A_227, %mul3A_229 : vector<16xf32>
      %exp3A_231 = math.exp %mul3A_230 : vector<16xf32>
      %get3A_232 = arith.constant 128 : index
      %get3A_233 = tpu.vector_load %arg10[%get3A_232] {strides = array<i32>} : memref<256xf32, #tpu.memory_space<vmem>>, vector<16xf32>,
      %mul3A_234 = arith.mulf %exp3A_231, %get3A_233 : vector<16xf32>
      %gt3A_235 = arith.cmpf ogt, %mul3A_234, %select_n3A_213 : vector<16xf32>
      %select_n3A_236 = arith.select %gt3A_235, %mul3A_234, %select_n3A_213 : vector<16xi1>, vector<16xf32>
      %jit3A_237 = arith.constant 8 : i32
      %broadcast_in_dim3A_238 = vector.broadcast %jit3A_237 : i32 to vector<16xi32>
      %select_n3A_239 = arith.select %gt3A_235, %broadcast_in_dim3A_238, %select_n3A_216 : vector<16xi1>, vector<16xi32>
      %get3A_240 = arith.constant 144 : index
      %get3A_241 = tpu.vector_load %arg9[%get3A_240] {strides = array<i32>} : memref<256xf32, #tpu.memory_space<vmem>>, vector<16xf32>,
      %mul3A_242 = arith.constant 5.000000e-01 : f32
      %mul3A_243 = vector.broadcast %mul3A_242 : f32 to vector<16xf32>
      %mul3A_244 = arith.mulf %get3A_241, %mul3A_243 : vector<16xf32>
      %get3A_245 = arith.constant 144 : index
      %get3A_246 = tpu.vector_load %arg8[%get3A_245] {strides = array<i32>} : memref<256xf32, #tpu.memory_space<vmem>>, vector<16xf32>,
      %mul3A_247 = arith.constant 5.000000e-01 : f32
      %mul3A_248 = vector.broadcast %mul3A_247 : f32 to vector<16xf32>
      %mul3A_249 = arith.mulf %get3A_246, %mul3A_248 : vector<16xf32>
      %add3A_250 = arith.addf %mul3A_244, %mul3A_249 : vector<16xf32>
      %mul3A_251 = arith.constant -1.562500e-02 : f32
      %mul3A_252 = vector.broadcast %mul3A_251 : f32 to vector<16xf32>
      %mul3A_253 = arith.mulf %add3A_250, %mul3A_252 : vector<16xf32>
      %exp3A_254 = math.exp %mul3A_253 : vector<16xf32>
      %get3A_255 = arith.constant 144 : index
      %get3A_256 = tpu.vector_load %arg10[%get3A_255] {strides = array<i32>} : memref<256xf32, #tpu.memory_space<vmem>>, vector<16xf32>,
      %mul3A_257 = arith.mulf %exp3A_254, %get3A_256 : vector<16xf32>
      %gt3A_258 = arith.cmpf ogt, %mul3A_257, %select_n3A_236 : vector<16xf32>
      %select_n3A_259 = arith.select %gt3A_258, %mul3A_257, %select_n3A_236 : vector<16xi1>, vector<16xf32>
      %jit3A_260 = arith.constant 9 : i32
      %broadcast_in_dim3A_261 = vector.broadcast %jit3A_260 : i32 to vector<16xi32>
      %select_n3A_262 = arith.select %gt3A_258, %broadcast_in_dim3A_261, %select_n3A_239 : vector<16xi1>, vector<16xi32>
      %get3A_263 = arith.constant 160 : index
      %get3A_264 = tpu.vector_load %arg9[%get3A_263] {strides = array<i32>} : memref<256xf32, #tpu.memory_space<vmem>>, vector<16xf32>,
      %mul3A_265 = arith.constant 5.000000e-01 : f32
      %mul3A_266 = vector.broadcast %mul3A_265 : f32 to vector<16xf32>
      %mul3A_267 = arith.mulf %get3A_264, %mul3A_266 : vector<16xf32>
      %get3A_268 = arith.constant 160 : index
      %get3A_269 = tpu.vector_load %arg8[%get3A_268] {strides = array<i32>} : memref<256xf32, #tpu.memory_space<vmem>>, vector<16xf32>,
      %mul3A_270 = arith.constant 5.000000e-01 : f32
      %mul3A_271 = vector.broadcast %mul3A_270 : f32 to vector<16xf32>
      %mul3A_272 = arith.mulf %get3A_269, %mul3A_271 : vector<16xf32>
      %add3A_273 = arith.addf %mul3A_267, %mul3A_272 : vector<16xf32>
      %mul3A_274 = arith.constant -1.562500e-02 : f32
      %mul3A_275 = vector.broadcast %mul3A_274 : f32 to vector<16xf32>
      %mul3A_276 = arith.mulf %add3A_273, %mul3A_275 : vector<16xf32>
      %exp3A_277 = math.exp %mul3A_276 : vector<16xf32>
      %get3A_278 = arith.constant 160 : index
      %get3A_279 = tpu.vector_load %arg10[%get3A_278] {strides = array<i32>} : memref<256xf32, #tpu.memory_space<vmem>>, vector<16xf32>,
      %mul3A_280 = arith.mulf %exp3A_277, %get3A_279 : vector<16xf32>
      %gt3A_281 = arith.cmpf ogt, %mul3A_280, %select_n3A_259 : vector<16xf32>
      %select_n3A_282 = arith.select %gt3A_281, %mul3A_280, %select_n3A_259 : vector<16xi1>, vector<16xf32>
      %jit3A_283 = arith.constant 10 : i32
      %broadcast_in_dim3A_284 = vector.broadcast %jit3A_283 : i32 to vector<16xi32>
      %select_n3A_285 = arith.select %gt3A_281, %broadcast_in_dim3A_284, %select_n3A_262 : vector<16xi1>, vector<16xi32>
      %get3A_286 = arith.constant 176 : index
      %get3A_287 = tpu.vector_load %arg9[%get3A_286] {strides = array<i32>} : memref<256xf32, #tpu.memory_space<vmem>>, vector<16xf32>,
      %mul3A_288 = arith.constant 5.000000e-01 : f32
      %mul3A_289 = vector.broadcast %mul3A_288 : f32 to vector<16xf32>
      %mul3A_290 = arith.mulf %get3A_287, %mul3A_289 : vector<16xf32>
      %get3A_291 = arith.constant 176 : index
      %get3A_292 = tpu.vector_load %arg8[%get3A_291] {strides = array<i32>} : memref<256xf32, #tpu.memory_space<vmem>>, vector<16xf32>,
      %mul3A_293 = arith.constant 5.000000e-01 : f32
      %mul3A_294 = vector.broadcast %mul3A_293 : f32 to vector<16xf32>
      %mul3A_295 = arith.mulf %get3A_292, %mul3A_294 : vector<16xf32>
      %add3A_296 = arith.addf %mul3A_290, %mul3A_295 : vector<16xf32>
      %mul3A_297 = arith.constant -1.562500e-02 : f32
      %mul3A_298 = vector.broadcast %mul3A_297 : f32 to vector<16xf32>
      %mul3A_299 = arith.mulf %add3A_296, %mul3A_298 : vector<16xf32>
      %exp3A_300 = math.exp %mul3A_299 : vector<16xf32>
      %get3A_301 = arith.constant 176 : index
      %get3A_302 = tpu.vector_load %arg10[%get3A_301] {strides = array<i32>} : memref<256xf32, #tpu.memory_space<vmem>>, vector<16xf32>,
      %mul3A_303 = arith.mulf %exp3A_300, %get3A_302 : vector<16xf32>
      %gt3A_304 = arith.cmpf ogt, %mul3A_303, %select_n3A_282 : vector<16xf32>
      %select_n3A_305 = arith.select %gt3A_304, %mul3A_303, %select_n3A_282 : vector<16xi1>, vector<16xf32>
      %jit3A_306 = arith.constant 11 : i32
      %broadcast_in_dim3A_307 = vector.broadcast %jit3A_306 : i32 to vector<16xi32>
      %select_n3A_308 = arith.select %gt3A_304, %broadcast_in_dim3A_307, %select_n3A_285 : vector<16xi1>, vector<16xi32>
      %get3A_309 = arith.constant 192 : index
      %get3A_310 = tpu.vector_load %arg9[%get3A_309] {strides = array<i32>} : memref<256xf32, #tpu.memory_space<vmem>>, vector<16xf32>,
      %mul3A_311 = arith.constant 5.000000e-01 : f32
      %mul3A_312 = vector.broadcast %mul3A_311 : f32 to vector<16xf32>
      %mul3A_313 = arith.mulf %get3A_310, %mul3A_312 : vector<16xf32>
      %get3A_314 = arith.constant 192 : index
      %get3A_315 = tpu.vector_load %arg8[%get3A_314] {strides = array<i32>} : memref<256xf32, #tpu.memory_space<vmem>>, vector<16xf32>,
      %mul3A_316 = arith.constant 5.000000e-01 : f32
      %mul3A_317 = vector.broadcast %mul3A_316 : f32 to vector<16xf32>
      %mul3A_318 = arith.mulf %get3A_315, %mul3A_317 : vector<16xf32>
      %add3A_319 = arith.addf %mul3A_313, %mul3A_318 : vector<16xf32>
      %mul3A_320 = arith.constant -1.562500e-02 : f32
      %mul3A_321 = vector.broadcast %mul3A_320 : f32 to vector<16xf32>
      %mul3A_322 = arith.mulf %add3A_319, %mul3A_321 : vector<16xf32>
      %exp3A_323 = math.exp %mul3A_322 : vector<16xf32>
      %get3A_324 = arith.constant 192 : index
      %get3A_325 = tpu.vector_load %arg10[%get3A_324] {strides = array<i32>} : memref<256xf32, #tpu.memory_space<vmem>>, vector<16xf32>,
      %mul3A_326 = arith.mulf %exp3A_323, %get3A_325 : vector<16xf32>
      %gt3A_327 = arith.cmpf ogt, %mul3A_326, %select_n3A_305 : vector<16xf32>
      %select_n3A_328 = arith.select %gt3A_327, %mul3A_326, %select_n3A_305 : vector<16xi1>, vector<16xf32>
      %jit3A_329 = arith.constant 12 : i32
      %broadcast_in_dim3A_330 = vector.broadcast %jit3A_329 : i32 to vector<16xi32>
      %select_n3A_331 = arith.select %gt3A_327, %broadcast_in_dim3A_330, %select_n3A_308 : vector<16xi1>, vector<16xi32>
      %get3A_332 = arith.constant 208 : index
      %get3A_333 = tpu.vector_load %arg9[%get3A_332] {strides = array<i32>} : memref<256xf32, #tpu.memory_space<vmem>>, vector<16xf32>,
      %mul3A_334 = arith.constant 5.000000e-01 : f32
      %mul3A_335 = vector.broadcast %mul3A_334 : f32 to vector<16xf32>
      %mul3A_336 = arith.mulf %get3A_333, %mul3A_335 : vector<16xf32>
      %get3A_337 = arith.constant 208 : index
      %get3A_338 = tpu.vector_load %arg8[%get3A_337] {strides = array<i32>} : memref<256xf32, #tpu.memory_space<vmem>>, vector<16xf32>,
      %mul3A_339 = arith.constant 5.000000e-01 : f32
      %mul3A_340 = vector.broadcast %mul3A_339 : f32 to vector<16xf32>
      %mul3A_341 = arith.mulf %get3A_338, %mul3A_340 : vector<16xf32>
      %add3A_342 = arith.addf %mul3A_336, %mul3A_341 : vector<16xf32>
      %mul3A_343 = arith.constant -1.562500e-02 : f32
      %mul3A_344 = vector.broadcast %mul3A_343 : f32 to vector<16xf32>
      %mul3A_345 = arith.mulf %add3A_342, %mul3A_344 : vector<16xf32>
      %exp3A_346 = math.exp %mul3A_345 : vector<16xf32>
      %get3A_347 = arith.constant 208 : index
      %get3A_348 = tpu.vector_load %arg10[%get3A_347] {strides = array<i32>} : memref<256xf32, #tpu.memory_space<vmem>>, vector<16xf32>,
      %mul3A_349 = arith.mulf %exp3A_346, %get3A_348 : vector<16xf32>
      %gt3A_350 = arith.cmpf ogt, %mul3A_349, %select_n3A_328 : vector<16xf32>
      %select_n3A_351 = arith.select %gt3A_350, %mul3A_349, %select_n3A_328 : vector<16xi1>, vector<16xf32>
      %jit3A_352 = arith.constant 13 : i32
      %broadcast_in_dim3A_353 = vector.broadcast %jit3A_352 : i32 to vector<16xi32>
      %select_n3A_354 = arith.select %gt3A_350, %broadcast_in_dim3A_353, %select_n3A_331 : vector<16xi1>, vector<16xi32>
      %get3A_355 = arith.constant 224 : index
      %get3A_356 = tpu.vector_load %arg9[%get3A_355] {strides = array<i32>} : memref<256xf32, #tpu.memory_space<vmem>>, vector<16xf32>,
      %mul3A_357 = arith.constant 5.000000e-01 : f32
      %mul3A_358 = vector.broadcast %mul3A_357 : f32 to vector<16xf32>
      %mul3A_359 = arith.mulf %get3A_356, %mul3A_358 : vector<16xf32>
      %get3A_360 = arith.constant 224 : index
      %get3A_361 = tpu.vector_load %arg8[%get3A_360] {strides = array<i32>} : memref<256xf32, #tpu.memory_space<vmem>>, vector<16xf32>,
      %mul3A_362 = arith.constant 5.000000e-01 : f32
      %mul3A_363 = vector.broadcast %mul3A_362 : f32 to vector<16xf32>
      %mul3A_364 = arith.mulf %get3A_361, %mul3A_363 : vector<16xf32>
      %add3A_365 = arith.addf %mul3A_359, %mul3A_364 : vector<16xf32>
      %mul3A_366 = arith.constant -1.562500e-02 : f32
      %mul3A_367 = vector.broadcast %mul3A_366 : f32 to vector<16xf32>
      %mul3A_368 = arith.mulf %add3A_365, %mul3A_367 : vector<16xf32>
      %exp3A_369 = math.exp %mul3A_368 : vector<16xf32>
      %get3A_370 = arith.constant 224 : index
      %get3A_371 = tpu.vector_load %arg10[%get3A_370] {strides = array<i32>} : memref<256xf32, #tpu.memory_space<vmem>>, vector<16xf32>,
      %mul3A_372 = arith.mulf %exp3A_369, %get3A_371 : vector<16xf32>
      %gt3A_373 = arith.cmpf ogt, %mul3A_372, %select_n3A_351 : vector<16xf32>
      %select_n3A_374 = arith.select %gt3A_373, %mul3A_372, %select_n3A_351 : vector<16xi1>, vector<16xf32>
      %jit3A_375 = arith.constant 14 : i32
      %broadcast_in_dim3A_376 = vector.broadcast %jit3A_375 : i32 to vector<16xi32>
      %select_n3A_377 = arith.select %gt3A_373, %broadcast_in_dim3A_376, %select_n3A_354 : vector<16xi1>, vector<16xi32>
      %get3A_378 = arith.constant 240 : index
      %get3A_379 = tpu.vector_load %arg9[%get3A_378] {strides = array<i32>} : memref<256xf32, #tpu.memory_space<vmem>>, vector<16xf32>,
      %mul3A_380 = arith.constant 5.000000e-01 : f32
      %mul3A_381 = vector.broadcast %mul3A_380 : f32 to vector<16xf32>
      %mul3A_382 = arith.mulf %get3A_379, %mul3A_381 : vector<16xf32>
      %get3A_383 = arith.constant 240 : index
      %get3A_384 = tpu.vector_load %arg8[%get3A_383] {strides = array<i32>} : memref<256xf32, #tpu.memory_space<vmem>>, vector<16xf32>,
      %mul3A_385 = arith.constant 5.000000e-01 : f32
      %mul3A_386 = vector.broadcast %mul3A_385 : f32 to vector<16xf32>
      %mul3A_387 = arith.mulf %get3A_384, %mul3A_386 : vector<16xf32>
      %add3A_388 = arith.addf %mul3A_382, %mul3A_387 : vector<16xf32>
      %mul3A_389 = arith.constant -1.562500e-02 : f32
      %mul3A_390 = vector.broadcast %mul3A_389 : f32 to vector<16xf32>
      %mul3A_391 = arith.mulf %add3A_388, %mul3A_390 : vector<16xf32>
      %exp3A_392 = math.exp %mul3A_391 : vector<16xf32>
      %get3A_393 = arith.constant 240 : index
      %get3A_394 = tpu.vector_load %arg10[%get3A_393] {strides = array<i32>} : memref<256xf32, #tpu.memory_space<vmem>>, vector<16xf32>,
      %mul3A_395 = arith.mulf %exp3A_392, %get3A_394 : vector<16xf32>
      %gt3A_396 = arith.cmpf ogt, %mul3A_395, %select_n3A_374 : vector<16xf32>
      %select_n3A_397 = arith.select %gt3A_396, %mul3A_395, %select_n3A_374 : vector<16xi1>, vector<16xf32>
      %jit3A_398 = arith.constant 15 : i32
      %broadcast_in_dim3A_399 = vector.broadcast %jit3A_398 : i32 to vector<16xi32>
      %select_n3A_400 = arith.select %gt3A_396, %broadcast_in_dim3A_399, %select_n3A_377 : vector<16xi1>, vector<16xi32>
      %reduce_max3A = arith.constant true
      %reduce_max3A_401 = vector.broadcast %reduce_max3A : i1 to vector<16xi1>
      %reduce_max3A_402 = tpu.scan <max>, %select_n3A_397 masked %reduce_max3A_401 : vector<16xf32>, vector<16xi1> -> vector<16xf32>
      %reduce_max3A_403 = vector.extract %reduce_max3A_402[15] : f32 from vector<16xf32>
      %eq3A_404 = vector.broadcast %reduce_max3A_403 : f32 to vector<16xf32>
      %eq3A_405 = arith.cmpf oeq, %select_n3A_397, %eq3A_404 : vector<16xf32>
      %mul3A_406 = arith.constant 16 : i32
      %mul3A_407 = vector.broadcast %mul3A_406 : i32 to vector<16xi32>
      %mul3A_408 = arith.muli %select_n3A_400, %mul3A_407 : vector<16xi32>
      %add3A_409 = arith.addi %mul3A_408, %iota3A : vector<16xi32>
      %jit3A_410 = arith.constant 256 : i32
      %broadcast_in_dim3A_411 = vector.broadcast %jit3A_410 : i32 to vector<16xi32>
      %select_n3A_412 = arith.select %eq3A_405, %add3A_409, %broadcast_in_dim3A_411 : vector<16xi1>, vector<16xi32>
      %reduce_min3A = arith.constant true
      %reduce_min3A_413 = vector.broadcast %reduce_min3A : i1 to vector<16xi1>
      %reduce_min3A_414 = arith.constant -2147483648 : i32
      %reduce_min3A_415 = vector.broadcast %reduce_min3A_414 : i32 to vector<16xi32>
      %reduce_min3A_416 = arith.xori %select_n3A_412, %reduce_min3A_415 : vector<16xi32>
      %reduce_min3A_417 = tpu.scan <min>, %reduce_min3A_416 masked %reduce_min3A_413 : vector<16xi32>, vector<16xi1> -> vector<16xi32>
      %reduce_min3A_418 = arith.xori %reduce_min3A_417, %reduce_min3A_415 : vector<16xi32>
      %reduce_min3A_419 = vector.extract %reduce_min3A_418[15] : i32 from vector<16xi32>
      %dma_start3A_420 = arith.constant 0 : i32
      %dma_start3A_421 = arith.constant 0 : i32
      %dma_start3A_422 = tpu.memref_slice %arg3[%dma_start3A_420, %arg1, %dma_start3A_421] : memref<4096x16x256xf32, #tpu.memory_space<hbm>> -> memref<1x1x256xf32, #tpu.memory_space<hbm>>
      %dma_start3A_423 = tpu.memref_squeeze %dma_start3A_422 : memref<1x1x256xf32, #tpu.memory_space<hbm>> -> memref<256xf32, #tpu.memory_space<hbm>>
      %dma_start3A_424 = arith.constant 0 : i32
      %dma_start3A_425 = tpu.memref_slice %arg3[%dma_start3A_420, %arg1, %dma_start3A_424] : memref<4096x16x256xf32, #tpu.memory_space<hbm>> -> memref<1x1x256xf32, #tpu.memory_space<hbm>>
      %dma_start3A_426 = tpu.memref_squeeze %dma_start3A_425 : memref<1x1x256xf32, #tpu.memory_space<hbm>> -> memref<256xf32, #tpu.memory_space<hbm>>
      tpu.enqueue_dma source(%dma_start3A_426 : memref<256xf32, #tpu.memory_space<hbm>>) target(%arg15 : memref<256xf32, #tpu.memory_space<vmem>>) target_semaphore(%arg25 : memref<!tpu.dma_semaphore, #tpu.memory_space<semaphore_mem>>)
      %dma_start3A_427 = arith.constant 0 : i32
      %dma_start3A_428 = arith.constant 0 : i32
      %dma_start3A_429 = tpu.memref_slice %arg4[%dma_start3A_427, %arg1, %dma_start3A_428] : memref<4096x16x256xf32, #tpu.memory_space<hbm>> -> memref<1x1x256xf32, #tpu.memory_space<hbm>>
      %dma_start3A_430 = tpu.memref_squeeze %dma_start3A_429 : memref<1x1x256xf32, #tpu.memory_space<hbm>> -> memref<256xf32, #tpu.memory_space<hbm>>
      %dma_start3A_431 = arith.constant 0 : i32
      %dma_start3A_432 = tpu.memref_slice %arg4[%dma_start3A_427, %arg1, %dma_start3A_431] : memref<4096x16x256xf32, #tpu.memory_space<hbm>> -> memref<1x1x256xf32, #tpu.memory_space<hbm>>
      %dma_start3A_433 = tpu.memref_squeeze %dma_start3A_432 : memref<1x1x256xf32, #tpu.memory_space<hbm>> -> memref<256xf32, #tpu.memory_space<hbm>>
      tpu.enqueue_dma source(%dma_start3A_433 : memref<256xf32, #tpu.memory_space<hbm>>) target(%arg16 : memref<256xf32, #tpu.memory_space<vmem>>) target_semaphore(%arg25 : memref<!tpu.dma_semaphore, #tpu.memory_space<semaphore_mem>>)
      %scan3A_434 = arith.constant -1 : i32
      %scan3A_435 = arith.constant 1 : i32
      %scan3A_436 = arith.constant 0 : i32
      %scan3A_437 = arith.constant 204 : i32
      %scan3A_438 = arith.addi %scan3A_436, %scan3A_437 : i32
      %scan3A_439 = arith.constant 1 : i32
      %scan3A_440:4 = scf.for %scan3A_461 = %scan3A_436 to %scan3A_438 step %scan3A_439 iter_args(%scan3A_462 = %reduce_max3A_403, %scan3A_463 = %reduce_min3A_419, %scan3A_464 = %scan3A_434, %scan3A_465 = %scan3A_435) -> (f32, i32, i32, i32)  : i32 {
        %shift_right_arithmetic3A = arith.constant 4 : i32
        %shift_right_arithmetic3A_466 = arith.shrsi %scan3A_463, %shift_right_arithmetic3A : i32
        %shift_left3A = arith.constant 4 : i32
        %shift_left3A_467 = arith.shli %shift_right_arithmetic3A_466, %shift_left3A : i32
        %get3A_468 = arith.index_cast %shift_left3A_467 : i32 to index
        %get3A_469 = tpu.vector_load %arg9[%get3A_468] {strides = array<i32>} : memref<256xf32, #tpu.memory_space<vmem>>, vector<16xf32>,
        %and3A = arith.constant 15 : i32
        %and3A_470 = arith.andi %scan3A_463, %and3A : i32
        %eq3A_471 = vector.broadcast %and3A_470 : i32 to vector<16xi32>
        %eq3A_472 = arith.cmpi eq, %iota3A, %eq3A_471 : vector<16xi32>
        %jit3A_473 = arith.constant 0.000000e+00 : f32
        %broadcast_in_dim3A_474 = vector.broadcast %jit3A_473 : f32 to vector<16xf32>
        %select_n3A_475 = arith.select %eq3A_472, %get3A_469, %broadcast_in_dim3A_474 : vector<16xi1>, vector<16xf32>
        %reduce_sum3A = arith.constant true
        %reduce_sum3A_476 = vector.broadcast %reduce_sum3A : i1 to vector<16xi1>
        %reduce_sum3A_477 = tpu.scan <sum>, %select_n3A_475 masked %reduce_sum3A_476 : vector<16xf32>, vector<16xi1> -> vector<16xf32>
        %reduce_sum3A_478 = vector.extract %reduce_sum3A_477[15] : f32 from vector<16xf32>
        %eq3A_479 = arith.constant 0 : i32
        %eq3A_480 = vector.broadcast %eq3A_479 : i32 to vector<16xi32>
        %eq3A_481 = arith.cmpi eq, %iota3A, %eq3A_480 : vector<16xi32>
        %jit3A_482 = arith.constant 0.000000e+00 : f32
        %broadcast_in_dim3A_483 = vector.broadcast %scan3A_462 : f32 to vector<16xf32>
        %broadcast_in_dim3A_484 = vector.broadcast %jit3A_482 : f32 to vector<16xf32>
        %select_n3A_485 = arith.select %eq3A_481, %broadcast_in_dim3A_483, %broadcast_in_dim3A_484 : vector<16xi1>, vector<16xf32>
        %eq3A_486 = arith.constant 1 : i32
        %eq3A_487 = vector.broadcast %eq3A_486 : i32 to vector<16xi32>
        %eq3A_488 = arith.cmpi eq, %iota3A, %eq3A_487 : vector<16xi32>
        %add3A_489 = arith.addi %mul3A_2, %scan3A_463 : i32
        %convert_element_type3A_490 = arith.sitofp %add3A_489 : i32 to f32
        %broadcast_in_dim3A_491 = vector.broadcast %convert_element_type3A_490 : f32 to vector<16xf32>
        %select_n3A_492 = arith.select %eq3A_488, %broadcast_in_dim3A_491, %select_n3A_485 : vector<16xi1>, vector<16xf32>
        %eq3A_493 = arith.constant 2 : i32
        %eq3A_494 = vector.broadcast %eq3A_493 : i32 to vector<16xi32>
        %eq3A_495 = arith.cmpi eq, %iota3A, %eq3A_494 : vector<16xi32>
        %broadcast_in_dim3A_496 = vector.broadcast %reduce_sum3A_478 : f32 to vector<16xf32>
        %select_n3A_497 = arith.select %eq3A_495, %broadcast_in_dim3A_496, %select_n3A_492 : vector<16xi1>, vector<16xf32>
        %swap3A = arith.constant 0 : index
        %swap3A_498 = tpu.vector_load %arg18[%swap3A] {strides = array<i32>} : memref<16xf32, #tpu.memory_space<vmem>>, vector<16xf32>,
        tpu.vector_store %arg18[%swap3A], %select_n3A_497 {strides = array<i32>} : memref<16xf32, #tpu.memory_space<vmem>>, vector<16xf32>,
        %and3A_499 = arith.constant 1 : i32
        %and3A_500 = arith.andi %scan3A_461, %and3A_499 : i32
        "tpu.region"() ({
          %run_scoped3A = tpu.sem_alloc : memref<!tpu.dma_semaphore, #tpu.memory_space<semaphore_mem>>
          %dma_start3A_2368 = arith.constant 0 : i32
          %dma_start3A_2369 = tpu.memref_slice %arg22[%and3A_500, %arg1, %dma_start3A_2368] : memref<2x16x16xf32, #tpu.memory_space<vmem_shared>> -> memref<1x1x16xf32, #tpu.memory_space<vmem_shared>>
          %dma_start3A_2370 = tpu.memref_squeeze %dma_start3A_2369 : memref<1x1x16xf32, #tpu.memory_space<vmem_shared>> -> memref<16xf32, #tpu.memory_space<vmem_shared>>
          %dma_start3A_2371 = arith.constant 0 : i32
          %dma_start3A_2372 = tpu.memref_slice %arg22[%and3A_500, %arg1, %dma_start3A_2371] : memref<2x16x16xf32, #tpu.memory_space<vmem_shared>> -> memref<1x1x16xf32, #tpu.memory_space<vmem_shared>>
          %dma_start3A_2373 = tpu.memref_squeeze %dma_start3A_2372 : memref<1x1x16xf32, #tpu.memory_space<vmem_shared>> -> memref<16xf32, #tpu.memory_space<vmem_shared>>
          tpu.enqueue_dma source(%arg18 : memref<16xf32, #tpu.memory_space<vmem>>) target(%dma_start3A_2373 : memref<16xf32, #tpu.memory_space<vmem_shared>>) target_semaphore(%run_scoped3A : memref<!tpu.dma_semaphore, #tpu.memory_space<semaphore_mem>>)
          %dma_wait3A_2374 = arith.constant 0 : i32
          %dma_wait3A_2375 = tpu.memref_slice %arg22[%and3A_500, %arg1, %dma_wait3A_2374] : memref<2x16x16xf32, #tpu.memory_space<vmem_shared>> -> memref<1x1x16xf32, #tpu.memory_space<vmem_shared>>
          %dma_wait3A_2376 = tpu.memref_squeeze %dma_wait3A_2375 : memref<1x1x16xf32, #tpu.memory_space<vmem_shared>> -> memref<16xf32, #tpu.memory_space<vmem_shared>>
          %dma_wait3A_2377 = arith.constant 0 : i32
          %dma_wait3A_2378 = tpu.memref_slice %arg22[%and3A_500, %arg1, %dma_wait3A_2377] : memref<2x16x16xf32, #tpu.memory_space<vmem_shared>> -> memref<1x1x16xf32, #tpu.memory_space<vmem_shared>>
          %dma_wait3A_2379 = tpu.memref_squeeze %dma_wait3A_2378 : memref<1x1x16xf32, #tpu.memory_space<vmem_shared>> -> memref<16xf32, #tpu.memory_space<vmem_shared>>
          tpu.wait_dma2 semaphore(%run_scoped3A : memref<!tpu.dma_semaphore, #tpu.memory_space<semaphore_mem>>) src(%arg18 : memref<16xf32, #tpu.memory_space<vmem>>) dst(%dma_wait3A_2379 : memref<16xf32, #tpu.memory_space<vmem_shared>>)
          tpu.yield
        }) : () -> ()
        %barrier3A_501 = arith.constant 0 : index
        tpu.barrier barrier_id(%barrier3A_501)
        "tpu.region"() ({
          %run_scoped3A = tpu.sem_alloc : memref<!tpu.dma_semaphore, #tpu.memory_space<semaphore_mem>>
          %dma_start3A_2368 = arith.constant 0 : i32
          %dma_start3A_2369 = arith.constant 0 : i32
          %dma_start3A_2370 = tpu.memref_slice %arg22[%and3A_500, %dma_start3A_2368, %dma_start3A_2369] : memref<2x16x16xf32, #tpu.memory_space<vmem_shared>> -> memref<1x16x16xf32, #tpu.memory_space<vmem_shared>>
          %dma_start3A_2371 = tpu.memref_squeeze %dma_start3A_2370 : memref<1x16x16xf32, #tpu.memory_space<vmem_shared>> -> memref<16x16xf32, #tpu.memory_space<vmem_shared>>
          %dma_start3A_2372 = arith.constant 0 : i32
          %dma_start3A_2373 = arith.constant 0 : i32
          %dma_start3A_2374 = tpu.memref_slice %arg22[%and3A_500, %dma_start3A_2372, %dma_start3A_2373] : memref<2x16x16xf32, #tpu.memory_space<vmem_shared>> -> memref<1x16x16xf32, #tpu.memory_space<vmem_shared>>
          %dma_start3A_2375 = tpu.memref_squeeze %dma_start3A_2374 : memref<1x16x16xf32, #tpu.memory_space<vmem_shared>> -> memref<16x16xf32, #tpu.memory_space<vmem_shared>>
          tpu.enqueue_dma source(%dma_start3A_2375 : memref<16x16xf32, #tpu.memory_space<vmem_shared>>) target(%arg19 : memref<16x16xf32, #tpu.memory_space<vmem>>) target_semaphore(%run_scoped3A : memref<!tpu.dma_semaphore, #tpu.memory_space<semaphore_mem>>)
          %dma_wait3A_2376 = arith.constant 0 : i32
          %dma_wait3A_2377 = arith.constant 0 : i32
          %dma_wait3A_2378 = tpu.memref_slice %arg22[%and3A_500, %dma_wait3A_2376, %dma_wait3A_2377] : memref<2x16x16xf32, #tpu.memory_space<vmem_shared>> -> memref<1x16x16xf32, #tpu.memory_space<vmem_shared>>
          %dma_wait3A_2379 = tpu.memref_squeeze %dma_wait3A_2378 : memref<1x16x16xf32, #tpu.memory_space<vmem_shared>> -> memref<16x16xf32, #tpu.memory_space<vmem_shared>>
          %dma_wait3A_2380 = arith.constant 0 : i32
          %dma_wait3A_2381 = arith.constant 0 : i32
          %dma_wait3A_2382 = tpu.memref_slice %arg22[%and3A_500, %dma_wait3A_2380, %dma_wait3A_2381] : memref<2x16x16xf32, #tpu.memory_space<vmem_shared>> -> memref<1x16x16xf32, #tpu.memory_space<vmem_shared>>
          %dma_wait3A_2383 = tpu.memref_squeeze %dma_wait3A_2382 : memref<1x16x16xf32, #tpu.memory_space<vmem_shared>> -> memref<16x16xf32, #tpu.memory_space<vmem_shared>>
          tpu.wait_dma2 semaphore(%run_scoped3A : memref<!tpu.dma_semaphore, #tpu.memory_space<semaphore_mem>>) src(%dma_wait3A_2383 : memref<16x16xf32, #tpu.memory_space<vmem_shared>>) dst(%arg19 : memref<16x16xf32, #tpu.memory_space<vmem>>)
          tpu.yield
        }) : () -> ()
        %broadcast_in_dim3A_502 = arith.constant 0 : i32
        %broadcast_in_dim3A_503 = vector.broadcast %broadcast_in_dim3A_502 : i32 to vector<16xi32>
        %gather3A = tpu.vector_load_idx %arg19[%iota3A, %broadcast_in_dim3A_503] : memref<16x16xf32, #tpu.memory_space<vmem>>[vector<16xi32>, vector<16xi32>], vector<16xf32>,
        %reduce_max3A_504 = arith.constant true
        %reduce_max3A_505 = vector.broadcast %reduce_max3A_504 : i1 to vector<16xi1>
        %reduce_max3A_506 = tpu.scan <max>, %gather3A masked %reduce_max3A_505 : vector<16xf32>, vector<16xi1> -> vector<16xf32>
        %reduce_max3A_507 = vector.extract %reduce_max3A_506[15] : f32 from vector<16xf32>
        %eq3A_508 = vector.broadcast %reduce_max3A_507 : f32 to vector<16xf32>
        %eq3A_509 = arith.cmpf oeq, %gather3A, %eq3A_508 : vector<16xf32>
        %all_reduce_ffs3A = tpu.all_reduce %eq3A_509 {dim = 0 : i64, kind = #tpu.reduction_kind<find_first_set>} : vector<16xi1> -> vector<16xi32>
        %reduce_max3A_510 = arith.constant true
        %reduce_max3A_511 = vector.broadcast %reduce_max3A_510 : i1 to vector<16xi1>
        %reduce_max3A_512 = arith.constant -2147483648 : i32
        %reduce_max3A_513 = vector.broadcast %reduce_max3A_512 : i32 to vector<16xi32>
        %reduce_max3A_514 = arith.xori %all_reduce_ffs3A, %reduce_max3A_513 : vector<16xi32>
        %reduce_max3A_515 = tpu.scan <max>, %reduce_max3A_514 masked %reduce_max3A_511 : vector<16xi32>, vector<16xi1> -> vector<16xi32>
        %reduce_max3A_516 = arith.xori %reduce_max3A_515, %reduce_max3A_513 : vector<16xi32>
        %reduce_max3A_517 = vector.extract %reduce_max3A_516[15] : i32 from vector<16xi32>
        %get3A_518 = arith.index_cast %reduce_max3A_517 : i32 to index
        %get3A_519 = arith.constant 0 : index
        %get3A_520 = tpu.vector_load %arg19[%get3A_518, %get3A_519] {strides = array<i32>} : memref<16x16xf32, #tpu.memory_space<vmem>>, vector<16xf32>,
        %slice3A_521 = vector.extract_strided_slice %get3A_520 {offsets = [1], sizes = [1], strides = [1]} : vector<16xf32> to vector<1xf32>
        %squeeze3A_522 = vector.extract %slice3A_521[0] : f32 from vector<1xf32>
        %convert_element_type3A_523 = arith.fptosi %squeeze3A_522 : f32 to i32
        %slice3A_524 = vector.extract_strided_slice %get3A_520 {offsets = [2], sizes = [1], strides = [1]} : vector<16xf32> to vector<1xf32>
        %squeeze3A_525 = vector.extract %slice3A_524[0] : f32 from vector<1xf32>
        %convert_element_type3A_526 = arith.sitofp %convert_element_type3A_523 : i32 to f32
        %eq3A_527 = vector.broadcast %reduce_max3A_517 : i32 to vector<16xi32>
        %eq3A_528 = arith.cmpi eq, %iota3A, %eq3A_527 : vector<16xi32>
        %jit3A_529 = arith.constant -1.000000e+00 : f32
        %broadcast_in_dim3A_530 = vector.broadcast %jit3A_529 : f32 to vector<16xf32>
        %select_n3A_531 = arith.select %eq3A_528, %broadcast_in_dim3A_530, %gather3A : vector<16xi1>, vector<16xf32>
        %reduce_max3A_532 = arith.constant true
        %reduce_max3A_533 = vector.broadcast %reduce_max3A_532 : i1 to vector<16xi1>
        %reduce_max3A_534 = tpu.scan <max>, %select_n3A_531 masked %reduce_max3A_533 : vector<16xf32>, vector<16xi1> -> vector<16xf32>
        %reduce_max3A_535 = vector.extract %reduce_max3A_534[15] : f32 from vector<16xf32>
        %eq3A_536 = vector.broadcast %reduce_max3A_535 : f32 to vector<16xf32>
        %eq3A_537 = arith.cmpf oeq, %select_n3A_531, %eq3A_536 : vector<16xf32>
        %all_reduce_ffs3A_538 = tpu.all_reduce %eq3A_537 {dim = 0 : i64, kind = #tpu.reduction_kind<find_first_set>} : vector<16xi1> -> vector<16xi32>
        %reduce_max3A_539 = arith.constant true
        %reduce_max3A_540 = vector.broadcast %reduce_max3A_539 : i1 to vector<16xi1>
        %reduce_max3A_541 = arith.constant -2147483648 : i32
        %reduce_max3A_542 = vector.broadcast %reduce_max3A_541 : i32 to vector<16xi32>
        %reduce_max3A_543 = arith.xori %all_reduce_ffs3A_538, %reduce_max3A_542 : vector<16xi32>
        %reduce_max3A_544 = tpu.scan <max>, %reduce_max3A_543 masked %reduce_max3A_540 : vector<16xi32>, vector<16xi1> -> vector<16xi32>
        %reduce_max3A_545 = arith.xori %reduce_max3A_544, %reduce_max3A_542 : vector<16xi32>
        %reduce_max3A_546 = vector.extract %reduce_max3A_545[15] : i32 from vector<16xi32>
        %get3A_547 = arith.index_cast %reduce_max3A_546 : i32 to index
        %get3A_548 = arith.constant 0 : index
        %get3A_549 = tpu.vector_load %arg19[%get3A_547, %get3A_548] {strides = array<i32>} : memref<16x16xf32, #tpu.memory_space<vmem>>, vector<16xf32>,
        %slice3A_550 = vector.extract_strided_slice %get3A_549 {offsets = [1], sizes = [1], strides = [1]} : vector<16xf32> to vector<1xf32>
        %squeeze3A_551 = vector.extract %slice3A_550[0] : f32 from vector<1xf32>
        %convert_element_type3A_552 = arith.fptosi %squeeze3A_551 : f32 to i32
        %dma_wait3A_553 = arith.constant 0 : i32
        %dma_wait3A_554 = arith.constant 0 : i32
        %dma_wait3A_555 = tpu.memref_slice %arg3[%dma_wait3A_553, %arg1, %dma_wait3A_554] : memref<4096x16x256xf32, #tpu.memory_space<hbm>> -> memref<1x1x256xf32, #tpu.memory_space<hbm>>
        %dma_wait3A_556 = tpu.memref_squeeze %dma_wait3A_555 : memref<1x1x256xf32, #tpu.memory_space<hbm>> -> memref<256xf32, #tpu.memory_space<hbm>>
        %dma_wait3A_557 = arith.constant 0 : i32
        %dma_wait3A_558 = tpu.memref_slice %arg3[%dma_wait3A_553, %arg1, %dma_wait3A_557] : memref<4096x16x256xf32, #tpu.memory_space<hbm>> -> memref<1x1x256xf32, #tpu.memory_space<hbm>>
        %dma_wait3A_559 = tpu.memref_squeeze %dma_wait3A_558 : memref<1x1x256xf32, #tpu.memory_space<hbm>> -> memref<256xf32, #tpu.memory_space<hbm>>
        tpu.wait_dma2 semaphore(%arg25 : memref<!tpu.dma_semaphore, #tpu.memory_space<semaphore_mem>>) src(%dma_wait3A_559 : memref<256xf32, #tpu.memory_space<hbm>>) dst(%arg15 : memref<256xf32, #tpu.memory_space<vmem>>)
        %dma_wait3A_560 = arith.constant 0 : i32
        %dma_wait3A_561 = arith.constant 0 : i32
        %dma_wait3A_562 = tpu.memref_slice %arg4[%dma_wait3A_560, %arg1, %dma_wait3A_561] : memref<4096x16x256xf32, #tpu.memory_space<hbm>> -> memref<1x1x256xf32, #tpu.memory_space<hbm>>
        %dma_wait3A_563 = tpu.memref_squeeze %dma_wait3A_562 : memref<1x1x256xf32, #tpu.memory_space<hbm>> -> memref<256xf32, #tpu.memory_space<hbm>>
        %dma_wait3A_564 = arith.constant 0 : i32
        %dma_wait3A_565 = tpu.memref_slice %arg4[%dma_wait3A_560, %arg1, %dma_wait3A_564] : memref<4096x16x256xf32, #tpu.memory_space<hbm>> -> memref<1x1x256xf32, #tpu.memory_space<hbm>>
        %dma_wait3A_566 = tpu.memref_squeeze %dma_wait3A_565 : memref<1x1x256xf32, #tpu.memory_space<hbm>> -> memref<256xf32, #tpu.memory_space<hbm>>
        tpu.wait_dma2 semaphore(%arg25 : memref<!tpu.dma_semaphore, #tpu.memory_space<semaphore_mem>>) src(%dma_wait3A_566 : memref<256xf32, #tpu.memory_space<hbm>>) dst(%arg16 : memref<256xf32, #tpu.memory_space<vmem>>)
        %ne3A = arith.cmpi ne, %convert_element_type3A_523, %scan3A_464 : i32
        %eq3A_567 = arith.constant 0 : i32
        %eq3A_568 = arith.cmpi eq, %scan3A_465, %eq3A_567 : i32
        %and3A_569 = arith.andi %ne3A, %eq3A_568 : i1
        %convert_element_type3A_570 = arith.extui %and3A_569 : i1 to i32
        %cond3A_571 = arith.constant 0 : i32
        %cond3A_572 = arith.cmpi ne, %convert_element_type3A_570, %cond3A_571 : i32
        scf.if %cond3A_572 {
          %dma_start3A_2368 = arith.constant 0 : i32
          %dma_start3A_2369 = tpu.memref_slice %arg3[%convert_element_type3A_523, %arg1, %dma_start3A_2368] : memref<4096x16x256xf32, #tpu.memory_space<hbm>> -> memref<1x1x256xf32, #tpu.memory_space<hbm>>
          %dma_start3A_2370 = tpu.memref_squeeze %dma_start3A_2369 : memref<1x1x256xf32, #tpu.memory_space<hbm>> -> memref<256xf32, #tpu.memory_space<hbm>>
          %dma_start3A_2371 = arith.constant 0 : i32
          %dma_start3A_2372 = tpu.memref_slice %arg3[%convert_element_type3A_523, %arg1, %dma_start3A_2371] : memref<4096x16x256xf32, #tpu.memory_space<hbm>> -> memref<1x1x256xf32, #tpu.memory_space<hbm>>
          %dma_start3A_2373 = tpu.memref_squeeze %dma_start3A_2372 : memref<1x1x256xf32, #tpu.memory_space<hbm>> -> memref<256xf32, #tpu.memory_space<hbm>>
          tpu.enqueue_dma source(%dma_start3A_2373 : memref<256xf32, #tpu.memory_space<hbm>>) target(%arg13 : memref<256xf32, #tpu.memory_space<vmem>>) target_semaphore(%arg24 : memref<!tpu.dma_semaphore, #tpu.memory_space<semaphore_mem>>)
          %dma_start3A_2374 = arith.constant 0 : i32
          %dma_start3A_2375 = tpu.memref_slice %arg4[%convert_element_type3A_523, %arg1, %dma_start3A_2374] : memref<4096x16x256xf32, #tpu.memory_space<hbm>> -> memref<1x1x256xf32, #tpu.memory_space<hbm>>
          %dma_start3A_2376 = tpu.memref_squeeze %dma_start3A_2375 : memref<1x1x256xf32, #tpu.memory_space<hbm>> -> memref<256xf32, #tpu.memory_space<hbm>>
          %dma_start3A_2377 = arith.constant 0 : i32
          %dma_start3A_2378 = tpu.memref_slice %arg4[%convert_element_type3A_523, %arg1, %dma_start3A_2377] : memref<4096x16x256xf32, #tpu.memory_space<hbm>> -> memref<1x1x256xf32, #tpu.memory_space<hbm>>
          %dma_start3A_2379 = tpu.memref_squeeze %dma_start3A_2378 : memref<1x1x256xf32, #tpu.memory_space<hbm>> -> memref<256xf32, #tpu.memory_space<hbm>>
          tpu.enqueue_dma source(%dma_start3A_2379 : memref<256xf32, #tpu.memory_space<hbm>>) target(%arg14 : memref<256xf32, #tpu.memory_space<vmem>>) target_semaphore(%arg24 : memref<!tpu.dma_semaphore, #tpu.memory_space<semaphore_mem>>)
        } else {
        }
        %eq3A_573 = arith.constant 1 : i32
        %eq3A_574 = arith.cmpi eq, %scan3A_465, %eq3A_573 : i32
        %and3A_575 = arith.andi %ne3A, %eq3A_574 : i1
        %convert_element_type3A_576 = arith.extui %and3A_575 : i1 to i32
        %cond3A_577 = arith.constant 0 : i32
        %cond3A_578 = arith.cmpi ne, %convert_element_type3A_576, %cond3A_577 : i32
        scf.if %cond3A_578 {
          %dma_start3A_2368 = arith.constant 0 : i32
          %dma_start3A_2369 = tpu.memref_slice %arg3[%convert_element_type3A_523, %arg1, %dma_start3A_2368] : memref<4096x16x256xf32, #tpu.memory_space<hbm>> -> memref<1x1x256xf32, #tpu.memory_space<hbm>>
          %dma_start3A_2370 = tpu.memref_squeeze %dma_start3A_2369 : memref<1x1x256xf32, #tpu.memory_space<hbm>> -> memref<256xf32, #tpu.memory_space<hbm>>
          %dma_start3A_2371 = arith.constant 0 : i32
          %dma_start3A_2372 = tpu.memref_slice %arg3[%convert_element_type3A_523, %arg1, %dma_start3A_2371] : memref<4096x16x256xf32, #tpu.memory_space<hbm>> -> memref<1x1x256xf32, #tpu.memory_space<hbm>>
          %dma_start3A_2373 = tpu.memref_squeeze %dma_start3A_2372 : memref<1x1x256xf32, #tpu.memory_space<hbm>> -> memref<256xf32, #tpu.memory_space<hbm>>
          tpu.enqueue_dma source(%dma_start3A_2373 : memref<256xf32, #tpu.memory_space<hbm>>) target(%arg15 : memref<256xf32, #tpu.memory_space<vmem>>) target_semaphore(%arg24 : memref<!tpu.dma_semaphore, #tpu.memory_space<semaphore_mem>>)
          %dma_start3A_2374 = arith.constant 0 : i32
          %dma_start3A_2375 = tpu.memref_slice %arg4[%convert_element_type3A_523, %arg1, %dma_start3A_2374] : memref<4096x16x256xf32, #tpu.memory_space<hbm>> -> memref<1x1x256xf32, #tpu.memory_space<hbm>>
          %dma_start3A_2376 = tpu.memref_squeeze %dma_start3A_2375 : memref<1x1x256xf32, #tpu.memory_space<hbm>> -> memref<256xf32, #tpu.memory_space<hbm>>
          %dma_start3A_2377 = arith.constant 0 : i32
          %dma_start3A_2378 = tpu.memref_slice %arg4[%convert_element_type3A_523, %arg1, %dma_start3A_2377] : memref<4096x16x256xf32, #tpu.memory_space<hbm>> -> memref<1x1x256xf32, #tpu.memory_space<hbm>>
          %dma_start3A_2379 = tpu.memref_squeeze %dma_start3A_2378 : memref<1x1x256xf32, #tpu.memory_space<hbm>> -> memref<256xf32, #tpu.memory_space<hbm>>
          tpu.enqueue_dma source(%dma_start3A_2379 : memref<256xf32, #tpu.memory_space<hbm>>) target(%arg16 : memref<256xf32, #tpu.memory_space<vmem>>) target_semaphore(%arg24 : memref<!tpu.dma_semaphore, #tpu.memory_space<semaphore_mem>>)
        } else {
        }
        %eq3A_579 = arith.constant 0 : i32
        %eq3A_580 = arith.cmpi eq, %scan3A_465, %eq3A_579 : i32
        %convert_element_type3A_581 = arith.extui %eq3A_580 : i1 to i32
        %cond3A_582 = arith.constant 0 : i32
        %cond3A_583 = arith.cmpi ne, %convert_element_type3A_581, %cond3A_582 : i32
        scf.if %cond3A_583 {
          %dma_start3A_2368 = arith.constant 0 : i32
          %dma_start3A_2369 = tpu.memref_slice %arg3[%convert_element_type3A_552, %arg1, %dma_start3A_2368] : memref<4096x16x256xf32, #tpu.memory_space<hbm>> -> memref<1x1x256xf32, #tpu.memory_space<hbm>>
          %dma_start3A_2370 = tpu.memref_squeeze %dma_start3A_2369 : memref<1x1x256xf32, #tpu.memory_space<hbm>> -> memref<256xf32, #tpu.memory_space<hbm>>
          %dma_start3A_2371 = arith.constant 0 : i32
          %dma_start3A_2372 = tpu.memref_slice %arg3[%convert_element_type3A_552, %arg1, %dma_start3A_2371] : memref<4096x16x256xf32, #tpu.memory_space<hbm>> -> memref<1x1x256xf32, #tpu.memory_space<hbm>>
          %dma_start3A_2373 = tpu.memref_squeeze %dma_start3A_2372 : memref<1x1x256xf32, #tpu.memory_space<hbm>> -> memref<256xf32, #tpu.memory_space<hbm>>
          tpu.enqueue_dma source(%dma_start3A_2373 : memref<256xf32, #tpu.memory_space<hbm>>) target(%arg15 : memref<256xf32, #tpu.memory_space<vmem>>) target_semaphore(%arg25 : memref<!tpu.dma_semaphore, #tpu.memory_space<semaphore_mem>>)
          %dma_start3A_2374 = arith.constant 0 : i32
          %dma_start3A_2375 = tpu.memref_slice %arg4[%convert_element_type3A_552, %arg1, %dma_start3A_2374] : memref<4096x16x256xf32, #tpu.memory_space<hbm>> -> memref<1x1x256xf32, #tpu.memory_space<hbm>>
          %dma_start3A_2376 = tpu.memref_squeeze %dma_start3A_2375 : memref<1x1x256xf32, #tpu.memory_space<hbm>> -> memref<256xf32, #tpu.memory_space<hbm>>
          %dma_start3A_2377 = arith.constant 0 : i32
          %dma_start3A_2378 = tpu.memref_slice %arg4[%convert_element_type3A_552, %arg1, %dma_start3A_2377] : memref<4096x16x256xf32, #tpu.memory_space<hbm>> -> memref<1x1x256xf32, #tpu.memory_space<hbm>>
          %dma_start3A_2379 = tpu.memref_squeeze %dma_start3A_2378 : memref<1x1x256xf32, #tpu.memory_space<hbm>> -> memref<256xf32, #tpu.memory_space<hbm>>
          tpu.enqueue_dma source(%dma_start3A_2379 : memref<256xf32, #tpu.memory_space<hbm>>) target(%arg16 : memref<256xf32, #tpu.memory_space<vmem>>) target_semaphore(%arg25 : memref<!tpu.dma_semaphore, #tpu.memory_space<semaphore_mem>>)
        } else {
        }
        %eq3A_584 = arith.constant 1 : i32
        %eq3A_585 = arith.cmpi eq, %scan3A_465, %eq3A_584 : i32
        %convert_element_type3A_586 = arith.extui %eq3A_585 : i1 to i32
        %cond3A_587 = arith.constant 0 : i32
        %cond3A_588 = arith.cmpi ne, %convert_element_type3A_586, %cond3A_587 : i32
        scf.if %cond3A_588 {
          %dma_start3A_2368 = arith.constant 0 : i32
          %dma_start3A_2369 = tpu.memref_slice %arg3[%convert_element_type3A_552, %arg1, %dma_start3A_2368] : memref<4096x16x256xf32, #tpu.memory_space<hbm>> -> memref<1x1x256xf32, #tpu.memory_space<hbm>>
          %dma_start3A_2370 = tpu.memref_squeeze %dma_start3A_2369 : memref<1x1x256xf32, #tpu.memory_space<hbm>> -> memref<256xf32, #tpu.memory_space<hbm>>
          %dma_start3A_2371 = arith.constant 0 : i32
          %dma_start3A_2372 = tpu.memref_slice %arg3[%convert_element_type3A_552, %arg1, %dma_start3A_2371] : memref<4096x16x256xf32, #tpu.memory_space<hbm>> -> memref<1x1x256xf32, #tpu.memory_space<hbm>>
          %dma_start3A_2373 = tpu.memref_squeeze %dma_start3A_2372 : memref<1x1x256xf32, #tpu.memory_space<hbm>> -> memref<256xf32, #tpu.memory_space<hbm>>
          tpu.enqueue_dma source(%dma_start3A_2373 : memref<256xf32, #tpu.memory_space<hbm>>) target(%arg13 : memref<256xf32, #tpu.memory_space<vmem>>) target_semaphore(%arg25 : memref<!tpu.dma_semaphore, #tpu.memory_space<semaphore_mem>>)
          %dma_start3A_2374 = arith.constant 0 : i32
          %dma_start3A_2375 = tpu.memref_slice %arg4[%convert_element_type3A_552, %arg1, %dma_start3A_2374] : memref<4096x16x256xf32, #tpu.memory_space<hbm>> -> memref<1x1x256xf32, #tpu.memory_space<hbm>>
          %dma_start3A_2376 = tpu.memref_squeeze %dma_start3A_2375 : memref<1x1x256xf32, #tpu.memory_space<hbm>> -> memref<256xf32, #tpu.memory_space<hbm>>
          %dma_start3A_2377 = arith.constant 0 : i32
          %dma_start3A_2378 = tpu.memref_slice %arg4[%convert_element_type3A_552, %arg1, %dma_start3A_2377] : memref<4096x16x256xf32, #tpu.memory_space<hbm>> -> memref<1x1x256xf32, #tpu.memory_space<hbm>>
          %dma_start3A_2379 = tpu.memref_squeeze %dma_start3A_2378 : memref<1x1x256xf32, #tpu.memory_space<hbm>> -> memref<256xf32, #tpu.memory_space<hbm>>
          tpu.enqueue_dma source(%dma_start3A_2379 : memref<256xf32, #tpu.memory_space<hbm>>) target(%arg14 : memref<256xf32, #tpu.memory_space<vmem>>) target_semaphore(%arg25 : memref<!tpu.dma_semaphore, #tpu.memory_space<semaphore_mem>>)
        } else {
        }
        %sub3A = arith.subi %convert_element_type3A_523, %mul3A_2 : i32
        %ge3A = arith.constant 0 : i32
        %ge3A_589 = arith.cmpi sge, %sub3A, %ge3A : i32
        %lt3A = arith.constant 256 : i32
        %lt3A_590 = arith.cmpi slt, %sub3A, %lt3A : i32
        %and3A_591 = arith.andi %ge3A_589, %lt3A_590 : i1
        %convert_element_type3A_592 = arith.extui %and3A_591 : i1 to i32
        %cond3A_593 = arith.constant 0 : i32
        %cond3A_594 = arith.cmpi ne, %convert_element_type3A_592, %cond3A_593 : i32
        scf.if %cond3A_594 {
          %shift_right_arithmetic3A_2368 = arith.constant 4 : i32
          %shift_right_arithmetic3A_2369 = arith.shrsi %sub3A, %shift_right_arithmetic3A_2368 : i32
          %shift_left3A_2370 = arith.constant 4 : i32
          %shift_left3A_2371 = arith.shli %shift_right_arithmetic3A_2369, %shift_left3A_2370 : i32
          %and3A_2372 = arith.constant 15 : i32
          %and3A_2373 = arith.andi %sub3A, %and3A_2372 : i32
          %eq3A_2374 = vector.broadcast %and3A_2373 : i32 to vector<16xi32>
          %eq3A_2375 = arith.cmpi eq, %iota3A, %eq3A_2374 : vector<16xi32>
          %get3A_2376 = arith.index_cast %shift_left3A_2371 : i32 to index
          %get3A_2377 = tpu.vector_load %arg10[%get3A_2376] {strides = array<i32>} : memref<256xf32, #tpu.memory_space<vmem>>, vector<16xf32>,
          %jit3A_2378 = arith.constant 0.000000e+00 : f32
          %broadcast_in_dim3A_2379 = vector.broadcast %jit3A_2378 : f32 to vector<16xf32>
          %select_n3A_2380 = arith.select %eq3A_2375, %broadcast_in_dim3A_2379, %get3A_2377 : vector<16xi1>, vector<16xf32>
          %swap3A_2381 = arith.index_cast %shift_left3A_2371 : i32 to index
          %swap3A_2382 = tpu.vector_load %arg10[%swap3A_2381] {strides = array<i32>} : memref<256xf32, #tpu.memory_space<vmem>>, vector<16xf32>,
          tpu.vector_store %arg10[%swap3A_2381], %select_n3A_2380 {strides = array<i32>} : memref<256xf32, #tpu.memory_space<vmem>>, vector<16xf32>,
          %get3A_2383 = arith.index_cast %shift_left3A_2371 : i32 to index
          %get3A_2384 = tpu.vector_load %arg11[%get3A_2383] {strides = array<i32>} : memref<256xf32, #tpu.memory_space<vmem>>, vector<16xf32>,
          %jit3A_2385 = arith.constant 1.000000e+00 : f32
          %broadcast_in_dim3A_2386 = vector.broadcast %jit3A_2385 : f32 to vector<16xf32>
          %select_n3A_2387 = arith.select %eq3A_2375, %broadcast_in_dim3A_2386, %get3A_2384 : vector<16xi1>, vector<16xf32>
          %swap3A_2388 = arith.index_cast %shift_left3A_2371 : i32 to index
          %swap3A_2389 = tpu.vector_load %arg11[%swap3A_2388] {strides = array<i32>} : memref<256xf32, #tpu.memory_space<vmem>>, vector<16xf32>,
          tpu.vector_store %arg11[%swap3A_2388], %select_n3A_2387 {strides = array<i32>} : memref<256xf32, #tpu.memory_space<vmem>>, vector<16xf32>,
        } else {
        }
        %convert_element_type3A_595 = arith.extui %ne3A : i1 to i32
        %cond3A_596 = arith.constant 0 : i32
        %cond3A_597 = arith.cmpi ne, %convert_element_type3A_595, %cond3A_596 : i32
        scf.if %cond3A_597 {
          %dma_wait3A_2368 = arith.constant 0 : i32
          %dma_wait3A_2369 = arith.constant 0 : i32
          %dma_wait3A_2370 = tpu.memref_slice %arg3[%dma_wait3A_2368, %arg1, %dma_wait3A_2369] : memref<4096x16x256xf32, #tpu.memory_space<hbm>> -> memref<1x1x256xf32, #tpu.memory_space<hbm>>
          %dma_wait3A_2371 = tpu.memref_squeeze %dma_wait3A_2370 : memref<1x1x256xf32, #tpu.memory_space<hbm>> -> memref<256xf32, #tpu.memory_space<hbm>>
          %dma_wait3A_2372 = arith.constant 0 : i32
          %dma_wait3A_2373 = tpu.memref_slice %arg3[%dma_wait3A_2368, %arg1, %dma_wait3A_2372] : memref<4096x16x256xf32, #tpu.memory_space<hbm>> -> memref<1x1x256xf32, #tpu.memory_space<hbm>>
          %dma_wait3A_2374 = tpu.memref_squeeze %dma_wait3A_2373 : memref<1x1x256xf32, #tpu.memory_space<hbm>> -> memref<256xf32, #tpu.memory_space<hbm>>
          tpu.wait_dma2 semaphore(%arg24 : memref<!tpu.dma_semaphore, #tpu.memory_space<semaphore_mem>>) src(%dma_wait3A_2374 : memref<256xf32, #tpu.memory_space<hbm>>) dst(%arg13 : memref<256xf32, #tpu.memory_space<vmem>>)
          %dma_wait3A_2375 = arith.constant 0 : i32
          %dma_wait3A_2376 = arith.constant 0 : i32
          %dma_wait3A_2377 = tpu.memref_slice %arg4[%dma_wait3A_2375, %arg1, %dma_wait3A_2376] : memref<4096x16x256xf32, #tpu.memory_space<hbm>> -> memref<1x1x256xf32, #tpu.memory_space<hbm>>
          %dma_wait3A_2378 = tpu.memref_squeeze %dma_wait3A_2377 : memref<1x1x256xf32, #tpu.memory_space<hbm>> -> memref<256xf32, #tpu.memory_space<hbm>>
          %dma_wait3A_2379 = arith.constant 0 : i32
          %dma_wait3A_2380 = tpu.memref_slice %arg4[%dma_wait3A_2375, %arg1, %dma_wait3A_2379] : memref<4096x16x256xf32, #tpu.memory_space<hbm>> -> memref<1x1x256xf32, #tpu.memory_space<hbm>>
          %dma_wait3A_2381 = tpu.memref_squeeze %dma_wait3A_2380 : memref<1x1x256xf32, #tpu.memory_space<hbm>> -> memref<256xf32, #tpu.memory_space<hbm>>
          tpu.wait_dma2 semaphore(%arg24 : memref<!tpu.dma_semaphore, #tpu.memory_space<semaphore_mem>>) src(%dma_wait3A_2381 : memref<256xf32, #tpu.memory_space<hbm>>) dst(%arg14 : memref<256xf32, #tpu.memory_space<vmem>>)
        } else {
        }
        %eq3A_598 = arith.constant 1 : i32
        %eq3A_599 = arith.cmpi eq, %scan3A_465, %eq3A_598 : i32
        %broadcast_in_dim3A_600 = arith.constant -1.000000e+00 : f32
        %broadcast_in_dim3A_601 = vector.broadcast %broadcast_in_dim3A_600 : f32 to vector<16xf32>
        %broadcast_in_dim3A_602 = arith.constant 0 : i32
        %broadcast_in_dim3A_603 = vector.broadcast %broadcast_in_dim3A_602 : i32 to vector<16xi32>
        %add3A_604 = arith.constant 0 : i32
        %add3A_605 = arith.addi %mul3A_2, %add3A_604 : i32
        %add3A_606 = vector.broadcast %add3A_605 : i32 to vector<16xi32>
        %add3A_607 = arith.addi %add3A_606, %iota3A : vector<16xi32>
        %eq3A_608 = vector.broadcast %convert_element_type3A_523 : i32 to vector<16xi32>
        %eq3A_609 = arith.cmpi eq, %add3A_607, %eq3A_608 : vector<16xi32>
        %get3A_610 = arith.constant 0 : index
        %get3A_611 = tpu.vector_load %arg15[%get3A_610] {strides = array<i32>} : memref<256xf32, #tpu.memory_space<vmem>>, vector<16xf32>,
        %get3A_612 = arith.constant 0 : index
        %get3A_613 = tpu.vector_load %arg13[%get3A_612] {strides = array<i32>} : memref<256xf32, #tpu.memory_space<vmem>>, vector<16xf32>,
        %select_n3A_614 = arith.select %eq3A_599, %get3A_611, %get3A_613 : vector<16xf32>
        %bitcast3A = vector.bitcast %select_n3A_614 : vector<16xf32> to vector<16xi32>
        %add3A_615 = arith.constant 32767 : i32
        %add3A_616 = vector.broadcast %add3A_615 : i32 to vector<16xi32>
        %add3A_617 = arith.addi %bitcast3A, %add3A_616 : vector<16xi32>
        %shift_right_arithmetic3A_618 = arith.constant 16 : i32
        %shift_right_arithmetic3A_619 = vector.broadcast %shift_right_arithmetic3A_618 : i32 to vector<16xi32>
        %shift_right_arithmetic3A_620 = arith.shrsi %bitcast3A, %shift_right_arithmetic3A_619 : vector<16xi32>
        %and3A_621 = arith.constant 1 : i32
        %and3A_622 = vector.broadcast %and3A_621 : i32 to vector<16xi32>
        %and3A_623 = arith.andi %shift_right_arithmetic3A_620, %and3A_622 : vector<16xi32>
        %add3A_624 = arith.addi %add3A_617, %and3A_623 : vector<16xi32>
        %and3A_625 = arith.constant -65536 : i32
        %and3A_626 = vector.broadcast %and3A_625 : i32 to vector<16xi32>
        %and3A_627 = arith.andi %add3A_624, %and3A_626 : vector<16xi32>
        %bitcast3A_628 = vector.bitcast %and3A_627 : vector<16xi32> to vector<16xf32>
        %jit3A_629 = arith.constant 0.000000e+00 : f32
        %broadcast_in_dim3A_630 = vector.broadcast %jit3A_629 : f32 to vector<16xf32>
        %select_n3A_631 = arith.select %eq3A_609, %broadcast_in_dim3A_630, %bitcast3A_628 : vector<16xi1>, vector<16xf32>
        %get3A_632 = arith.constant 0 : index
        %get3A_633 = tpu.vector_load %arg16[%get3A_632] {strides = array<i32>} : memref<256xf32, #tpu.memory_space<vmem>>, vector<16xf32>,
        %get3A_634 = arith.constant 0 : index
        %get3A_635 = tpu.vector_load %arg14[%get3A_634] {strides = array<i32>} : memref<256xf32, #tpu.memory_space<vmem>>, vector<16xf32>,
        %select_n3A_636 = arith.select %eq3A_599, %get3A_633, %get3A_635 : vector<16xf32>
        %eq3A_637 = arith.constant 0x7F800000 : f32
        %eq3A_638 = vector.broadcast %eq3A_637 : f32 to vector<16xf32>
        %eq3A_639 = arith.cmpf oeq, %select_n3A_636, %eq3A_638 : vector<16xf32>
        %jit3A_640 = arith.constant 0.000000e+00 : f32
        %broadcast_in_dim3A_641 = vector.broadcast %jit3A_640 : f32 to vector<16xf32>
        %select_n3A_642 = arith.select %eq3A_639, %broadcast_in_dim3A_641, %select_n3A_636 : vector<16xi1>, vector<16xf32>
        %jit3A_643 = arith.constant 0.000000e+00 : f32
        %broadcast_in_dim3A_644 = vector.broadcast %jit3A_643 : f32 to vector<16xf32>
        %select_n3A_645 = arith.select %eq3A_609, %broadcast_in_dim3A_644, %select_n3A_642 : vector<16xi1>, vector<16xf32>
        %get3A_646 = arith.constant 0 : index
        %get3A_647 = tpu.vector_load %arg10[%get3A_646] {strides = array<i32>} : memref<256xf32, #tpu.memory_space<vmem>>, vector<16xf32>,
        %get3A_648 = arith.constant 0 : index
        %get3A_649 = tpu.vector_load %arg11[%get3A_648] {strides = array<i32>} : memref<256xf32, #tpu.memory_space<vmem>>, vector<16xf32>,
        %get3A_650 = arith.constant 0 : index
        %get3A_651 = tpu.vector_load %arg9[%get3A_650] {strides = array<i32>} : memref<256xf32, #tpu.memory_space<vmem>>, vector<16xf32>,
        %get3A_652 = arith.constant 0 : index
        %get3A_653 = tpu.vector_load %arg12[%get3A_652] {strides = array<i32>} : memref<256xf32, #tpu.memory_space<vmem>>, vector<16xf32>,
        %sub3A_654 = arith.constant 1.000000e+00 : f32
        %sub3A_655 = vector.broadcast %sub3A_654 : f32 to vector<16xf32>
        %sub3A_656 = arith.subf %sub3A_655, %get3A_647 : vector<16xf32>
        %sub3A_657 = arith.constant 1.000000e+00 : f32
        %sub3A_658 = vector.broadcast %sub3A_657 : f32 to vector<16xf32>
        %sub3A_659 = arith.subf %sub3A_658, %get3A_649 : vector<16xf32>
        %mul3A_660 = arith.mulf %sub3A_656, %sub3A_659 : vector<16xf32>
        %mul3A_661 = arith.mulf %select_n3A_631, %mul3A_660 : vector<16xf32>
        %add3A_662 = vector.broadcast %squeeze3A_525 : f32 to vector<16xf32>
        %add3A_663 = arith.addf %add3A_662, %select_n3A_645 : vector<16xf32>
        %gt3A_664 = arith.cmpf ogt, %get3A_651, %add3A_663 : vector<16xf32>
        %convert_element_type3A_665 = arith.extui %gt3A_664 : vector<16xi1> to vector<16xi32>
        %convert_element_type3A_666 = arith.sitofp %convert_element_type3A_665 : vector<16xi32> to vector<16xf32>
        %mul3A_667 = arith.mulf %get3A_647, %convert_element_type3A_666 : vector<16xf32>
        %add3A_668 = arith.addf %mul3A_660, %mul3A_667 : vector<16xf32>
        %mul3A_669 = arith.mulf %add3A_668, %mul3A_661 : vector<16xf32>
        %sub3A_670 = arith.constant 1.000000e+00 : f32
        %sub3A_671 = vector.broadcast %sub3A_670 : f32 to vector<16xf32>
        %sub3A_672 = arith.subf %sub3A_671, %mul3A_669 : vector<16xf32>
        %mul3A_673 = arith.mulf %add3A_663, %mul3A_669 : vector<16xf32>
        %mul3A_674 = arith.mulf %get3A_651, %sub3A_672 : vector<16xf32>
        %add3A_675 = arith.addf %mul3A_673, %mul3A_674 : vector<16xf32>
        %add3A_676 = arith.addf %get3A_647, %mul3A_669 : vector<16xf32>
        %jit3A_677 = arith.constant 0.000000e+00 : f32
        %jit3A_678 = arith.constant 1.000000e+00 : f32
        %max3A = vector.broadcast %jit3A_677 : f32 to vector<16xf32>
        %max3A_679 = arith.maximumf %max3A, %add3A_676 : vector<16xf32>
        %min3A = vector.broadcast %jit3A_678 : f32 to vector<16xf32>
        %min3A_680 = arith.minimumf %min3A, %max3A_679 : vector<16xf32>
        %swap3A_681 = arith.constant 0 : index
        %swap3A_682 = tpu.vector_load %arg9[%swap3A_681] {strides = array<i32>} : memref<256xf32, #tpu.memory_space<vmem>>, vector<16xf32>,
        tpu.vector_store %arg9[%swap3A_681], %add3A_675 {strides = array<i32>} : memref<256xf32, #tpu.memory_space<vmem>>, vector<16xf32>,
        %swap3A_683 = arith.constant 0 : index
        %swap3A_684 = tpu.vector_load %arg10[%swap3A_683] {strides = array<i32>} : memref<256xf32, #tpu.memory_space<vmem>>, vector<16xf32>,
        tpu.vector_store %arg10[%swap3A_683], %min3A_680 {strides = array<i32>} : memref<256xf32, #tpu.memory_space<vmem>>, vector<16xf32>,
        %mul3A_685 = vector.broadcast %convert_element_type3A_526 : f32 to vector<16xf32>
        %mul3A_686 = arith.mulf %mul3A_685, %mul3A_669 : vector<16xf32>
        %mul3A_687 = arith.mulf %get3A_653, %sub3A_672 : vector<16xf32>
        %add3A_688 = arith.addf %mul3A_686, %mul3A_687 : vector<16xf32>
        %swap3A_689 = arith.constant 0 : index
        %swap3A_690 = tpu.vector_load %arg12[%swap3A_689] {strides = array<i32>} : memref<256xf32, #tpu.memory_space<vmem>>, vector<16xf32>,
        tpu.vector_store %arg12[%swap3A_689], %add3A_688 {strides = array<i32>} : memref<256xf32, #tpu.memory_space<vmem>>, vector<16xf32>,
        %mul3A_691 = arith.constant 5.000000e-01 : f32
        %mul3A_692 = vector.broadcast %mul3A_691 : f32 to vector<16xf32>
        %mul3A_693 = arith.mulf %add3A_675, %mul3A_692 : vector<16xf32>
        %get3A_694 = arith.constant 0 : index
        %get3A_695 = tpu.vector_load %arg8[%get3A_694] {strides = array<i32>} : memref<256xf32, #tpu.memory_space<vmem>>, vector<16xf32>,
        %mul3A_696 = arith.constant 5.000000e-01 : f32
        %mul3A_697 = vector.broadcast %mul3A_696 : f32 to vector<16xf32>
        %mul3A_698 = arith.mulf %get3A_695, %mul3A_697 : vector<16xf32>
        %add3A_699 = arith.addf %mul3A_693, %mul3A_698 : vector<16xf32>
        %mul3A_700 = arith.constant -1.562500e-02 : f32
        %mul3A_701 = vector.broadcast %mul3A_700 : f32 to vector<16xf32>
        %mul3A_702 = arith.mulf %add3A_699, %mul3A_701 : vector<16xf32>
        %exp3A_703 = math.exp %mul3A_702 : vector<16xf32>
        %mul3A_704 = arith.mulf %exp3A_703, %min3A_680 : vector<16xf32>
        %gt3A_705 = arith.cmpf ogt, %mul3A_704, %broadcast_in_dim3A_601 : vector<16xf32>
        %select_n3A_706 = arith.select %gt3A_705, %mul3A_704, %broadcast_in_dim3A_601 : vector<16xi1>, vector<16xf32>
        %jit3A_707 = arith.constant 0 : i32
        %broadcast_in_dim3A_708 = vector.broadcast %jit3A_707 : i32 to vector<16xi32>
        %select_n3A_709 = arith.select %gt3A_705, %broadcast_in_dim3A_708, %broadcast_in_dim3A_603 : vector<16xi1>, vector<16xi32>
        %add3A_710 = arith.constant 16 : i32
        %add3A_711 = arith.addi %mul3A_2, %add3A_710 : i32
        %add3A_712 = vector.broadcast %add3A_711 : i32 to vector<16xi32>
        %add3A_713 = arith.addi %add3A_712, %iota3A : vector<16xi32>
        %eq3A_714 = vector.broadcast %convert_element_type3A_523 : i32 to vector<16xi32>
        %eq3A_715 = arith.cmpi eq, %add3A_713, %eq3A_714 : vector<16xi32>
        %get3A_716 = arith.constant 16 : index
        %get3A_717 = tpu.vector_load %arg15[%get3A_716] {strides = array<i32>} : memref<256xf32, #tpu.memory_space<vmem>>, vector<16xf32>,
        %get3A_718 = arith.constant 16 : index
        %get3A_719 = tpu.vector_load %arg13[%get3A_718] {strides = array<i32>} : memref<256xf32, #tpu.memory_space<vmem>>, vector<16xf32>,
        %select_n3A_720 = arith.select %eq3A_599, %get3A_717, %get3A_719 : vector<16xf32>
        %bitcast3A_721 = vector.bitcast %select_n3A_720 : vector<16xf32> to vector<16xi32>
        %add3A_722 = arith.constant 32767 : i32
        %add3A_723 = vector.broadcast %add3A_722 : i32 to vector<16xi32>
        %add3A_724 = arith.addi %bitcast3A_721, %add3A_723 : vector<16xi32>
        %shift_right_arithmetic3A_725 = arith.constant 16 : i32
        %shift_right_arithmetic3A_726 = vector.broadcast %shift_right_arithmetic3A_725 : i32 to vector<16xi32>
        %shift_right_arithmetic3A_727 = arith.shrsi %bitcast3A_721, %shift_right_arithmetic3A_726 : vector<16xi32>
        %and3A_728 = arith.constant 1 : i32
        %and3A_729 = vector.broadcast %and3A_728 : i32 to vector<16xi32>
        %and3A_730 = arith.andi %shift_right_arithmetic3A_727, %and3A_729 : vector<16xi32>
        %add3A_731 = arith.addi %add3A_724, %and3A_730 : vector<16xi32>
        %and3A_732 = arith.constant -65536 : i32
        %and3A_733 = vector.broadcast %and3A_732 : i32 to vector<16xi32>
        %and3A_734 = arith.andi %add3A_731, %and3A_733 : vector<16xi32>
        %bitcast3A_735 = vector.bitcast %and3A_734 : vector<16xi32> to vector<16xf32>
        %jit3A_736 = arith.constant 0.000000e+00 : f32
        %broadcast_in_dim3A_737 = vector.broadcast %jit3A_736 : f32 to vector<16xf32>
        %select_n3A_738 = arith.select %eq3A_715, %broadcast_in_dim3A_737, %bitcast3A_735 : vector<16xi1>, vector<16xf32>
        %get3A_739 = arith.constant 16 : index
        %get3A_740 = tpu.vector_load %arg16[%get3A_739] {strides = array<i32>} : memref<256xf32, #tpu.memory_space<vmem>>, vector<16xf32>,
        %get3A_741 = arith.constant 16 : index
        %get3A_742 = tpu.vector_load %arg14[%get3A_741] {strides = array<i32>} : memref<256xf32, #tpu.memory_space<vmem>>, vector<16xf32>,
        %select_n3A_743 = arith.select %eq3A_599, %get3A_740, %get3A_742 : vector<16xf32>
        %eq3A_744 = arith.constant 0x7F800000 : f32
        %eq3A_745 = vector.broadcast %eq3A_744 : f32 to vector<16xf32>
        %eq3A_746 = arith.cmpf oeq, %select_n3A_743, %eq3A_745 : vector<16xf32>
        %jit3A_747 = arith.constant 0.000000e+00 : f32
        %broadcast_in_dim3A_748 = vector.broadcast %jit3A_747 : f32 to vector<16xf32>
        %select_n3A_749 = arith.select %eq3A_746, %broadcast_in_dim3A_748, %select_n3A_743 : vector<16xi1>, vector<16xf32>
        %jit3A_750 = arith.constant 0.000000e+00 : f32
        %broadcast_in_dim3A_751 = vector.broadcast %jit3A_750 : f32 to vector<16xf32>
        %select_n3A_752 = arith.select %eq3A_715, %broadcast_in_dim3A_751, %select_n3A_749 : vector<16xi1>, vector<16xf32>
        %get3A_753 = arith.constant 16 : index
        %get3A_754 = tpu.vector_load %arg10[%get3A_753] {strides = array<i32>} : memref<256xf32, #tpu.memory_space<vmem>>, vector<16xf32>,
        %get3A_755 = arith.constant 16 : index
        %get3A_756 = tpu.vector_load %arg11[%get3A_755] {strides = array<i32>} : memref<256xf32, #tpu.memory_space<vmem>>, vector<16xf32>,
        %get3A_757 = arith.constant 16 : index
        %get3A_758 = tpu.vector_load %arg9[%get3A_757] {strides = array<i32>} : memref<256xf32, #tpu.memory_space<vmem>>, vector<16xf32>,
        %get3A_759 = arith.constant 16 : index
        %get3A_760 = tpu.vector_load %arg12[%get3A_759] {strides = array<i32>} : memref<256xf32, #tpu.memory_space<vmem>>, vector<16xf32>,
        %sub3A_761 = arith.constant 1.000000e+00 : f32
        %sub3A_762 = vector.broadcast %sub3A_761 : f32 to vector<16xf32>
        %sub3A_763 = arith.subf %sub3A_762, %get3A_754 : vector<16xf32>
        %sub3A_764 = arith.constant 1.000000e+00 : f32
        %sub3A_765 = vector.broadcast %sub3A_764 : f32 to vector<16xf32>
        %sub3A_766 = arith.subf %sub3A_765, %get3A_756 : vector<16xf32>
        %mul3A_767 = arith.mulf %sub3A_763, %sub3A_766 : vector<16xf32>
        %mul3A_768 = arith.mulf %select_n3A_738, %mul3A_767 : vector<16xf32>
        %add3A_769 = vector.broadcast %squeeze3A_525 : f32 to vector<16xf32>
        %add3A_770 = arith.addf %add3A_769, %select_n3A_752 : vector<16xf32>
        %gt3A_771 = arith.cmpf ogt, %get3A_758, %add3A_770 : vector<16xf32>
        %convert_element_type3A_772 = arith.extui %gt3A_771 : vector<16xi1> to vector<16xi32>
        %convert_element_type3A_773 = arith.sitofp %convert_element_type3A_772 : vector<16xi32> to vector<16xf32>
        %mul3A_774 = arith.mulf %get3A_754, %convert_element_type3A_773 : vector<16xf32>
        %add3A_775 = arith.addf %mul3A_767, %mul3A_774 : vector<16xf32>
        %mul3A_776 = arith.mulf %add3A_775, %mul3A_768 : vector<16xf32>
        %sub3A_777 = arith.constant 1.000000e+00 : f32
        %sub3A_778 = vector.broadcast %sub3A_777 : f32 to vector<16xf32>
        %sub3A_779 = arith.subf %sub3A_778, %mul3A_776 : vector<16xf32>
        %mul3A_780 = arith.mulf %add3A_770, %mul3A_776 : vector<16xf32>
        %mul3A_781 = arith.mulf %get3A_758, %sub3A_779 : vector<16xf32>
        %add3A_782 = arith.addf %mul3A_780, %mul3A_781 : vector<16xf32>
        %add3A_783 = arith.addf %get3A_754, %mul3A_776 : vector<16xf32>
        %jit3A_784 = arith.constant 0.000000e+00 : f32
        %jit3A_785 = arith.constant 1.000000e+00 : f32
        %max3A_786 = vector.broadcast %jit3A_784 : f32 to vector<16xf32>
        %max3A_787 = arith.maximumf %max3A_786, %add3A_783 : vector<16xf32>
        %min3A_788 = vector.broadcast %jit3A_785 : f32 to vector<16xf32>
        %min3A_789 = arith.minimumf %min3A_788, %max3A_787 : vector<16xf32>
        %swap3A_790 = arith.constant 16 : index
        %swap3A_791 = tpu.vector_load %arg9[%swap3A_790] {strides = array<i32>} : memref<256xf32, #tpu.memory_space<vmem>>, vector<16xf32>,
        tpu.vector_store %arg9[%swap3A_790], %add3A_782 {strides = array<i32>} : memref<256xf32, #tpu.memory_space<vmem>>, vector<16xf32>,
        %swap3A_792 = arith.constant 16 : index
        %swap3A_793 = tpu.vector_load %arg10[%swap3A_792] {strides = array<i32>} : memref<256xf32, #tpu.memory_space<vmem>>, vector<16xf32>,
        tpu.vector_store %arg10[%swap3A_792], %min3A_789 {strides = array<i32>} : memref<256xf32, #tpu.memory_space<vmem>>, vector<16xf32>,
        %mul3A_794 = vector.broadcast %convert_element_type3A_526 : f32 to vector<16xf32>
        %mul3A_795 = arith.mulf %mul3A_794, %mul3A_776 : vector<16xf32>
        %mul3A_796 = arith.mulf %get3A_760, %sub3A_779 : vector<16xf32>
        %add3A_797 = arith.addf %mul3A_795, %mul3A_796 : vector<16xf32>
        %swap3A_798 = arith.constant 16 : index
        %swap3A_799 = tpu.vector_load %arg12[%swap3A_798] {strides = array<i32>} : memref<256xf32, #tpu.memory_space<vmem>>, vector<16xf32>,
        tpu.vector_store %arg12[%swap3A_798], %add3A_797 {strides = array<i32>} : memref<256xf32, #tpu.memory_space<vmem>>, vector<16xf32>,
        %mul3A_800 = arith.constant 5.000000e-01 : f32
        %mul3A_801 = vector.broadcast %mul3A_800 : f32 to vector<16xf32>
        %mul3A_802 = arith.mulf %add3A_782, %mul3A_801 : vector<16xf32>
        %get3A_803 = arith.constant 16 : index
        %get3A_804 = tpu.vector_load %arg8[%get3A_803] {strides = array<i32>} : memref<256xf32, #tpu.memory_space<vmem>>, vector<16xf32>,
        %mul3A_805 = arith.constant 5.000000e-01 : f32
        %mul3A_806 = vector.broadcast %mul3A_805 : f32 to vector<16xf32>
        %mul3A_807 = arith.mulf %get3A_804, %mul3A_806 : vector<16xf32>
        %add3A_808 = arith.addf %mul3A_802, %mul3A_807 : vector<16xf32>
        %mul3A_809 = arith.constant -1.562500e-02 : f32
        %mul3A_810 = vector.broadcast %mul3A_809 : f32 to vector<16xf32>
        %mul3A_811 = arith.mulf %add3A_808, %mul3A_810 : vector<16xf32>
        %exp3A_812 = math.exp %mul3A_811 : vector<16xf32>
        %mul3A_813 = arith.mulf %exp3A_812, %min3A_789 : vector<16xf32>
        %gt3A_814 = arith.cmpf ogt, %mul3A_813, %select_n3A_706 : vector<16xf32>
        %select_n3A_815 = arith.select %gt3A_814, %mul3A_813, %select_n3A_706 : vector<16xi1>, vector<16xf32>
        %jit3A_816 = arith.constant 1 : i32
        %broadcast_in_dim3A_817 = vector.broadcast %jit3A_816 : i32 to vector<16xi32>
        %select_n3A_818 = arith.select %gt3A_814, %broadcast_in_dim3A_817, %select_n3A_709 : vector<16xi1>, vector<16xi32>
        %add3A_819 = arith.constant 32 : i32
        %add3A_820 = arith.addi %mul3A_2, %add3A_819 : i32
        %add3A_821 = vector.broadcast %add3A_820 : i32 to vector<16xi32>
        %add3A_822 = arith.addi %add3A_821, %iota3A : vector<16xi32>
        %eq3A_823 = vector.broadcast %convert_element_type3A_523 : i32 to vector<16xi32>
        %eq3A_824 = arith.cmpi eq, %add3A_822, %eq3A_823 : vector<16xi32>
        %get3A_825 = arith.constant 32 : index
        %get3A_826 = tpu.vector_load %arg15[%get3A_825] {strides = array<i32>} : memref<256xf32, #tpu.memory_space<vmem>>, vector<16xf32>,
        %get3A_827 = arith.constant 32 : index
        %get3A_828 = tpu.vector_load %arg13[%get3A_827] {strides = array<i32>} : memref<256xf32, #tpu.memory_space<vmem>>, vector<16xf32>,
        %select_n3A_829 = arith.select %eq3A_599, %get3A_826, %get3A_828 : vector<16xf32>
        %bitcast3A_830 = vector.bitcast %select_n3A_829 : vector<16xf32> to vector<16xi32>
        %add3A_831 = arith.constant 32767 : i32
        %add3A_832 = vector.broadcast %add3A_831 : i32 to vector<16xi32>
        %add3A_833 = arith.addi %bitcast3A_830, %add3A_832 : vector<16xi32>
        %shift_right_arithmetic3A_834 = arith.constant 16 : i32
        %shift_right_arithmetic3A_835 = vector.broadcast %shift_right_arithmetic3A_834 : i32 to vector<16xi32>
        %shift_right_arithmetic3A_836 = arith.shrsi %bitcast3A_830, %shift_right_arithmetic3A_835 : vector<16xi32>
        %and3A_837 = arith.constant 1 : i32
        %and3A_838 = vector.broadcast %and3A_837 : i32 to vector<16xi32>
        %and3A_839 = arith.andi %shift_right_arithmetic3A_836, %and3A_838 : vector<16xi32>
        %add3A_840 = arith.addi %add3A_833, %and3A_839 : vector<16xi32>
        %and3A_841 = arith.constant -65536 : i32
        %and3A_842 = vector.broadcast %and3A_841 : i32 to vector<16xi32>
        %and3A_843 = arith.andi %add3A_840, %and3A_842 : vector<16xi32>
        %bitcast3A_844 = vector.bitcast %and3A_843 : vector<16xi32> to vector<16xf32>
        %jit3A_845 = arith.constant 0.000000e+00 : f32
        %broadcast_in_dim3A_846 = vector.broadcast %jit3A_845 : f32 to vector<16xf32>
        %select_n3A_847 = arith.select %eq3A_824, %broadcast_in_dim3A_846, %bitcast3A_844 : vector<16xi1>, vector<16xf32>
        %get3A_848 = arith.constant 32 : index
        %get3A_849 = tpu.vector_load %arg16[%get3A_848] {strides = array<i32>} : memref<256xf32, #tpu.memory_space<vmem>>, vector<16xf32>,
        %get3A_850 = arith.constant 32 : index
        %get3A_851 = tpu.vector_load %arg14[%get3A_850] {strides = array<i32>} : memref<256xf32, #tpu.memory_space<vmem>>, vector<16xf32>,
        %select_n3A_852 = arith.select %eq3A_599, %get3A_849, %get3A_851 : vector<16xf32>
        %eq3A_853 = arith.constant 0x7F800000 : f32
        %eq3A_854 = vector.broadcast %eq3A_853 : f32 to vector<16xf32>
        %eq3A_855 = arith.cmpf oeq, %select_n3A_852, %eq3A_854 : vector<16xf32>
        %jit3A_856 = arith.constant 0.000000e+00 : f32
        %broadcast_in_dim3A_857 = vector.broadcast %jit3A_856 : f32 to vector<16xf32>
        %select_n3A_858 = arith.select %eq3A_855, %broadcast_in_dim3A_857, %select_n3A_852 : vector<16xi1>, vector<16xf32>
        %jit3A_859 = arith.constant 0.000000e+00 : f32
        %broadcast_in_dim3A_860 = vector.broadcast %jit3A_859 : f32 to vector<16xf32>
        %select_n3A_861 = arith.select %eq3A_824, %broadcast_in_dim3A_860, %select_n3A_858 : vector<16xi1>, vector<16xf32>
        %get3A_862 = arith.constant 32 : index
        %get3A_863 = tpu.vector_load %arg10[%get3A_862] {strides = array<i32>} : memref<256xf32, #tpu.memory_space<vmem>>, vector<16xf32>,
        %get3A_864 = arith.constant 32 : index
        %get3A_865 = tpu.vector_load %arg11[%get3A_864] {strides = array<i32>} : memref<256xf32, #tpu.memory_space<vmem>>, vector<16xf32>,
        %get3A_866 = arith.constant 32 : index
        %get3A_867 = tpu.vector_load %arg9[%get3A_866] {strides = array<i32>} : memref<256xf32, #tpu.memory_space<vmem>>, vector<16xf32>,
        %get3A_868 = arith.constant 32 : index
        %get3A_869 = tpu.vector_load %arg12[%get3A_868] {strides = array<i32>} : memref<256xf32, #tpu.memory_space<vmem>>, vector<16xf32>,
        %sub3A_870 = arith.constant 1.000000e+00 : f32
        %sub3A_871 = vector.broadcast %sub3A_870 : f32 to vector<16xf32>
        %sub3A_872 = arith.subf %sub3A_871, %get3A_863 : vector<16xf32>
        %sub3A_873 = arith.constant 1.000000e+00 : f32
        %sub3A_874 = vector.broadcast %sub3A_873 : f32 to vector<16xf32>
        %sub3A_875 = arith.subf %sub3A_874, %get3A_865 : vector<16xf32>
        %mul3A_876 = arith.mulf %sub3A_872, %sub3A_875 : vector<16xf32>
        %mul3A_877 = arith.mulf %select_n3A_847, %mul3A_876 : vector<16xf32>
        %add3A_878 = vector.broadcast %squeeze3A_525 : f32 to vector<16xf32>
        %add3A_879 = arith.addf %add3A_878, %select_n3A_861 : vector<16xf32>
        %gt3A_880 = arith.cmpf ogt, %get3A_867, %add3A_879 : vector<16xf32>
        %convert_element_type3A_881 = arith.extui %gt3A_880 : vector<16xi1> to vector<16xi32>
        %convert_element_type3A_882 = arith.sitofp %convert_element_type3A_881 : vector<16xi32> to vector<16xf32>
        %mul3A_883 = arith.mulf %get3A_863, %convert_element_type3A_882 : vector<16xf32>
        %add3A_884 = arith.addf %mul3A_876, %mul3A_883 : vector<16xf32>
        %mul3A_885 = arith.mulf %add3A_884, %mul3A_877 : vector<16xf32>
        %sub3A_886 = arith.constant 1.000000e+00 : f32
        %sub3A_887 = vector.broadcast %sub3A_886 : f32 to vector<16xf32>
        %sub3A_888 = arith.subf %sub3A_887, %mul3A_885 : vector<16xf32>
        %mul3A_889 = arith.mulf %add3A_879, %mul3A_885 : vector<16xf32>
        %mul3A_890 = arith.mulf %get3A_867, %sub3A_888 : vector<16xf32>
        %add3A_891 = arith.addf %mul3A_889, %mul3A_890 : vector<16xf32>
        %add3A_892 = arith.addf %get3A_863, %mul3A_885 : vector<16xf32>
        %jit3A_893 = arith.constant 0.000000e+00 : f32
        %jit3A_894 = arith.constant 1.000000e+00 : f32
        %max3A_895 = vector.broadcast %jit3A_893 : f32 to vector<16xf32>
        %max3A_896 = arith.maximumf %max3A_895, %add3A_892 : vector<16xf32>
        %min3A_897 = vector.broadcast %jit3A_894 : f32 to vector<16xf32>
        %min3A_898 = arith.minimumf %min3A_897, %max3A_896 : vector<16xf32>
        %swap3A_899 = arith.constant 32 : index
        %swap3A_900 = tpu.vector_load %arg9[%swap3A_899] {strides = array<i32>} : memref<256xf32, #tpu.memory_space<vmem>>, vector<16xf32>,
        tpu.vector_store %arg9[%swap3A_899], %add3A_891 {strides = array<i32>} : memref<256xf32, #tpu.memory_space<vmem>>, vector<16xf32>,
        %swap3A_901 = arith.constant 32 : index
        %swap3A_902 = tpu.vector_load %arg10[%swap3A_901] {strides = array<i32>} : memref<256xf32, #tpu.memory_space<vmem>>, vector<16xf32>,
        tpu.vector_store %arg10[%swap3A_901], %min3A_898 {strides = array<i32>} : memref<256xf32, #tpu.memory_space<vmem>>, vector<16xf32>,
        %mul3A_903 = vector.broadcast %convert_element_type3A_526 : f32 to vector<16xf32>
        %mul3A_904 = arith.mulf %mul3A_903, %mul3A_885 : vector<16xf32>
        %mul3A_905 = arith.mulf %get3A_869, %sub3A_888 : vector<16xf32>
        %add3A_906 = arith.addf %mul3A_904, %mul3A_905 : vector<16xf32>
        %swap3A_907 = arith.constant 32 : index
        %swap3A_908 = tpu.vector_load %arg12[%swap3A_907] {strides = array<i32>} : memref<256xf32, #tpu.memory_space<vmem>>, vector<16xf32>,
        tpu.vector_store %arg12[%swap3A_907], %add3A_906 {strides = array<i32>} : memref<256xf32, #tpu.memory_space<vmem>>, vector<16xf32>,
        %mul3A_909 = arith.constant 5.000000e-01 : f32
        %mul3A_910 = vector.broadcast %mul3A_909 : f32 to vector<16xf32>
        %mul3A_911 = arith.mulf %add3A_891, %mul3A_910 : vector<16xf32>
        %get3A_912 = arith.constant 32 : index
        %get3A_913 = tpu.vector_load %arg8[%get3A_912] {strides = array<i32>} : memref<256xf32, #tpu.memory_space<vmem>>, vector<16xf32>,
        %mul3A_914 = arith.constant 5.000000e-01 : f32
        %mul3A_915 = vector.broadcast %mul3A_914 : f32 to vector<16xf32>
        %mul3A_916 = arith.mulf %get3A_913, %mul3A_915 : vector<16xf32>
        %add3A_917 = arith.addf %mul3A_911, %mul3A_916 : vector<16xf32>
        %mul3A_918 = arith.constant -1.562500e-02 : f32
        %mul3A_919 = vector.broadcast %mul3A_918 : f32 to vector<16xf32>
        %mul3A_920 = arith.mulf %add3A_917, %mul3A_919 : vector<16xf32>
        %exp3A_921 = math.exp %mul3A_920 : vector<16xf32>
        %mul3A_922 = arith.mulf %exp3A_921, %min3A_898 : vector<16xf32>
        %gt3A_923 = arith.cmpf ogt, %mul3A_922, %select_n3A_815 : vector<16xf32>
        %select_n3A_924 = arith.select %gt3A_923, %mul3A_922, %select_n3A_815 : vector<16xi1>, vector<16xf32>
        %jit3A_925 = arith.constant 2 : i32
        %broadcast_in_dim3A_926 = vector.broadcast %jit3A_925 : i32 to vector<16xi32>
        %select_n3A_927 = arith.select %gt3A_923, %broadcast_in_dim3A_926, %select_n3A_818 : vector<16xi1>, vector<16xi32>
        %add3A_928 = arith.constant 48 : i32
        %add3A_929 = arith.addi %mul3A_2, %add3A_928 : i32
        %add3A_930 = vector.broadcast %add3A_929 : i32 to vector<16xi32>
        %add3A_931 = arith.addi %add3A_930, %iota3A : vector<16xi32>
        %eq3A_932 = vector.broadcast %convert_element_type3A_523 : i32 to vector<16xi32>
        %eq3A_933 = arith.cmpi eq, %add3A_931, %eq3A_932 : vector<16xi32>
        %get3A_934 = arith.constant 48 : index
        %get3A_935 = tpu.vector_load %arg15[%get3A_934] {strides = array<i32>} : memref<256xf32, #tpu.memory_space<vmem>>, vector<16xf32>,
        %get3A_936 = arith.constant 48 : index
        %get3A_937 = tpu.vector_load %arg13[%get3A_936] {strides = array<i32>} : memref<256xf32, #tpu.memory_space<vmem>>, vector<16xf32>,
        %select_n3A_938 = arith.select %eq3A_599, %get3A_935, %get3A_937 : vector<16xf32>
        %bitcast3A_939 = vector.bitcast %select_n3A_938 : vector<16xf32> to vector<16xi32>
        %add3A_940 = arith.constant 32767 : i32
        %add3A_941 = vector.broadcast %add3A_940 : i32 to vector<16xi32>
        %add3A_942 = arith.addi %bitcast3A_939, %add3A_941 : vector<16xi32>
        %shift_right_arithmetic3A_943 = arith.constant 16 : i32
        %shift_right_arithmetic3A_944 = vector.broadcast %shift_right_arithmetic3A_943 : i32 to vector<16xi32>
        %shift_right_arithmetic3A_945 = arith.shrsi %bitcast3A_939, %shift_right_arithmetic3A_944 : vector<16xi32>
        %and3A_946 = arith.constant 1 : i32
        %and3A_947 = vector.broadcast %and3A_946 : i32 to vector<16xi32>
        %and3A_948 = arith.andi %shift_right_arithmetic3A_945, %and3A_947 : vector<16xi32>
        %add3A_949 = arith.addi %add3A_942, %and3A_948 : vector<16xi32>
        %and3A_950 = arith.constant -65536 : i32
        %and3A_951 = vector.broadcast %and3A_950 : i32 to vector<16xi32>
        %and3A_952 = arith.andi %add3A_949, %and3A_951 : vector<16xi32>
        %bitcast3A_953 = vector.bitcast %and3A_952 : vector<16xi32> to vector<16xf32>
        %jit3A_954 = arith.constant 0.000000e+00 : f32
        %broadcast_in_dim3A_955 = vector.broadcast %jit3A_954 : f32 to vector<16xf32>
        %select_n3A_956 = arith.select %eq3A_933, %broadcast_in_dim3A_955, %bitcast3A_953 : vector<16xi1>, vector<16xf32>
        %get3A_957 = arith.constant 48 : index
        %get3A_958 = tpu.vector_load %arg16[%get3A_957] {strides = array<i32>} : memref<256xf32, #tpu.memory_space<vmem>>, vector<16xf32>,
        %get3A_959 = arith.constant 48 : index
        %get3A_960 = tpu.vector_load %arg14[%get3A_959] {strides = array<i32>} : memref<256xf32, #tpu.memory_space<vmem>>, vector<16xf32>,
        %select_n3A_961 = arith.select %eq3A_599, %get3A_958, %get3A_960 : vector<16xf32>
        %eq3A_962 = arith.constant 0x7F800000 : f32
        %eq3A_963 = vector.broadcast %eq3A_962 : f32 to vector<16xf32>
        %eq3A_964 = arith.cmpf oeq, %select_n3A_961, %eq3A_963 : vector<16xf32>
        %jit3A_965 = arith.constant 0.000000e+00 : f32
        %broadcast_in_dim3A_966 = vector.broadcast %jit3A_965 : f32 to vector<16xf32>
        %select_n3A_967 = arith.select %eq3A_964, %broadcast_in_dim3A_966, %select_n3A_961 : vector<16xi1>, vector<16xf32>
        %jit3A_968 = arith.constant 0.000000e+00 : f32
        %broadcast_in_dim3A_969 = vector.broadcast %jit3A_968 : f32 to vector<16xf32>
        %select_n3A_970 = arith.select %eq3A_933, %broadcast_in_dim3A_969, %select_n3A_967 : vector<16xi1>, vector<16xf32>
        %get3A_971 = arith.constant 48 : index
        %get3A_972 = tpu.vector_load %arg10[%get3A_971] {strides = array<i32>} : memref<256xf32, #tpu.memory_space<vmem>>, vector<16xf32>,
        %get3A_973 = arith.constant 48 : index
        %get3A_974 = tpu.vector_load %arg11[%get3A_973] {strides = array<i32>} : memref<256xf32, #tpu.memory_space<vmem>>, vector<16xf32>,
        %get3A_975 = arith.constant 48 : index
        %get3A_976 = tpu.vector_load %arg9[%get3A_975] {strides = array<i32>} : memref<256xf32, #tpu.memory_space<vmem>>, vector<16xf32>,
        %get3A_977 = arith.constant 48 : index
        %get3A_978 = tpu.vector_load %arg12[%get3A_977] {strides = array<i32>} : memref<256xf32, #tpu.memory_space<vmem>>, vector<16xf32>,
        %sub3A_979 = arith.constant 1.000000e+00 : f32
        %sub3A_980 = vector.broadcast %sub3A_979 : f32 to vector<16xf32>
        %sub3A_981 = arith.subf %sub3A_980, %get3A_972 : vector<16xf32>
        %sub3A_982 = arith.constant 1.000000e+00 : f32
        %sub3A_983 = vector.broadcast %sub3A_982 : f32 to vector<16xf32>
        %sub3A_984 = arith.subf %sub3A_983, %get3A_974 : vector<16xf32>
        %mul3A_985 = arith.mulf %sub3A_981, %sub3A_984 : vector<16xf32>
        %mul3A_986 = arith.mulf %select_n3A_956, %mul3A_985 : vector<16xf32>
        %add3A_987 = vector.broadcast %squeeze3A_525 : f32 to vector<16xf32>
        %add3A_988 = arith.addf %add3A_987, %select_n3A_970 : vector<16xf32>
        %gt3A_989 = arith.cmpf ogt, %get3A_976, %add3A_988 : vector<16xf32>
        %convert_element_type3A_990 = arith.extui %gt3A_989 : vector<16xi1> to vector<16xi32>
        %convert_element_type3A_991 = arith.sitofp %convert_element_type3A_990 : vector<16xi32> to vector<16xf32>
        %mul3A_992 = arith.mulf %get3A_972, %convert_element_type3A_991 : vector<16xf32>
        %add3A_993 = arith.addf %mul3A_985, %mul3A_992 : vector<16xf32>
        %mul3A_994 = arith.mulf %add3A_993, %mul3A_986 : vector<16xf32>
        %sub3A_995 = arith.constant 1.000000e+00 : f32
        %sub3A_996 = vector.broadcast %sub3A_995 : f32 to vector<16xf32>
        %sub3A_997 = arith.subf %sub3A_996, %mul3A_994 : vector<16xf32>
        %mul3A_998 = arith.mulf %add3A_988, %mul3A_994 : vector<16xf32>
        %mul3A_999 = arith.mulf %get3A_976, %sub3A_997 : vector<16xf32>
        %add3A_1000 = arith.addf %mul3A_998, %mul3A_999 : vector<16xf32>
        %add3A_1001 = arith.addf %get3A_972, %mul3A_994 : vector<16xf32>
        %jit3A_1002 = arith.constant 0.000000e+00 : f32
        %jit3A_1003 = arith.constant 1.000000e+00 : f32
        %max3A_1004 = vector.broadcast %jit3A_1002 : f32 to vector<16xf32>
        %max3A_1005 = arith.maximumf %max3A_1004, %add3A_1001 : vector<16xf32>
        %min3A_1006 = vector.broadcast %jit3A_1003 : f32 to vector<16xf32>
        %min3A_1007 = arith.minimumf %min3A_1006, %max3A_1005 : vector<16xf32>
        %swap3A_1008 = arith.constant 48 : index
        %swap3A_1009 = tpu.vector_load %arg9[%swap3A_1008] {strides = array<i32>} : memref<256xf32, #tpu.memory_space<vmem>>, vector<16xf32>,
        tpu.vector_store %arg9[%swap3A_1008], %add3A_1000 {strides = array<i32>} : memref<256xf32, #tpu.memory_space<vmem>>, vector<16xf32>,
        %swap3A_1010 = arith.constant 48 : index
        %swap3A_1011 = tpu.vector_load %arg10[%swap3A_1010] {strides = array<i32>} : memref<256xf32, #tpu.memory_space<vmem>>, vector<16xf32>,
        tpu.vector_store %arg10[%swap3A_1010], %min3A_1007 {strides = array<i32>} : memref<256xf32, #tpu.memory_space<vmem>>, vector<16xf32>,
        %mul3A_1012 = vector.broadcast %convert_element_type3A_526 : f32 to vector<16xf32>
        %mul3A_1013 = arith.mulf %mul3A_1012, %mul3A_994 : vector<16xf32>
        %mul3A_1014 = arith.mulf %get3A_978, %sub3A_997 : vector<16xf32>
        %add3A_1015 = arith.addf %mul3A_1013, %mul3A_1014 : vector<16xf32>
        %swap3A_1016 = arith.constant 48 : index
        %swap3A_1017 = tpu.vector_load %arg12[%swap3A_1016] {strides = array<i32>} : memref<256xf32, #tpu.memory_space<vmem>>, vector<16xf32>,
        tpu.vector_store %arg12[%swap3A_1016], %add3A_1015 {strides = array<i32>} : memref<256xf32, #tpu.memory_space<vmem>>, vector<16xf32>,
        %mul3A_1018 = arith.constant 5.000000e-01 : f32
        %mul3A_1019 = vector.broadcast %mul3A_1018 : f32 to vector<16xf32>
        %mul3A_1020 = arith.mulf %add3A_1000, %mul3A_1019 : vector<16xf32>
        %get3A_1021 = arith.constant 48 : index
        %get3A_1022 = tpu.vector_load %arg8[%get3A_1021] {strides = array<i32>} : memref<256xf32, #tpu.memory_space<vmem>>, vector<16xf32>,
        %mul3A_1023 = arith.constant 5.000000e-01 : f32
        %mul3A_1024 = vector.broadcast %mul3A_1023 : f32 to vector<16xf32>
        %mul3A_1025 = arith.mulf %get3A_1022, %mul3A_1024 : vector<16xf32>
        %add3A_1026 = arith.addf %mul3A_1020, %mul3A_1025 : vector<16xf32>
        %mul3A_1027 = arith.constant -1.562500e-02 : f32
        %mul3A_1028 = vector.broadcast %mul3A_1027 : f32 to vector<16xf32>
        %mul3A_1029 = arith.mulf %add3A_1026, %mul3A_1028 : vector<16xf32>
        %exp3A_1030 = math.exp %mul3A_1029 : vector<16xf32>
        %mul3A_1031 = arith.mulf %exp3A_1030, %min3A_1007 : vector<16xf32>
        %gt3A_1032 = arith.cmpf ogt, %mul3A_1031, %select_n3A_924 : vector<16xf32>
        %select_n3A_1033 = arith.select %gt3A_1032, %mul3A_1031, %select_n3A_924 : vector<16xi1>, vector<16xf32>
        %jit3A_1034 = arith.constant 3 : i32
        %broadcast_in_dim3A_1035 = vector.broadcast %jit3A_1034 : i32 to vector<16xi32>
        %select_n3A_1036 = arith.select %gt3A_1032, %broadcast_in_dim3A_1035, %select_n3A_927 : vector<16xi1>, vector<16xi32>
        %add3A_1037 = arith.constant 64 : i32
        %add3A_1038 = arith.addi %mul3A_2, %add3A_1037 : i32
        %add3A_1039 = vector.broadcast %add3A_1038 : i32 to vector<16xi32>
        %add3A_1040 = arith.addi %add3A_1039, %iota3A : vector<16xi32>
        %eq3A_1041 = vector.broadcast %convert_element_type3A_523 : i32 to vector<16xi32>
        %eq3A_1042 = arith.cmpi eq, %add3A_1040, %eq3A_1041 : vector<16xi32>
        %get3A_1043 = arith.constant 64 : index
        %get3A_1044 = tpu.vector_load %arg15[%get3A_1043] {strides = array<i32>} : memref<256xf32, #tpu.memory_space<vmem>>, vector<16xf32>,
        %get3A_1045 = arith.constant 64 : index
        %get3A_1046 = tpu.vector_load %arg13[%get3A_1045] {strides = array<i32>} : memref<256xf32, #tpu.memory_space<vmem>>, vector<16xf32>,
        %select_n3A_1047 = arith.select %eq3A_599, %get3A_1044, %get3A_1046 : vector<16xf32>
        %bitcast3A_1048 = vector.bitcast %select_n3A_1047 : vector<16xf32> to vector<16xi32>
        %add3A_1049 = arith.constant 32767 : i32
        %add3A_1050 = vector.broadcast %add3A_1049 : i32 to vector<16xi32>
        %add3A_1051 = arith.addi %bitcast3A_1048, %add3A_1050 : vector<16xi32>
        %shift_right_arithmetic3A_1052 = arith.constant 16 : i32
        %shift_right_arithmetic3A_1053 = vector.broadcast %shift_right_arithmetic3A_1052 : i32 to vector<16xi32>
        %shift_right_arithmetic3A_1054 = arith.shrsi %bitcast3A_1048, %shift_right_arithmetic3A_1053 : vector<16xi32>
        %and3A_1055 = arith.constant 1 : i32
        %and3A_1056 = vector.broadcast %and3A_1055 : i32 to vector<16xi32>
        %and3A_1057 = arith.andi %shift_right_arithmetic3A_1054, %and3A_1056 : vector<16xi32>
        %add3A_1058 = arith.addi %add3A_1051, %and3A_1057 : vector<16xi32>
        %and3A_1059 = arith.constant -65536 : i32
        %and3A_1060 = vector.broadcast %and3A_1059 : i32 to vector<16xi32>
        %and3A_1061 = arith.andi %add3A_1058, %and3A_1060 : vector<16xi32>
        %bitcast3A_1062 = vector.bitcast %and3A_1061 : vector<16xi32> to vector<16xf32>
        %jit3A_1063 = arith.constant 0.000000e+00 : f32
        %broadcast_in_dim3A_1064 = vector.broadcast %jit3A_1063 : f32 to vector<16xf32>
        %select_n3A_1065 = arith.select %eq3A_1042, %broadcast_in_dim3A_1064, %bitcast3A_1062 : vector<16xi1>, vector<16xf32>
        %get3A_1066 = arith.constant 64 : index
        %get3A_1067 = tpu.vector_load %arg16[%get3A_1066] {strides = array<i32>} : memref<256xf32, #tpu.memory_space<vmem>>, vector<16xf32>,
        %get3A_1068 = arith.constant 64 : index
        %get3A_1069 = tpu.vector_load %arg14[%get3A_1068] {strides = array<i32>} : memref<256xf32, #tpu.memory_space<vmem>>, vector<16xf32>,
        %select_n3A_1070 = arith.select %eq3A_599, %get3A_1067, %get3A_1069 : vector<16xf32>
        %eq3A_1071 = arith.constant 0x7F800000 : f32
        %eq3A_1072 = vector.broadcast %eq3A_1071 : f32 to vector<16xf32>
        %eq3A_1073 = arith.cmpf oeq, %select_n3A_1070, %eq3A_1072 : vector<16xf32>
        %jit3A_1074 = arith.constant 0.000000e+00 : f32
        %broadcast_in_dim3A_1075 = vector.broadcast %jit3A_1074 : f32 to vector<16xf32>
        %select_n3A_1076 = arith.select %eq3A_1073, %broadcast_in_dim3A_1075, %select_n3A_1070 : vector<16xi1>, vector<16xf32>
        %jit3A_1077 = arith.constant 0.000000e+00 : f32
        %broadcast_in_dim3A_1078 = vector.broadcast %jit3A_1077 : f32 to vector<16xf32>
        %select_n3A_1079 = arith.select %eq3A_1042, %broadcast_in_dim3A_1078, %select_n3A_1076 : vector<16xi1>, vector<16xf32>
        %get3A_1080 = arith.constant 64 : index
        %get3A_1081 = tpu.vector_load %arg10[%get3A_1080] {strides = array<i32>} : memref<256xf32, #tpu.memory_space<vmem>>, vector<16xf32>,
        %get3A_1082 = arith.constant 64 : index
        %get3A_1083 = tpu.vector_load %arg11[%get3A_1082] {strides = array<i32>} : memref<256xf32, #tpu.memory_space<vmem>>, vector<16xf32>,
        %get3A_1084 = arith.constant 64 : index
        %get3A_1085 = tpu.vector_load %arg9[%get3A_1084] {strides = array<i32>} : memref<256xf32, #tpu.memory_space<vmem>>, vector<16xf32>,
        %get3A_1086 = arith.constant 64 : index
        %get3A_1087 = tpu.vector_load %arg12[%get3A_1086] {strides = array<i32>} : memref<256xf32, #tpu.memory_space<vmem>>, vector<16xf32>,
        %sub3A_1088 = arith.constant 1.000000e+00 : f32
        %sub3A_1089 = vector.broadcast %sub3A_1088 : f32 to vector<16xf32>
        %sub3A_1090 = arith.subf %sub3A_1089, %get3A_1081 : vector<16xf32>
        %sub3A_1091 = arith.constant 1.000000e+00 : f32
        %sub3A_1092 = vector.broadcast %sub3A_1091 : f32 to vector<16xf32>
        %sub3A_1093 = arith.subf %sub3A_1092, %get3A_1083 : vector<16xf32>
        %mul3A_1094 = arith.mulf %sub3A_1090, %sub3A_1093 : vector<16xf32>
        %mul3A_1095 = arith.mulf %select_n3A_1065, %mul3A_1094 : vector<16xf32>
        %add3A_1096 = vector.broadcast %squeeze3A_525 : f32 to vector<16xf32>
        %add3A_1097 = arith.addf %add3A_1096, %select_n3A_1079 : vector<16xf32>
        %gt3A_1098 = arith.cmpf ogt, %get3A_1085, %add3A_1097 : vector<16xf32>
        %convert_element_type3A_1099 = arith.extui %gt3A_1098 : vector<16xi1> to vector<16xi32>
        %convert_element_type3A_1100 = arith.sitofp %convert_element_type3A_1099 : vector<16xi32> to vector<16xf32>
        %mul3A_1101 = arith.mulf %get3A_1081, %convert_element_type3A_1100 : vector<16xf32>
        %add3A_1102 = arith.addf %mul3A_1094, %mul3A_1101 : vector<16xf32>
        %mul3A_1103 = arith.mulf %add3A_1102, %mul3A_1095 : vector<16xf32>
        %sub3A_1104 = arith.constant 1.000000e+00 : f32
        %sub3A_1105 = vector.broadcast %sub3A_1104 : f32 to vector<16xf32>
        %sub3A_1106 = arith.subf %sub3A_1105, %mul3A_1103 : vector<16xf32>
        %mul3A_1107 = arith.mulf %add3A_1097, %mul3A_1103 : vector<16xf32>
        %mul3A_1108 = arith.mulf %get3A_1085, %sub3A_1106 : vector<16xf32>
        %add3A_1109 = arith.addf %mul3A_1107, %mul3A_1108 : vector<16xf32>
        %add3A_1110 = arith.addf %get3A_1081, %mul3A_1103 : vector<16xf32>
        %jit3A_1111 = arith.constant 0.000000e+00 : f32
        %jit3A_1112 = arith.constant 1.000000e+00 : f32
        %max3A_1113 = vector.broadcast %jit3A_1111 : f32 to vector<16xf32>
        %max3A_1114 = arith.maximumf %max3A_1113, %add3A_1110 : vector<16xf32>
        %min3A_1115 = vector.broadcast %jit3A_1112 : f32 to vector<16xf32>
        %min3A_1116 = arith.minimumf %min3A_1115, %max3A_1114 : vector<16xf32>
        %swap3A_1117 = arith.constant 64 : index
        %swap3A_1118 = tpu.vector_load %arg9[%swap3A_1117] {strides = array<i32>} : memref<256xf32, #tpu.memory_space<vmem>>, vector<16xf32>,
        tpu.vector_store %arg9[%swap3A_1117], %add3A_1109 {strides = array<i32>} : memref<256xf32, #tpu.memory_space<vmem>>, vector<16xf32>,
        %swap3A_1119 = arith.constant 64 : index
        %swap3A_1120 = tpu.vector_load %arg10[%swap3A_1119] {strides = array<i32>} : memref<256xf32, #tpu.memory_space<vmem>>, vector<16xf32>,
        tpu.vector_store %arg10[%swap3A_1119], %min3A_1116 {strides = array<i32>} : memref<256xf32, #tpu.memory_space<vmem>>, vector<16xf32>,
        %mul3A_1121 = vector.broadcast %convert_element_type3A_526 : f32 to vector<16xf32>
        %mul3A_1122 = arith.mulf %mul3A_1121, %mul3A_1103 : vector<16xf32>
        %mul3A_1123 = arith.mulf %get3A_1087, %sub3A_1106 : vector<16xf32>
        %add3A_1124 = arith.addf %mul3A_1122, %mul3A_1123 : vector<16xf32>
        %swap3A_1125 = arith.constant 64 : index
        %swap3A_1126 = tpu.vector_load %arg12[%swap3A_1125] {strides = array<i32>} : memref<256xf32, #tpu.memory_space<vmem>>, vector<16xf32>,
        tpu.vector_store %arg12[%swap3A_1125], %add3A_1124 {strides = array<i32>} : memref<256xf32, #tpu.memory_space<vmem>>, vector<16xf32>,
        %mul3A_1127 = arith.constant 5.000000e-01 : f32
        %mul3A_1128 = vector.broadcast %mul3A_1127 : f32 to vector<16xf32>
        %mul3A_1129 = arith.mulf %add3A_1109, %mul3A_1128 : vector<16xf32>
        %get3A_1130 = arith.constant 64 : index
        %get3A_1131 = tpu.vector_load %arg8[%get3A_1130] {strides = array<i32>} : memref<256xf32, #tpu.memory_space<vmem>>, vector<16xf32>,
        %mul3A_1132 = arith.constant 5.000000e-01 : f32
        %mul3A_1133 = vector.broadcast %mul3A_1132 : f32 to vector<16xf32>
        %mul3A_1134 = arith.mulf %get3A_1131, %mul3A_1133 : vector<16xf32>
        %add3A_1135 = arith.addf %mul3A_1129, %mul3A_1134 : vector<16xf32>
        %mul3A_1136 = arith.constant -1.562500e-02 : f32
        %mul3A_1137 = vector.broadcast %mul3A_1136 : f32 to vector<16xf32>
        %mul3A_1138 = arith.mulf %add3A_1135, %mul3A_1137 : vector<16xf32>
        %exp3A_1139 = math.exp %mul3A_1138 : vector<16xf32>
        %mul3A_1140 = arith.mulf %exp3A_1139, %min3A_1116 : vector<16xf32>
        %gt3A_1141 = arith.cmpf ogt, %mul3A_1140, %select_n3A_1033 : vector<16xf32>
        %select_n3A_1142 = arith.select %gt3A_1141, %mul3A_1140, %select_n3A_1033 : vector<16xi1>, vector<16xf32>
        %jit3A_1143 = arith.constant 4 : i32
        %broadcast_in_dim3A_1144 = vector.broadcast %jit3A_1143 : i32 to vector<16xi32>
        %select_n3A_1145 = arith.select %gt3A_1141, %broadcast_in_dim3A_1144, %select_n3A_1036 : vector<16xi1>, vector<16xi32>
        %add3A_1146 = arith.constant 80 : i32
        %add3A_1147 = arith.addi %mul3A_2, %add3A_1146 : i32
        %add3A_1148 = vector.broadcast %add3A_1147 : i32 to vector<16xi32>
        %add3A_1149 = arith.addi %add3A_1148, %iota3A : vector<16xi32>
        %eq3A_1150 = vector.broadcast %convert_element_type3A_523 : i32 to vector<16xi32>
        %eq3A_1151 = arith.cmpi eq, %add3A_1149, %eq3A_1150 : vector<16xi32>
        %get3A_1152 = arith.constant 80 : index
        %get3A_1153 = tpu.vector_load %arg15[%get3A_1152] {strides = array<i32>} : memref<256xf32, #tpu.memory_space<vmem>>, vector<16xf32>,
        %get3A_1154 = arith.constant 80 : index
        %get3A_1155 = tpu.vector_load %arg13[%get3A_1154] {strides = array<i32>} : memref<256xf32, #tpu.memory_space<vmem>>, vector<16xf32>,
        %select_n3A_1156 = arith.select %eq3A_599, %get3A_1153, %get3A_1155 : vector<16xf32>
        %bitcast3A_1157 = vector.bitcast %select_n3A_1156 : vector<16xf32> to vector<16xi32>
        %add3A_1158 = arith.constant 32767 : i32
        %add3A_1159 = vector.broadcast %add3A_1158 : i32 to vector<16xi32>
        %add3A_1160 = arith.addi %bitcast3A_1157, %add3A_1159 : vector<16xi32>
        %shift_right_arithmetic3A_1161 = arith.constant 16 : i32
        %shift_right_arithmetic3A_1162 = vector.broadcast %shift_right_arithmetic3A_1161 : i32 to vector<16xi32>
        %shift_right_arithmetic3A_1163 = arith.shrsi %bitcast3A_1157, %shift_right_arithmetic3A_1162 : vector<16xi32>
        %and3A_1164 = arith.constant 1 : i32
        %and3A_1165 = vector.broadcast %and3A_1164 : i32 to vector<16xi32>
        %and3A_1166 = arith.andi %shift_right_arithmetic3A_1163, %and3A_1165 : vector<16xi32>
        %add3A_1167 = arith.addi %add3A_1160, %and3A_1166 : vector<16xi32>
        %and3A_1168 = arith.constant -65536 : i32
        %and3A_1169 = vector.broadcast %and3A_1168 : i32 to vector<16xi32>
        %and3A_1170 = arith.andi %add3A_1167, %and3A_1169 : vector<16xi32>
        %bitcast3A_1171 = vector.bitcast %and3A_1170 : vector<16xi32> to vector<16xf32>
        %jit3A_1172 = arith.constant 0.000000e+00 : f32
        %broadcast_in_dim3A_1173 = vector.broadcast %jit3A_1172 : f32 to vector<16xf32>
        %select_n3A_1174 = arith.select %eq3A_1151, %broadcast_in_dim3A_1173, %bitcast3A_1171 : vector<16xi1>, vector<16xf32>
        %get3A_1175 = arith.constant 80 : index
        %get3A_1176 = tpu.vector_load %arg16[%get3A_1175] {strides = array<i32>} : memref<256xf32, #tpu.memory_space<vmem>>, vector<16xf32>,
        %get3A_1177 = arith.constant 80 : index
        %get3A_1178 = tpu.vector_load %arg14[%get3A_1177] {strides = array<i32>} : memref<256xf32, #tpu.memory_space<vmem>>, vector<16xf32>,
        %select_n3A_1179 = arith.select %eq3A_599, %get3A_1176, %get3A_1178 : vector<16xf32>
        %eq3A_1180 = arith.constant 0x7F800000 : f32
        %eq3A_1181 = vector.broadcast %eq3A_1180 : f32 to vector<16xf32>
        %eq3A_1182 = arith.cmpf oeq, %select_n3A_1179, %eq3A_1181 : vector<16xf32>
        %jit3A_1183 = arith.constant 0.000000e+00 : f32
        %broadcast_in_dim3A_1184 = vector.broadcast %jit3A_1183 : f32 to vector<16xf32>
        %select_n3A_1185 = arith.select %eq3A_1182, %broadcast_in_dim3A_1184, %select_n3A_1179 : vector<16xi1>, vector<16xf32>
        %jit3A_1186 = arith.constant 0.000000e+00 : f32
        %broadcast_in_dim3A_1187 = vector.broadcast %jit3A_1186 : f32 to vector<16xf32>
        %select_n3A_1188 = arith.select %eq3A_1151, %broadcast_in_dim3A_1187, %select_n3A_1185 : vector<16xi1>, vector<16xf32>
        %get3A_1189 = arith.constant 80 : index
        %get3A_1190 = tpu.vector_load %arg10[%get3A_1189] {strides = array<i32>} : memref<256xf32, #tpu.memory_space<vmem>>, vector<16xf32>,
        %get3A_1191 = arith.constant 80 : index
        %get3A_1192 = tpu.vector_load %arg11[%get3A_1191] {strides = array<i32>} : memref<256xf32, #tpu.memory_space<vmem>>, vector<16xf32>,
        %get3A_1193 = arith.constant 80 : index
        %get3A_1194 = tpu.vector_load %arg9[%get3A_1193] {strides = array<i32>} : memref<256xf32, #tpu.memory_space<vmem>>, vector<16xf32>,
        %get3A_1195 = arith.constant 80 : index
        %get3A_1196 = tpu.vector_load %arg12[%get3A_1195] {strides = array<i32>} : memref<256xf32, #tpu.memory_space<vmem>>, vector<16xf32>,
        %sub3A_1197 = arith.constant 1.000000e+00 : f32
        %sub3A_1198 = vector.broadcast %sub3A_1197 : f32 to vector<16xf32>
        %sub3A_1199 = arith.subf %sub3A_1198, %get3A_1190 : vector<16xf32>
        %sub3A_1200 = arith.constant 1.000000e+00 : f32
        %sub3A_1201 = vector.broadcast %sub3A_1200 : f32 to vector<16xf32>
        %sub3A_1202 = arith.subf %sub3A_1201, %get3A_1192 : vector<16xf32>
        %mul3A_1203 = arith.mulf %sub3A_1199, %sub3A_1202 : vector<16xf32>
        %mul3A_1204 = arith.mulf %select_n3A_1174, %mul3A_1203 : vector<16xf32>
        %add3A_1205 = vector.broadcast %squeeze3A_525 : f32 to vector<16xf32>
        %add3A_1206 = arith.addf %add3A_1205, %select_n3A_1188 : vector<16xf32>
        %gt3A_1207 = arith.cmpf ogt, %get3A_1194, %add3A_1206 : vector<16xf32>
        %convert_element_type3A_1208 = arith.extui %gt3A_1207 : vector<16xi1> to vector<16xi32>
        %convert_element_type3A_1209 = arith.sitofp %convert_element_type3A_1208 : vector<16xi32> to vector<16xf32>
        %mul3A_1210 = arith.mulf %get3A_1190, %convert_element_type3A_1209 : vector<16xf32>
        %add3A_1211 = arith.addf %mul3A_1203, %mul3A_1210 : vector<16xf32>
        %mul3A_1212 = arith.mulf %add3A_1211, %mul3A_1204 : vector<16xf32>
        %sub3A_1213 = arith.constant 1.000000e+00 : f32
        %sub3A_1214 = vector.broadcast %sub3A_1213 : f32 to vector<16xf32>
        %sub3A_1215 = arith.subf %sub3A_1214, %mul3A_1212 : vector<16xf32>
        %mul3A_1216 = arith.mulf %add3A_1206, %mul3A_1212 : vector<16xf32>
        %mul3A_1217 = arith.mulf %get3A_1194, %sub3A_1215 : vector<16xf32>
        %add3A_1218 = arith.addf %mul3A_1216, %mul3A_1217 : vector<16xf32>
        %add3A_1219 = arith.addf %get3A_1190, %mul3A_1212 : vector<16xf32>
        %jit3A_1220 = arith.constant 0.000000e+00 : f32
        %jit3A_1221 = arith.constant 1.000000e+00 : f32
        %max3A_1222 = vector.broadcast %jit3A_1220 : f32 to vector<16xf32>
        %max3A_1223 = arith.maximumf %max3A_1222, %add3A_1219 : vector<16xf32>
        %min3A_1224 = vector.broadcast %jit3A_1221 : f32 to vector<16xf32>
        %min3A_1225 = arith.minimumf %min3A_1224, %max3A_1223 : vector<16xf32>
        %swap3A_1226 = arith.constant 80 : index
        %swap3A_1227 = tpu.vector_load %arg9[%swap3A_1226] {strides = array<i32>} : memref<256xf32, #tpu.memory_space<vmem>>, vector<16xf32>,
        tpu.vector_store %arg9[%swap3A_1226], %add3A_1218 {strides = array<i32>} : memref<256xf32, #tpu.memory_space<vmem>>, vector<16xf32>,
        %swap3A_1228 = arith.constant 80 : index
        %swap3A_1229 = tpu.vector_load %arg10[%swap3A_1228] {strides = array<i32>} : memref<256xf32, #tpu.memory_space<vmem>>, vector<16xf32>,
        tpu.vector_store %arg10[%swap3A_1228], %min3A_1225 {strides = array<i32>} : memref<256xf32, #tpu.memory_space<vmem>>, vector<16xf32>,
        %mul3A_1230 = vector.broadcast %convert_element_type3A_526 : f32 to vector<16xf32>
        %mul3A_1231 = arith.mulf %mul3A_1230, %mul3A_1212 : vector<16xf32>
        %mul3A_1232 = arith.mulf %get3A_1196, %sub3A_1215 : vector<16xf32>
        %add3A_1233 = arith.addf %mul3A_1231, %mul3A_1232 : vector<16xf32>
        %swap3A_1234 = arith.constant 80 : index
        %swap3A_1235 = tpu.vector_load %arg12[%swap3A_1234] {strides = array<i32>} : memref<256xf32, #tpu.memory_space<vmem>>, vector<16xf32>,
        tpu.vector_store %arg12[%swap3A_1234], %add3A_1233 {strides = array<i32>} : memref<256xf32, #tpu.memory_space<vmem>>, vector<16xf32>,
        %mul3A_1236 = arith.constant 5.000000e-01 : f32
        %mul3A_1237 = vector.broadcast %mul3A_1236 : f32 to vector<16xf32>
        %mul3A_1238 = arith.mulf %add3A_1218, %mul3A_1237 : vector<16xf32>
        %get3A_1239 = arith.constant 80 : index
        %get3A_1240 = tpu.vector_load %arg8[%get3A_1239] {strides = array<i32>} : memref<256xf32, #tpu.memory_space<vmem>>, vector<16xf32>,
        %mul3A_1241 = arith.constant 5.000000e-01 : f32
        %mul3A_1242 = vector.broadcast %mul3A_1241 : f32 to vector<16xf32>
        %mul3A_1243 = arith.mulf %get3A_1240, %mul3A_1242 : vector<16xf32>
        %add3A_1244 = arith.addf %mul3A_1238, %mul3A_1243 : vector<16xf32>
        %mul3A_1245 = arith.constant -1.562500e-02 : f32
        %mul3A_1246 = vector.broadcast %mul3A_1245 : f32 to vector<16xf32>
        %mul3A_1247 = arith.mulf %add3A_1244, %mul3A_1246 : vector<16xf32>
        %exp3A_1248 = math.exp %mul3A_1247 : vector<16xf32>
        %mul3A_1249 = arith.mulf %exp3A_1248, %min3A_1225 : vector<16xf32>
        %gt3A_1250 = arith.cmpf ogt, %mul3A_1249, %select_n3A_1142 : vector<16xf32>
        %select_n3A_1251 = arith.select %gt3A_1250, %mul3A_1249, %select_n3A_1142 : vector<16xi1>, vector<16xf32>
        %jit3A_1252 = arith.constant 5 : i32
        %broadcast_in_dim3A_1253 = vector.broadcast %jit3A_1252 : i32 to vector<16xi32>
        %select_n3A_1254 = arith.select %gt3A_1250, %broadcast_in_dim3A_1253, %select_n3A_1145 : vector<16xi1>, vector<16xi32>
        %add3A_1255 = arith.constant 96 : i32
        %add3A_1256 = arith.addi %mul3A_2, %add3A_1255 : i32
        %add3A_1257 = vector.broadcast %add3A_1256 : i32 to vector<16xi32>
        %add3A_1258 = arith.addi %add3A_1257, %iota3A : vector<16xi32>
        %eq3A_1259 = vector.broadcast %convert_element_type3A_523 : i32 to vector<16xi32>
        %eq3A_1260 = arith.cmpi eq, %add3A_1258, %eq3A_1259 : vector<16xi32>
        %get3A_1261 = arith.constant 96 : index
        %get3A_1262 = tpu.vector_load %arg15[%get3A_1261] {strides = array<i32>} : memref<256xf32, #tpu.memory_space<vmem>>, vector<16xf32>,
        %get3A_1263 = arith.constant 96 : index
        %get3A_1264 = tpu.vector_load %arg13[%get3A_1263] {strides = array<i32>} : memref<256xf32, #tpu.memory_space<vmem>>, vector<16xf32>,
        %select_n3A_1265 = arith.select %eq3A_599, %get3A_1262, %get3A_1264 : vector<16xf32>
        %bitcast3A_1266 = vector.bitcast %select_n3A_1265 : vector<16xf32> to vector<16xi32>
        %add3A_1267 = arith.constant 32767 : i32
        %add3A_1268 = vector.broadcast %add3A_1267 : i32 to vector<16xi32>
        %add3A_1269 = arith.addi %bitcast3A_1266, %add3A_1268 : vector<16xi32>
        %shift_right_arithmetic3A_1270 = arith.constant 16 : i32
        %shift_right_arithmetic3A_1271 = vector.broadcast %shift_right_arithmetic3A_1270 : i32 to vector<16xi32>
        %shift_right_arithmetic3A_1272 = arith.shrsi %bitcast3A_1266, %shift_right_arithmetic3A_1271 : vector<16xi32>
        %and3A_1273 = arith.constant 1 : i32
        %and3A_1274 = vector.broadcast %and3A_1273 : i32 to vector<16xi32>
        %and3A_1275 = arith.andi %shift_right_arithmetic3A_1272, %and3A_1274 : vector<16xi32>
        %add3A_1276 = arith.addi %add3A_1269, %and3A_1275 : vector<16xi32>
        %and3A_1277 = arith.constant -65536 : i32
        %and3A_1278 = vector.broadcast %and3A_1277 : i32 to vector<16xi32>
        %and3A_1279 = arith.andi %add3A_1276, %and3A_1278 : vector<16xi32>
        %bitcast3A_1280 = vector.bitcast %and3A_1279 : vector<16xi32> to vector<16xf32>
        %jit3A_1281 = arith.constant 0.000000e+00 : f32
        %broadcast_in_dim3A_1282 = vector.broadcast %jit3A_1281 : f32 to vector<16xf32>
        %select_n3A_1283 = arith.select %eq3A_1260, %broadcast_in_dim3A_1282, %bitcast3A_1280 : vector<16xi1>, vector<16xf32>
        %get3A_1284 = arith.constant 96 : index
        %get3A_1285 = tpu.vector_load %arg16[%get3A_1284] {strides = array<i32>} : memref<256xf32, #tpu.memory_space<vmem>>, vector<16xf32>,
        %get3A_1286 = arith.constant 96 : index
        %get3A_1287 = tpu.vector_load %arg14[%get3A_1286] {strides = array<i32>} : memref<256xf32, #tpu.memory_space<vmem>>, vector<16xf32>,
        %select_n3A_1288 = arith.select %eq3A_599, %get3A_1285, %get3A_1287 : vector<16xf32>
        %eq3A_1289 = arith.constant 0x7F800000 : f32
        %eq3A_1290 = vector.broadcast %eq3A_1289 : f32 to vector<16xf32>
        %eq3A_1291 = arith.cmpf oeq, %select_n3A_1288, %eq3A_1290 : vector<16xf32>
        %jit3A_1292 = arith.constant 0.000000e+00 : f32
        %broadcast_in_dim3A_1293 = vector.broadcast %jit3A_1292 : f32 to vector<16xf32>
        %select_n3A_1294 = arith.select %eq3A_1291, %broadcast_in_dim3A_1293, %select_n3A_1288 : vector<16xi1>, vector<16xf32>
        %jit3A_1295 = arith.constant 0.000000e+00 : f32
        %broadcast_in_dim3A_1296 = vector.broadcast %jit3A_1295 : f32 to vector<16xf32>
        %select_n3A_1297 = arith.select %eq3A_1260, %broadcast_in_dim3A_1296, %select_n3A_1294 : vector<16xi1>, vector<16xf32>
        %get3A_1298 = arith.constant 96 : index
        %get3A_1299 = tpu.vector_load %arg10[%get3A_1298] {strides = array<i32>} : memref<256xf32, #tpu.memory_space<vmem>>, vector<16xf32>,
        %get3A_1300 = arith.constant 96 : index
        %get3A_1301 = tpu.vector_load %arg11[%get3A_1300] {strides = array<i32>} : memref<256xf32, #tpu.memory_space<vmem>>, vector<16xf32>,
        %get3A_1302 = arith.constant 96 : index
        %get3A_1303 = tpu.vector_load %arg9[%get3A_1302] {strides = array<i32>} : memref<256xf32, #tpu.memory_space<vmem>>, vector<16xf32>,
        %get3A_1304 = arith.constant 96 : index
        %get3A_1305 = tpu.vector_load %arg12[%get3A_1304] {strides = array<i32>} : memref<256xf32, #tpu.memory_space<vmem>>, vector<16xf32>,
        %sub3A_1306 = arith.constant 1.000000e+00 : f32
        %sub3A_1307 = vector.broadcast %sub3A_1306 : f32 to vector<16xf32>
        %sub3A_1308 = arith.subf %sub3A_1307, %get3A_1299 : vector<16xf32>
        %sub3A_1309 = arith.constant 1.000000e+00 : f32
        %sub3A_1310 = vector.broadcast %sub3A_1309 : f32 to vector<16xf32>
        %sub3A_1311 = arith.subf %sub3A_1310, %get3A_1301 : vector<16xf32>
        %mul3A_1312 = arith.mulf %sub3A_1308, %sub3A_1311 : vector<16xf32>
        %mul3A_1313 = arith.mulf %select_n3A_1283, %mul3A_1312 : vector<16xf32>
        %add3A_1314 = vector.broadcast %squeeze3A_525 : f32 to vector<16xf32>
        %add3A_1315 = arith.addf %add3A_1314, %select_n3A_1297 : vector<16xf32>
        %gt3A_1316 = arith.cmpf ogt, %get3A_1303, %add3A_1315 : vector<16xf32>
        %convert_element_type3A_1317 = arith.extui %gt3A_1316 : vector<16xi1> to vector<16xi32>
        %convert_element_type3A_1318 = arith.sitofp %convert_element_type3A_1317 : vector<16xi32> to vector<16xf32>
        %mul3A_1319 = arith.mulf %get3A_1299, %convert_element_type3A_1318 : vector<16xf32>
        %add3A_1320 = arith.addf %mul3A_1312, %mul3A_1319 : vector<16xf32>
        %mul3A_1321 = arith.mulf %add3A_1320, %mul3A_1313 : vector<16xf32>
        %sub3A_1322 = arith.constant 1.000000e+00 : f32
        %sub3A_1323 = vector.broadcast %sub3A_1322 : f32 to vector<16xf32>
        %sub3A_1324 = arith.subf %sub3A_1323, %mul3A_1321 : vector<16xf32>
        %mul3A_1325 = arith.mulf %add3A_1315, %mul3A_1321 : vector<16xf32>
        %mul3A_1326 = arith.mulf %get3A_1303, %sub3A_1324 : vector<16xf32>
        %add3A_1327 = arith.addf %mul3A_1325, %mul3A_1326 : vector<16xf32>
        %add3A_1328 = arith.addf %get3A_1299, %mul3A_1321 : vector<16xf32>
        %jit3A_1329 = arith.constant 0.000000e+00 : f32
        %jit3A_1330 = arith.constant 1.000000e+00 : f32
        %max3A_1331 = vector.broadcast %jit3A_1329 : f32 to vector<16xf32>
        %max3A_1332 = arith.maximumf %max3A_1331, %add3A_1328 : vector<16xf32>
        %min3A_1333 = vector.broadcast %jit3A_1330 : f32 to vector<16xf32>
        %min3A_1334 = arith.minimumf %min3A_1333, %max3A_1332 : vector<16xf32>
        %swap3A_1335 = arith.constant 96 : index
        %swap3A_1336 = tpu.vector_load %arg9[%swap3A_1335] {strides = array<i32>} : memref<256xf32, #tpu.memory_space<vmem>>, vector<16xf32>,
        tpu.vector_store %arg9[%swap3A_1335], %add3A_1327 {strides = array<i32>} : memref<256xf32, #tpu.memory_space<vmem>>, vector<16xf32>,
        %swap3A_1337 = arith.constant 96 : index
        %swap3A_1338 = tpu.vector_load %arg10[%swap3A_1337] {strides = array<i32>} : memref<256xf32, #tpu.memory_space<vmem>>, vector<16xf32>,
        tpu.vector_store %arg10[%swap3A_1337], %min3A_1334 {strides = array<i32>} : memref<256xf32, #tpu.memory_space<vmem>>, vector<16xf32>,
        %mul3A_1339 = vector.broadcast %convert_element_type3A_526 : f32 to vector<16xf32>
        %mul3A_1340 = arith.mulf %mul3A_1339, %mul3A_1321 : vector<16xf32>
        %mul3A_1341 = arith.mulf %get3A_1305, %sub3A_1324 : vector<16xf32>
        %add3A_1342 = arith.addf %mul3A_1340, %mul3A_1341 : vector<16xf32>
        %swap3A_1343 = arith.constant 96 : index
        %swap3A_1344 = tpu.vector_load %arg12[%swap3A_1343] {strides = array<i32>} : memref<256xf32, #tpu.memory_space<vmem>>, vector<16xf32>,
        tpu.vector_store %arg12[%swap3A_1343], %add3A_1342 {strides = array<i32>} : memref<256xf32, #tpu.memory_space<vmem>>, vector<16xf32>,
        %mul3A_1345 = arith.constant 5.000000e-01 : f32
        %mul3A_1346 = vector.broadcast %mul3A_1345 : f32 to vector<16xf32>
        %mul3A_1347 = arith.mulf %add3A_1327, %mul3A_1346 : vector<16xf32>
        %get3A_1348 = arith.constant 96 : index
        %get3A_1349 = tpu.vector_load %arg8[%get3A_1348] {strides = array<i32>} : memref<256xf32, #tpu.memory_space<vmem>>, vector<16xf32>,
        %mul3A_1350 = arith.constant 5.000000e-01 : f32
        %mul3A_1351 = vector.broadcast %mul3A_1350 : f32 to vector<16xf32>
        %mul3A_1352 = arith.mulf %get3A_1349, %mul3A_1351 : vector<16xf32>
        %add3A_1353 = arith.addf %mul3A_1347, %mul3A_1352 : vector<16xf32>
        %mul3A_1354 = arith.constant -1.562500e-02 : f32
        %mul3A_1355 = vector.broadcast %mul3A_1354 : f32 to vector<16xf32>
        %mul3A_1356 = arith.mulf %add3A_1353, %mul3A_1355 : vector<16xf32>
        %exp3A_1357 = math.exp %mul3A_1356 : vector<16xf32>
        %mul3A_1358 = arith.mulf %exp3A_1357, %min3A_1334 : vector<16xf32>
        %gt3A_1359 = arith.cmpf ogt, %mul3A_1358, %select_n3A_1251 : vector<16xf32>
        %select_n3A_1360 = arith.select %gt3A_1359, %mul3A_1358, %select_n3A_1251 : vector<16xi1>, vector<16xf32>
        %jit3A_1361 = arith.constant 6 : i32
        %broadcast_in_dim3A_1362 = vector.broadcast %jit3A_1361 : i32 to vector<16xi32>
        %select_n3A_1363 = arith.select %gt3A_1359, %broadcast_in_dim3A_1362, %select_n3A_1254 : vector<16xi1>, vector<16xi32>
        %add3A_1364 = arith.constant 112 : i32
        %add3A_1365 = arith.addi %mul3A_2, %add3A_1364 : i32
        %add3A_1366 = vector.broadcast %add3A_1365 : i32 to vector<16xi32>
        %add3A_1367 = arith.addi %add3A_1366, %iota3A : vector<16xi32>
        %eq3A_1368 = vector.broadcast %convert_element_type3A_523 : i32 to vector<16xi32>
        %eq3A_1369 = arith.cmpi eq, %add3A_1367, %eq3A_1368 : vector<16xi32>
        %get3A_1370 = arith.constant 112 : index
        %get3A_1371 = tpu.vector_load %arg15[%get3A_1370] {strides = array<i32>} : memref<256xf32, #tpu.memory_space<vmem>>, vector<16xf32>,
        %get3A_1372 = arith.constant 112 : index
        %get3A_1373 = tpu.vector_load %arg13[%get3A_1372] {strides = array<i32>} : memref<256xf32, #tpu.memory_space<vmem>>, vector<16xf32>,
        %select_n3A_1374 = arith.select %eq3A_599, %get3A_1371, %get3A_1373 : vector<16xf32>
        %bitcast3A_1375 = vector.bitcast %select_n3A_1374 : vector<16xf32> to vector<16xi32>
        %add3A_1376 = arith.constant 32767 : i32
        %add3A_1377 = vector.broadcast %add3A_1376 : i32 to vector<16xi32>
        %add3A_1378 = arith.addi %bitcast3A_1375, %add3A_1377 : vector<16xi32>
        %shift_right_arithmetic3A_1379 = arith.constant 16 : i32
        %shift_right_arithmetic3A_1380 = vector.broadcast %shift_right_arithmetic3A_1379 : i32 to vector<16xi32>
        %shift_right_arithmetic3A_1381 = arith.shrsi %bitcast3A_1375, %shift_right_arithmetic3A_1380 : vector<16xi32>
        %and3A_1382 = arith.constant 1 : i32
        %and3A_1383 = vector.broadcast %and3A_1382 : i32 to vector<16xi32>
        %and3A_1384 = arith.andi %shift_right_arithmetic3A_1381, %and3A_1383 : vector<16xi32>
        %add3A_1385 = arith.addi %add3A_1378, %and3A_1384 : vector<16xi32>
        %and3A_1386 = arith.constant -65536 : i32
        %and3A_1387 = vector.broadcast %and3A_1386 : i32 to vector<16xi32>
        %and3A_1388 = arith.andi %add3A_1385, %and3A_1387 : vector<16xi32>
        %bitcast3A_1389 = vector.bitcast %and3A_1388 : vector<16xi32> to vector<16xf32>
        %jit3A_1390 = arith.constant 0.000000e+00 : f32
        %broadcast_in_dim3A_1391 = vector.broadcast %jit3A_1390 : f32 to vector<16xf32>
        %select_n3A_1392 = arith.select %eq3A_1369, %broadcast_in_dim3A_1391, %bitcast3A_1389 : vector<16xi1>, vector<16xf32>
        %get3A_1393 = arith.constant 112 : index
        %get3A_1394 = tpu.vector_load %arg16[%get3A_1393] {strides = array<i32>} : memref<256xf32, #tpu.memory_space<vmem>>, vector<16xf32>,
        %get3A_1395 = arith.constant 112 : index
        %get3A_1396 = tpu.vector_load %arg14[%get3A_1395] {strides = array<i32>} : memref<256xf32, #tpu.memory_space<vmem>>, vector<16xf32>,
        %select_n3A_1397 = arith.select %eq3A_599, %get3A_1394, %get3A_1396 : vector<16xf32>
        %eq3A_1398 = arith.constant 0x7F800000 : f32
        %eq3A_1399 = vector.broadcast %eq3A_1398 : f32 to vector<16xf32>
        %eq3A_1400 = arith.cmpf oeq, %select_n3A_1397, %eq3A_1399 : vector<16xf32>
        %jit3A_1401 = arith.constant 0.000000e+00 : f32
        %broadcast_in_dim3A_1402 = vector.broadcast %jit3A_1401 : f32 to vector<16xf32>
        %select_n3A_1403 = arith.select %eq3A_1400, %broadcast_in_dim3A_1402, %select_n3A_1397 : vector<16xi1>, vector<16xf32>
        %jit3A_1404 = arith.constant 0.000000e+00 : f32
        %broadcast_in_dim3A_1405 = vector.broadcast %jit3A_1404 : f32 to vector<16xf32>
        %select_n3A_1406 = arith.select %eq3A_1369, %broadcast_in_dim3A_1405, %select_n3A_1403 : vector<16xi1>, vector<16xf32>
        %get3A_1407 = arith.constant 112 : index
        %get3A_1408 = tpu.vector_load %arg10[%get3A_1407] {strides = array<i32>} : memref<256xf32, #tpu.memory_space<vmem>>, vector<16xf32>,
        %get3A_1409 = arith.constant 112 : index
        %get3A_1410 = tpu.vector_load %arg11[%get3A_1409] {strides = array<i32>} : memref<256xf32, #tpu.memory_space<vmem>>, vector<16xf32>,
        %get3A_1411 = arith.constant 112 : index
        %get3A_1412 = tpu.vector_load %arg9[%get3A_1411] {strides = array<i32>} : memref<256xf32, #tpu.memory_space<vmem>>, vector<16xf32>,
        %get3A_1413 = arith.constant 112 : index
        %get3A_1414 = tpu.vector_load %arg12[%get3A_1413] {strides = array<i32>} : memref<256xf32, #tpu.memory_space<vmem>>, vector<16xf32>,
        %sub3A_1415 = arith.constant 1.000000e+00 : f32
        %sub3A_1416 = vector.broadcast %sub3A_1415 : f32 to vector<16xf32>
        %sub3A_1417 = arith.subf %sub3A_1416, %get3A_1408 : vector<16xf32>
        %sub3A_1418 = arith.constant 1.000000e+00 : f32
        %sub3A_1419 = vector.broadcast %sub3A_1418 : f32 to vector<16xf32>
        %sub3A_1420 = arith.subf %sub3A_1419, %get3A_1410 : vector<16xf32>
        %mul3A_1421 = arith.mulf %sub3A_1417, %sub3A_1420 : vector<16xf32>
        %mul3A_1422 = arith.mulf %select_n3A_1392, %mul3A_1421 : vector<16xf32>
        %add3A_1423 = vector.broadcast %squeeze3A_525 : f32 to vector<16xf32>
        %add3A_1424 = arith.addf %add3A_1423, %select_n3A_1406 : vector<16xf32>
        %gt3A_1425 = arith.cmpf ogt, %get3A_1412, %add3A_1424 : vector<16xf32>
        %convert_element_type3A_1426 = arith.extui %gt3A_1425 : vector<16xi1> to vector<16xi32>
        %convert_element_type3A_1427 = arith.sitofp %convert_element_type3A_1426 : vector<16xi32> to vector<16xf32>
        %mul3A_1428 = arith.mulf %get3A_1408, %convert_element_type3A_1427 : vector<16xf32>
        %add3A_1429 = arith.addf %mul3A_1421, %mul3A_1428 : vector<16xf32>
        %mul3A_1430 = arith.mulf %add3A_1429, %mul3A_1422 : vector<16xf32>
        %sub3A_1431 = arith.constant 1.000000e+00 : f32
        %sub3A_1432 = vector.broadcast %sub3A_1431 : f32 to vector<16xf32>
        %sub3A_1433 = arith.subf %sub3A_1432, %mul3A_1430 : vector<16xf32>
        %mul3A_1434 = arith.mulf %add3A_1424, %mul3A_1430 : vector<16xf32>
        %mul3A_1435 = arith.mulf %get3A_1412, %sub3A_1433 : vector<16xf32>
        %add3A_1436 = arith.addf %mul3A_1434, %mul3A_1435 : vector<16xf32>
        %add3A_1437 = arith.addf %get3A_1408, %mul3A_1430 : vector<16xf32>
        %jit3A_1438 = arith.constant 0.000000e+00 : f32
        %jit3A_1439 = arith.constant 1.000000e+00 : f32
        %max3A_1440 = vector.broadcast %jit3A_1438 : f32 to vector<16xf32>
        %max3A_1441 = arith.maximumf %max3A_1440, %add3A_1437 : vector<16xf32>
        %min3A_1442 = vector.broadcast %jit3A_1439 : f32 to vector<16xf32>
        %min3A_1443 = arith.minimumf %min3A_1442, %max3A_1441 : vector<16xf32>
        %swap3A_1444 = arith.constant 112 : index
        %swap3A_1445 = tpu.vector_load %arg9[%swap3A_1444] {strides = array<i32>} : memref<256xf32, #tpu.memory_space<vmem>>, vector<16xf32>,
        tpu.vector_store %arg9[%swap3A_1444], %add3A_1436 {strides = array<i32>} : memref<256xf32, #tpu.memory_space<vmem>>, vector<16xf32>,
        %swap3A_1446 = arith.constant 112 : index
        %swap3A_1447 = tpu.vector_load %arg10[%swap3A_1446] {strides = array<i32>} : memref<256xf32, #tpu.memory_space<vmem>>, vector<16xf32>,
        tpu.vector_store %arg10[%swap3A_1446], %min3A_1443 {strides = array<i32>} : memref<256xf32, #tpu.memory_space<vmem>>, vector<16xf32>,
        %mul3A_1448 = vector.broadcast %convert_element_type3A_526 : f32 to vector<16xf32>
        %mul3A_1449 = arith.mulf %mul3A_1448, %mul3A_1430 : vector<16xf32>
        %mul3A_1450 = arith.mulf %get3A_1414, %sub3A_1433 : vector<16xf32>
        %add3A_1451 = arith.addf %mul3A_1449, %mul3A_1450 : vector<16xf32>
        %swap3A_1452 = arith.constant 112 : index
        %swap3A_1453 = tpu.vector_load %arg12[%swap3A_1452] {strides = array<i32>} : memref<256xf32, #tpu.memory_space<vmem>>, vector<16xf32>,
        tpu.vector_store %arg12[%swap3A_1452], %add3A_1451 {strides = array<i32>} : memref<256xf32, #tpu.memory_space<vmem>>, vector<16xf32>,
        %mul3A_1454 = arith.constant 5.000000e-01 : f32
        %mul3A_1455 = vector.broadcast %mul3A_1454 : f32 to vector<16xf32>
        %mul3A_1456 = arith.mulf %add3A_1436, %mul3A_1455 : vector<16xf32>
        %get3A_1457 = arith.constant 112 : index
        %get3A_1458 = tpu.vector_load %arg8[%get3A_1457] {strides = array<i32>} : memref<256xf32, #tpu.memory_space<vmem>>, vector<16xf32>,
        %mul3A_1459 = arith.constant 5.000000e-01 : f32
        %mul3A_1460 = vector.broadcast %mul3A_1459 : f32 to vector<16xf32>
        %mul3A_1461 = arith.mulf %get3A_1458, %mul3A_1460 : vector<16xf32>
        %add3A_1462 = arith.addf %mul3A_1456, %mul3A_1461 : vector<16xf32>
        %mul3A_1463 = arith.constant -1.562500e-02 : f32
        %mul3A_1464 = vector.broadcast %mul3A_1463 : f32 to vector<16xf32>
        %mul3A_1465 = arith.mulf %add3A_1462, %mul3A_1464 : vector<16xf32>
        %exp3A_1466 = math.exp %mul3A_1465 : vector<16xf32>
        %mul3A_1467 = arith.mulf %exp3A_1466, %min3A_1443 : vector<16xf32>
        %gt3A_1468 = arith.cmpf ogt, %mul3A_1467, %select_n3A_1360 : vector<16xf32>
        %select_n3A_1469 = arith.select %gt3A_1468, %mul3A_1467, %select_n3A_1360 : vector<16xi1>, vector<16xf32>
        %jit3A_1470 = arith.constant 7 : i32
        %broadcast_in_dim3A_1471 = vector.broadcast %jit3A_1470 : i32 to vector<16xi32>
        %select_n3A_1472 = arith.select %gt3A_1468, %broadcast_in_dim3A_1471, %select_n3A_1363 : vector<16xi1>, vector<16xi32>
        %add3A_1473 = arith.constant 128 : i32
        %add3A_1474 = arith.addi %mul3A_2, %add3A_1473 : i32
        %add3A_1475 = vector.broadcast %add3A_1474 : i32 to vector<16xi32>
        %add3A_1476 = arith.addi %add3A_1475, %iota3A : vector<16xi32>
        %eq3A_1477 = vector.broadcast %convert_element_type3A_523 : i32 to vector<16xi32>
        %eq3A_1478 = arith.cmpi eq, %add3A_1476, %eq3A_1477 : vector<16xi32>
        %get3A_1479 = arith.constant 128 : index
        %get3A_1480 = tpu.vector_load %arg15[%get3A_1479] {strides = array<i32>} : memref<256xf32, #tpu.memory_space<vmem>>, vector<16xf32>,
        %get3A_1481 = arith.constant 128 : index
        %get3A_1482 = tpu.vector_load %arg13[%get3A_1481] {strides = array<i32>} : memref<256xf32, #tpu.memory_space<vmem>>, vector<16xf32>,
        %select_n3A_1483 = arith.select %eq3A_599, %get3A_1480, %get3A_1482 : vector<16xf32>
        %bitcast3A_1484 = vector.bitcast %select_n3A_1483 : vector<16xf32> to vector<16xi32>
        %add3A_1485 = arith.constant 32767 : i32
        %add3A_1486 = vector.broadcast %add3A_1485 : i32 to vector<16xi32>
        %add3A_1487 = arith.addi %bitcast3A_1484, %add3A_1486 : vector<16xi32>
        %shift_right_arithmetic3A_1488 = arith.constant 16 : i32
        %shift_right_arithmetic3A_1489 = vector.broadcast %shift_right_arithmetic3A_1488 : i32 to vector<16xi32>
        %shift_right_arithmetic3A_1490 = arith.shrsi %bitcast3A_1484, %shift_right_arithmetic3A_1489 : vector<16xi32>
        %and3A_1491 = arith.constant 1 : i32
        %and3A_1492 = vector.broadcast %and3A_1491 : i32 to vector<16xi32>
        %and3A_1493 = arith.andi %shift_right_arithmetic3A_1490, %and3A_1492 : vector<16xi32>
        %add3A_1494 = arith.addi %add3A_1487, %and3A_1493 : vector<16xi32>
        %and3A_1495 = arith.constant -65536 : i32
        %and3A_1496 = vector.broadcast %and3A_1495 : i32 to vector<16xi32>
        %and3A_1497 = arith.andi %add3A_1494, %and3A_1496 : vector<16xi32>
        %bitcast3A_1498 = vector.bitcast %and3A_1497 : vector<16xi32> to vector<16xf32>
        %jit3A_1499 = arith.constant 0.000000e+00 : f32
        %broadcast_in_dim3A_1500 = vector.broadcast %jit3A_1499 : f32 to vector<16xf32>
        %select_n3A_1501 = arith.select %eq3A_1478, %broadcast_in_dim3A_1500, %bitcast3A_1498 : vector<16xi1>, vector<16xf32>
        %get3A_1502 = arith.constant 128 : index
        %get3A_1503 = tpu.vector_load %arg16[%get3A_1502] {strides = array<i32>} : memref<256xf32, #tpu.memory_space<vmem>>, vector<16xf32>,
        %get3A_1504 = arith.constant 128 : index
        %get3A_1505 = tpu.vector_load %arg14[%get3A_1504] {strides = array<i32>} : memref<256xf32, #tpu.memory_space<vmem>>, vector<16xf32>,
        %select_n3A_1506 = arith.select %eq3A_599, %get3A_1503, %get3A_1505 : vector<16xf32>
        %eq3A_1507 = arith.constant 0x7F800000 : f32
        %eq3A_1508 = vector.broadcast %eq3A_1507 : f32 to vector<16xf32>
        %eq3A_1509 = arith.cmpf oeq, %select_n3A_1506, %eq3A_1508 : vector<16xf32>
        %jit3A_1510 = arith.constant 0.000000e+00 : f32
        %broadcast_in_dim3A_1511 = vector.broadcast %jit3A_1510 : f32 to vector<16xf32>
        %select_n3A_1512 = arith.select %eq3A_1509, %broadcast_in_dim3A_1511, %select_n3A_1506 : vector<16xi1>, vector<16xf32>
        %jit3A_1513 = arith.constant 0.000000e+00 : f32
        %broadcast_in_dim3A_1514 = vector.broadcast %jit3A_1513 : f32 to vector<16xf32>
        %select_n3A_1515 = arith.select %eq3A_1478, %broadcast_in_dim3A_1514, %select_n3A_1512 : vector<16xi1>, vector<16xf32>
        %get3A_1516 = arith.constant 128 : index
        %get3A_1517 = tpu.vector_load %arg10[%get3A_1516] {strides = array<i32>} : memref<256xf32, #tpu.memory_space<vmem>>, vector<16xf32>,
        %get3A_1518 = arith.constant 128 : index
        %get3A_1519 = tpu.vector_load %arg11[%get3A_1518] {strides = array<i32>} : memref<256xf32, #tpu.memory_space<vmem>>, vector<16xf32>,
        %get3A_1520 = arith.constant 128 : index
        %get3A_1521 = tpu.vector_load %arg9[%get3A_1520] {strides = array<i32>} : memref<256xf32, #tpu.memory_space<vmem>>, vector<16xf32>,
        %get3A_1522 = arith.constant 128 : index
        %get3A_1523 = tpu.vector_load %arg12[%get3A_1522] {strides = array<i32>} : memref<256xf32, #tpu.memory_space<vmem>>, vector<16xf32>,
        %sub3A_1524 = arith.constant 1.000000e+00 : f32
        %sub3A_1525 = vector.broadcast %sub3A_1524 : f32 to vector<16xf32>
        %sub3A_1526 = arith.subf %sub3A_1525, %get3A_1517 : vector<16xf32>
        %sub3A_1527 = arith.constant 1.000000e+00 : f32
        %sub3A_1528 = vector.broadcast %sub3A_1527 : f32 to vector<16xf32>
        %sub3A_1529 = arith.subf %sub3A_1528, %get3A_1519 : vector<16xf32>
        %mul3A_1530 = arith.mulf %sub3A_1526, %sub3A_1529 : vector<16xf32>
        %mul3A_1531 = arith.mulf %select_n3A_1501, %mul3A_1530 : vector<16xf32>
        %add3A_1532 = vector.broadcast %squeeze3A_525 : f32 to vector<16xf32>
        %add3A_1533 = arith.addf %add3A_1532, %select_n3A_1515 : vector<16xf32>
        %gt3A_1534 = arith.cmpf ogt, %get3A_1521, %add3A_1533 : vector<16xf32>
        %convert_element_type3A_1535 = arith.extui %gt3A_1534 : vector<16xi1> to vector<16xi32>
        %convert_element_type3A_1536 = arith.sitofp %convert_element_type3A_1535 : vector<16xi32> to vector<16xf32>
        %mul3A_1537 = arith.mulf %get3A_1517, %convert_element_type3A_1536 : vector<16xf32>
        %add3A_1538 = arith.addf %mul3A_1530, %mul3A_1537 : vector<16xf32>
        %mul3A_1539 = arith.mulf %add3A_1538, %mul3A_1531 : vector<16xf32>
        %sub3A_1540 = arith.constant 1.000000e+00 : f32
        %sub3A_1541 = vector.broadcast %sub3A_1540 : f32 to vector<16xf32>
        %sub3A_1542 = arith.subf %sub3A_1541, %mul3A_1539 : vector<16xf32>
        %mul3A_1543 = arith.mulf %add3A_1533, %mul3A_1539 : vector<16xf32>
        %mul3A_1544 = arith.mulf %get3A_1521, %sub3A_1542 : vector<16xf32>
        %add3A_1545 = arith.addf %mul3A_1543, %mul3A_1544 : vector<16xf32>
        %add3A_1546 = arith.addf %get3A_1517, %mul3A_1539 : vector<16xf32>
        %jit3A_1547 = arith.constant 0.000000e+00 : f32
        %jit3A_1548 = arith.constant 1.000000e+00 : f32
        %max3A_1549 = vector.broadcast %jit3A_1547 : f32 to vector<16xf32>
        %max3A_1550 = arith.maximumf %max3A_1549, %add3A_1546 : vector<16xf32>
        %min3A_1551 = vector.broadcast %jit3A_1548 : f32 to vector<16xf32>
        %min3A_1552 = arith.minimumf %min3A_1551, %max3A_1550 : vector<16xf32>
        %swap3A_1553 = arith.constant 128 : index
        %swap3A_1554 = tpu.vector_load %arg9[%swap3A_1553] {strides = array<i32>} : memref<256xf32, #tpu.memory_space<vmem>>, vector<16xf32>,
        tpu.vector_store %arg9[%swap3A_1553], %add3A_1545 {strides = array<i32>} : memref<256xf32, #tpu.memory_space<vmem>>, vector<16xf32>,
        %swap3A_1555 = arith.constant 128 : index
        %swap3A_1556 = tpu.vector_load %arg10[%swap3A_1555] {strides = array<i32>} : memref<256xf32, #tpu.memory_space<vmem>>, vector<16xf32>,
        tpu.vector_store %arg10[%swap3A_1555], %min3A_1552 {strides = array<i32>} : memref<256xf32, #tpu.memory_space<vmem>>, vector<16xf32>,
        %mul3A_1557 = vector.broadcast %convert_element_type3A_526 : f32 to vector<16xf32>
        %mul3A_1558 = arith.mulf %mul3A_1557, %mul3A_1539 : vector<16xf32>
        %mul3A_1559 = arith.mulf %get3A_1523, %sub3A_1542 : vector<16xf32>
        %add3A_1560 = arith.addf %mul3A_1558, %mul3A_1559 : vector<16xf32>
        %swap3A_1561 = arith.constant 128 : index
        %swap3A_1562 = tpu.vector_load %arg12[%swap3A_1561] {strides = array<i32>} : memref<256xf32, #tpu.memory_space<vmem>>, vector<16xf32>,
        tpu.vector_store %arg12[%swap3A_1561], %add3A_1560 {strides = array<i32>} : memref<256xf32, #tpu.memory_space<vmem>>, vector<16xf32>,
        %mul3A_1563 = arith.constant 5.000000e-01 : f32
        %mul3A_1564 = vector.broadcast %mul3A_1563 : f32 to vector<16xf32>
        %mul3A_1565 = arith.mulf %add3A_1545, %mul3A_1564 : vector<16xf32>
        %get3A_1566 = arith.constant 128 : index
        %get3A_1567 = tpu.vector_load %arg8[%get3A_1566] {strides = array<i32>} : memref<256xf32, #tpu.memory_space<vmem>>, vector<16xf32>,
        %mul3A_1568 = arith.constant 5.000000e-01 : f32
        %mul3A_1569 = vector.broadcast %mul3A_1568 : f32 to vector<16xf32>
        %mul3A_1570 = arith.mulf %get3A_1567, %mul3A_1569 : vector<16xf32>
        %add3A_1571 = arith.addf %mul3A_1565, %mul3A_1570 : vector<16xf32>
        %mul3A_1572 = arith.constant -1.562500e-02 : f32
        %mul3A_1573 = vector.broadcast %mul3A_1572 : f32 to vector<16xf32>
        %mul3A_1574 = arith.mulf %add3A_1571, %mul3A_1573 : vector<16xf32>
        %exp3A_1575 = math.exp %mul3A_1574 : vector<16xf32>
        %mul3A_1576 = arith.mulf %exp3A_1575, %min3A_1552 : vector<16xf32>
        %gt3A_1577 = arith.cmpf ogt, %mul3A_1576, %select_n3A_1469 : vector<16xf32>
        %select_n3A_1578 = arith.select %gt3A_1577, %mul3A_1576, %select_n3A_1469 : vector<16xi1>, vector<16xf32>
        %jit3A_1579 = arith.constant 8 : i32
        %broadcast_in_dim3A_1580 = vector.broadcast %jit3A_1579 : i32 to vector<16xi32>
        %select_n3A_1581 = arith.select %gt3A_1577, %broadcast_in_dim3A_1580, %select_n3A_1472 : vector<16xi1>, vector<16xi32>
        %add3A_1582 = arith.constant 144 : i32
        %add3A_1583 = arith.addi %mul3A_2, %add3A_1582 : i32
        %add3A_1584 = vector.broadcast %add3A_1583 : i32 to vector<16xi32>
        %add3A_1585 = arith.addi %add3A_1584, %iota3A : vector<16xi32>
        %eq3A_1586 = vector.broadcast %convert_element_type3A_523 : i32 to vector<16xi32>
        %eq3A_1587 = arith.cmpi eq, %add3A_1585, %eq3A_1586 : vector<16xi32>
        %get3A_1588 = arith.constant 144 : index
        %get3A_1589 = tpu.vector_load %arg15[%get3A_1588] {strides = array<i32>} : memref<256xf32, #tpu.memory_space<vmem>>, vector<16xf32>,
        %get3A_1590 = arith.constant 144 : index
        %get3A_1591 = tpu.vector_load %arg13[%get3A_1590] {strides = array<i32>} : memref<256xf32, #tpu.memory_space<vmem>>, vector<16xf32>,
        %select_n3A_1592 = arith.select %eq3A_599, %get3A_1589, %get3A_1591 : vector<16xf32>
        %bitcast3A_1593 = vector.bitcast %select_n3A_1592 : vector<16xf32> to vector<16xi32>
        %add3A_1594 = arith.constant 32767 : i32
        %add3A_1595 = vector.broadcast %add3A_1594 : i32 to vector<16xi32>
        %add3A_1596 = arith.addi %bitcast3A_1593, %add3A_1595 : vector<16xi32>
        %shift_right_arithmetic3A_1597 = arith.constant 16 : i32
        %shift_right_arithmetic3A_1598 = vector.broadcast %shift_right_arithmetic3A_1597 : i32 to vector<16xi32>
        %shift_right_arithmetic3A_1599 = arith.shrsi %bitcast3A_1593, %shift_right_arithmetic3A_1598 : vector<16xi32>
        %and3A_1600 = arith.constant 1 : i32
        %and3A_1601 = vector.broadcast %and3A_1600 : i32 to vector<16xi32>
        %and3A_1602 = arith.andi %shift_right_arithmetic3A_1599, %and3A_1601 : vector<16xi32>
        %add3A_1603 = arith.addi %add3A_1596, %and3A_1602 : vector<16xi32>
        %and3A_1604 = arith.constant -65536 : i32
        %and3A_1605 = vector.broadcast %and3A_1604 : i32 to vector<16xi32>
        %and3A_1606 = arith.andi %add3A_1603, %and3A_1605 : vector<16xi32>
        %bitcast3A_1607 = vector.bitcast %and3A_1606 : vector<16xi32> to vector<16xf32>
        %jit3A_1608 = arith.constant 0.000000e+00 : f32
        %broadcast_in_dim3A_1609 = vector.broadcast %jit3A_1608 : f32 to vector<16xf32>
        %select_n3A_1610 = arith.select %eq3A_1587, %broadcast_in_dim3A_1609, %bitcast3A_1607 : vector<16xi1>, vector<16xf32>
        %get3A_1611 = arith.constant 144 : index
        %get3A_1612 = tpu.vector_load %arg16[%get3A_1611] {strides = array<i32>} : memref<256xf32, #tpu.memory_space<vmem>>, vector<16xf32>,
        %get3A_1613 = arith.constant 144 : index
        %get3A_1614 = tpu.vector_load %arg14[%get3A_1613] {strides = array<i32>} : memref<256xf32, #tpu.memory_space<vmem>>, vector<16xf32>,
        %select_n3A_1615 = arith.select %eq3A_599, %get3A_1612, %get3A_1614 : vector<16xf32>
        %eq3A_1616 = arith.constant 0x7F800000 : f32
        %eq3A_1617 = vector.broadcast %eq3A_1616 : f32 to vector<16xf32>
        %eq3A_1618 = arith.cmpf oeq, %select_n3A_1615, %eq3A_1617 : vector<16xf32>
        %jit3A_1619 = arith.constant 0.000000e+00 : f32
        %broadcast_in_dim3A_1620 = vector.broadcast %jit3A_1619 : f32 to vector<16xf32>
        %select_n3A_1621 = arith.select %eq3A_1618, %broadcast_in_dim3A_1620, %select_n3A_1615 : vector<16xi1>, vector<16xf32>
        %jit3A_1622 = arith.constant 0.000000e+00 : f32
        %broadcast_in_dim3A_1623 = vector.broadcast %jit3A_1622 : f32 to vector<16xf32>
        %select_n3A_1624 = arith.select %eq3A_1587, %broadcast_in_dim3A_1623, %select_n3A_1621 : vector<16xi1>, vector<16xf32>
        %get3A_1625 = arith.constant 144 : index
        %get3A_1626 = tpu.vector_load %arg10[%get3A_1625] {strides = array<i32>} : memref<256xf32, #tpu.memory_space<vmem>>, vector<16xf32>,
        %get3A_1627 = arith.constant 144 : index
        %get3A_1628 = tpu.vector_load %arg11[%get3A_1627] {strides = array<i32>} : memref<256xf32, #tpu.memory_space<vmem>>, vector<16xf32>,
        %get3A_1629 = arith.constant 144 : index
        %get3A_1630 = tpu.vector_load %arg9[%get3A_1629] {strides = array<i32>} : memref<256xf32, #tpu.memory_space<vmem>>, vector<16xf32>,
        %get3A_1631 = arith.constant 144 : index
        %get3A_1632 = tpu.vector_load %arg12[%get3A_1631] {strides = array<i32>} : memref<256xf32, #tpu.memory_space<vmem>>, vector<16xf32>,
        %sub3A_1633 = arith.constant 1.000000e+00 : f32
        %sub3A_1634 = vector.broadcast %sub3A_1633 : f32 to vector<16xf32>
        %sub3A_1635 = arith.subf %sub3A_1634, %get3A_1626 : vector<16xf32>
        %sub3A_1636 = arith.constant 1.000000e+00 : f32
        %sub3A_1637 = vector.broadcast %sub3A_1636 : f32 to vector<16xf32>
        %sub3A_1638 = arith.subf %sub3A_1637, %get3A_1628 : vector<16xf32>
        %mul3A_1639 = arith.mulf %sub3A_1635, %sub3A_1638 : vector<16xf32>
        %mul3A_1640 = arith.mulf %select_n3A_1610, %mul3A_1639 : vector<16xf32>
        %add3A_1641 = vector.broadcast %squeeze3A_525 : f32 to vector<16xf32>
        %add3A_1642 = arith.addf %add3A_1641, %select_n3A_1624 : vector<16xf32>
        %gt3A_1643 = arith.cmpf ogt, %get3A_1630, %add3A_1642 : vector<16xf32>
        %convert_element_type3A_1644 = arith.extui %gt3A_1643 : vector<16xi1> to vector<16xi32>
        %convert_element_type3A_1645 = arith.sitofp %convert_element_type3A_1644 : vector<16xi32> to vector<16xf32>
        %mul3A_1646 = arith.mulf %get3A_1626, %convert_element_type3A_1645 : vector<16xf32>
        %add3A_1647 = arith.addf %mul3A_1639, %mul3A_1646 : vector<16xf32>
        %mul3A_1648 = arith.mulf %add3A_1647, %mul3A_1640 : vector<16xf32>
        %sub3A_1649 = arith.constant 1.000000e+00 : f32
        %sub3A_1650 = vector.broadcast %sub3A_1649 : f32 to vector<16xf32>
        %sub3A_1651 = arith.subf %sub3A_1650, %mul3A_1648 : vector<16xf32>
        %mul3A_1652 = arith.mulf %add3A_1642, %mul3A_1648 : vector<16xf32>
        %mul3A_1653 = arith.mulf %get3A_1630, %sub3A_1651 : vector<16xf32>
        %add3A_1654 = arith.addf %mul3A_1652, %mul3A_1653 : vector<16xf32>
        %add3A_1655 = arith.addf %get3A_1626, %mul3A_1648 : vector<16xf32>
        %jit3A_1656 = arith.constant 0.000000e+00 : f32
        %jit3A_1657 = arith.constant 1.000000e+00 : f32
        %max3A_1658 = vector.broadcast %jit3A_1656 : f32 to vector<16xf32>
        %max3A_1659 = arith.maximumf %max3A_1658, %add3A_1655 : vector<16xf32>
        %min3A_1660 = vector.broadcast %jit3A_1657 : f32 to vector<16xf32>
        %min3A_1661 = arith.minimumf %min3A_1660, %max3A_1659 : vector<16xf32>
        %swap3A_1662 = arith.constant 144 : index
        %swap3A_1663 = tpu.vector_load %arg9[%swap3A_1662] {strides = array<i32>} : memref<256xf32, #tpu.memory_space<vmem>>, vector<16xf32>,
        tpu.vector_store %arg9[%swap3A_1662], %add3A_1654 {strides = array<i32>} : memref<256xf32, #tpu.memory_space<vmem>>, vector<16xf32>,
        %swap3A_1664 = arith.constant 144 : index
        %swap3A_1665 = tpu.vector_load %arg10[%swap3A_1664] {strides = array<i32>} : memref<256xf32, #tpu.memory_space<vmem>>, vector<16xf32>,
        tpu.vector_store %arg10[%swap3A_1664], %min3A_1661 {strides = array<i32>} : memref<256xf32, #tpu.memory_space<vmem>>, vector<16xf32>,
        %mul3A_1666 = vector.broadcast %convert_element_type3A_526 : f32 to vector<16xf32>
        %mul3A_1667 = arith.mulf %mul3A_1666, %mul3A_1648 : vector<16xf32>
        %mul3A_1668 = arith.mulf %get3A_1632, %sub3A_1651 : vector<16xf32>
        %add3A_1669 = arith.addf %mul3A_1667, %mul3A_1668 : vector<16xf32>
        %swap3A_1670 = arith.constant 144 : index
        %swap3A_1671 = tpu.vector_load %arg12[%swap3A_1670] {strides = array<i32>} : memref<256xf32, #tpu.memory_space<vmem>>, vector<16xf32>,
        tpu.vector_store %arg12[%swap3A_1670], %add3A_1669 {strides = array<i32>} : memref<256xf32, #tpu.memory_space<vmem>>, vector<16xf32>,
        %mul3A_1672 = arith.constant 5.000000e-01 : f32
        %mul3A_1673 = vector.broadcast %mul3A_1672 : f32 to vector<16xf32>
        %mul3A_1674 = arith.mulf %add3A_1654, %mul3A_1673 : vector<16xf32>
        %get3A_1675 = arith.constant 144 : index
        %get3A_1676 = tpu.vector_load %arg8[%get3A_1675] {strides = array<i32>} : memref<256xf32, #tpu.memory_space<vmem>>, vector<16xf32>,
        %mul3A_1677 = arith.constant 5.000000e-01 : f32
        %mul3A_1678 = vector.broadcast %mul3A_1677 : f32 to vector<16xf32>
        %mul3A_1679 = arith.mulf %get3A_1676, %mul3A_1678 : vector<16xf32>
        %add3A_1680 = arith.addf %mul3A_1674, %mul3A_1679 : vector<16xf32>
        %mul3A_1681 = arith.constant -1.562500e-02 : f32
        %mul3A_1682 = vector.broadcast %mul3A_1681 : f32 to vector<16xf32>
        %mul3A_1683 = arith.mulf %add3A_1680, %mul3A_1682 : vector<16xf32>
        %exp3A_1684 = math.exp %mul3A_1683 : vector<16xf32>
        %mul3A_1685 = arith.mulf %exp3A_1684, %min3A_1661 : vector<16xf32>
        %gt3A_1686 = arith.cmpf ogt, %mul3A_1685, %select_n3A_1578 : vector<16xf32>
        %select_n3A_1687 = arith.select %gt3A_1686, %mul3A_1685, %select_n3A_1578 : vector<16xi1>, vector<16xf32>
        %jit3A_1688 = arith.constant 9 : i32
        %broadcast_in_dim3A_1689 = vector.broadcast %jit3A_1688 : i32 to vector<16xi32>
        %select_n3A_1690 = arith.select %gt3A_1686, %broadcast_in_dim3A_1689, %select_n3A_1581 : vector<16xi1>, vector<16xi32>
        %add3A_1691 = arith.constant 160 : i32
        %add3A_1692 = arith.addi %mul3A_2, %add3A_1691 : i32
        %add3A_1693 = vector.broadcast %add3A_1692 : i32 to vector<16xi32>
        %add3A_1694 = arith.addi %add3A_1693, %iota3A : vector<16xi32>
        %eq3A_1695 = vector.broadcast %convert_element_type3A_523 : i32 to vector<16xi32>
        %eq3A_1696 = arith.cmpi eq, %add3A_1694, %eq3A_1695 : vector<16xi32>
        %get3A_1697 = arith.constant 160 : index
        %get3A_1698 = tpu.vector_load %arg15[%get3A_1697] {strides = array<i32>} : memref<256xf32, #tpu.memory_space<vmem>>, vector<16xf32>,
        %get3A_1699 = arith.constant 160 : index
        %get3A_1700 = tpu.vector_load %arg13[%get3A_1699] {strides = array<i32>} : memref<256xf32, #tpu.memory_space<vmem>>, vector<16xf32>,
        %select_n3A_1701 = arith.select %eq3A_599, %get3A_1698, %get3A_1700 : vector<16xf32>
        %bitcast3A_1702 = vector.bitcast %select_n3A_1701 : vector<16xf32> to vector<16xi32>
        %add3A_1703 = arith.constant 32767 : i32
        %add3A_1704 = vector.broadcast %add3A_1703 : i32 to vector<16xi32>
        %add3A_1705 = arith.addi %bitcast3A_1702, %add3A_1704 : vector<16xi32>
        %shift_right_arithmetic3A_1706 = arith.constant 16 : i32
        %shift_right_arithmetic3A_1707 = vector.broadcast %shift_right_arithmetic3A_1706 : i32 to vector<16xi32>
        %shift_right_arithmetic3A_1708 = arith.shrsi %bitcast3A_1702, %shift_right_arithmetic3A_1707 : vector<16xi32>
        %and3A_1709 = arith.constant 1 : i32
        %and3A_1710 = vector.broadcast %and3A_1709 : i32 to vector<16xi32>
        %and3A_1711 = arith.andi %shift_right_arithmetic3A_1708, %and3A_1710 : vector<16xi32>
        %add3A_1712 = arith.addi %add3A_1705, %and3A_1711 : vector<16xi32>
        %and3A_1713 = arith.constant -65536 : i32
        %and3A_1714 = vector.broadcast %and3A_1713 : i32 to vector<16xi32>
        %and3A_1715 = arith.andi %add3A_1712, %and3A_1714 : vector<16xi32>
        %bitcast3A_1716 = vector.bitcast %and3A_1715 : vector<16xi32> to vector<16xf32>
        %jit3A_1717 = arith.constant 0.000000e+00 : f32
        %broadcast_in_dim3A_1718 = vector.broadcast %jit3A_1717 : f32 to vector<16xf32>
        %select_n3A_1719 = arith.select %eq3A_1696, %broadcast_in_dim3A_1718, %bitcast3A_1716 : vector<16xi1>, vector<16xf32>
        %get3A_1720 = arith.constant 160 : index
        %get3A_1721 = tpu.vector_load %arg16[%get3A_1720] {strides = array<i32>} : memref<256xf32, #tpu.memory_space<vmem>>, vector<16xf32>,
        %get3A_1722 = arith.constant 160 : index
        %get3A_1723 = tpu.vector_load %arg14[%get3A_1722] {strides = array<i32>} : memref<256xf32, #tpu.memory_space<vmem>>, vector<16xf32>,
        %select_n3A_1724 = arith.select %eq3A_599, %get3A_1721, %get3A_1723 : vector<16xf32>
        %eq3A_1725 = arith.constant 0x7F800000 : f32
        %eq3A_1726 = vector.broadcast %eq3A_1725 : f32 to vector<16xf32>
        %eq3A_1727 = arith.cmpf oeq, %select_n3A_1724, %eq3A_1726 : vector<16xf32>
        %jit3A_1728 = arith.constant 0.000000e+00 : f32
        %broadcast_in_dim3A_1729 = vector.broadcast %jit3A_1728 : f32 to vector<16xf32>
        %select_n3A_1730 = arith.select %eq3A_1727, %broadcast_in_dim3A_1729, %select_n3A_1724 : vector<16xi1>, vector<16xf32>
        %jit3A_1731 = arith.constant 0.000000e+00 : f32
        %broadcast_in_dim3A_1732 = vector.broadcast %jit3A_1731 : f32 to vector<16xf32>
        %select_n3A_1733 = arith.select %eq3A_1696, %broadcast_in_dim3A_1732, %select_n3A_1730 : vector<16xi1>, vector<16xf32>
        %get3A_1734 = arith.constant 160 : index
        %get3A_1735 = tpu.vector_load %arg10[%get3A_1734] {strides = array<i32>} : memref<256xf32, #tpu.memory_space<vmem>>, vector<16xf32>,
        %get3A_1736 = arith.constant 160 : index
        %get3A_1737 = tpu.vector_load %arg11[%get3A_1736] {strides = array<i32>} : memref<256xf32, #tpu.memory_space<vmem>>, vector<16xf32>,
        %get3A_1738 = arith.constant 160 : index
        %get3A_1739 = tpu.vector_load %arg9[%get3A_1738] {strides = array<i32>} : memref<256xf32, #tpu.memory_space<vmem>>, vector<16xf32>,
        %get3A_1740 = arith.constant 160 : index
        %get3A_1741 = tpu.vector_load %arg12[%get3A_1740] {strides = array<i32>} : memref<256xf32, #tpu.memory_space<vmem>>, vector<16xf32>,
        %sub3A_1742 = arith.constant 1.000000e+00 : f32
        %sub3A_1743 = vector.broadcast %sub3A_1742 : f32 to vector<16xf32>
        %sub3A_1744 = arith.subf %sub3A_1743, %get3A_1735 : vector<16xf32>
        %sub3A_1745 = arith.constant 1.000000e+00 : f32
        %sub3A_1746 = vector.broadcast %sub3A_1745 : f32 to vector<16xf32>
        %sub3A_1747 = arith.subf %sub3A_1746, %get3A_1737 : vector<16xf32>
        %mul3A_1748 = arith.mulf %sub3A_1744, %sub3A_1747 : vector<16xf32>
        %mul3A_1749 = arith.mulf %select_n3A_1719, %mul3A_1748 : vector<16xf32>
        %add3A_1750 = vector.broadcast %squeeze3A_525 : f32 to vector<16xf32>
        %add3A_1751 = arith.addf %add3A_1750, %select_n3A_1733 : vector<16xf32>
        %gt3A_1752 = arith.cmpf ogt, %get3A_1739, %add3A_1751 : vector<16xf32>
        %convert_element_type3A_1753 = arith.extui %gt3A_1752 : vector<16xi1> to vector<16xi32>
        %convert_element_type3A_1754 = arith.sitofp %convert_element_type3A_1753 : vector<16xi32> to vector<16xf32>
        %mul3A_1755 = arith.mulf %get3A_1735, %convert_element_type3A_1754 : vector<16xf32>
        %add3A_1756 = arith.addf %mul3A_1748, %mul3A_1755 : vector<16xf32>
        %mul3A_1757 = arith.mulf %add3A_1756, %mul3A_1749 : vector<16xf32>
        %sub3A_1758 = arith.constant 1.000000e+00 : f32
        %sub3A_1759 = vector.broadcast %sub3A_1758 : f32 to vector<16xf32>
        %sub3A_1760 = arith.subf %sub3A_1759, %mul3A_1757 : vector<16xf32>
        %mul3A_1761 = arith.mulf %add3A_1751, %mul3A_1757 : vector<16xf32>
        %mul3A_1762 = arith.mulf %get3A_1739, %sub3A_1760 : vector<16xf32>
        %add3A_1763 = arith.addf %mul3A_1761, %mul3A_1762 : vector<16xf32>
        %add3A_1764 = arith.addf %get3A_1735, %mul3A_1757 : vector<16xf32>
        %jit3A_1765 = arith.constant 0.000000e+00 : f32
        %jit3A_1766 = arith.constant 1.000000e+00 : f32
        %max3A_1767 = vector.broadcast %jit3A_1765 : f32 to vector<16xf32>
        %max3A_1768 = arith.maximumf %max3A_1767, %add3A_1764 : vector<16xf32>
        %min3A_1769 = vector.broadcast %jit3A_1766 : f32 to vector<16xf32>
        %min3A_1770 = arith.minimumf %min3A_1769, %max3A_1768 : vector<16xf32>
        %swap3A_1771 = arith.constant 160 : index
        %swap3A_1772 = tpu.vector_load %arg9[%swap3A_1771] {strides = array<i32>} : memref<256xf32, #tpu.memory_space<vmem>>, vector<16xf32>,
        tpu.vector_store %arg9[%swap3A_1771], %add3A_1763 {strides = array<i32>} : memref<256xf32, #tpu.memory_space<vmem>>, vector<16xf32>,
        %swap3A_1773 = arith.constant 160 : index
        %swap3A_1774 = tpu.vector_load %arg10[%swap3A_1773] {strides = array<i32>} : memref<256xf32, #tpu.memory_space<vmem>>, vector<16xf32>,
        tpu.vector_store %arg10[%swap3A_1773], %min3A_1770 {strides = array<i32>} : memref<256xf32, #tpu.memory_space<vmem>>, vector<16xf32>,
        %mul3A_1775 = vector.broadcast %convert_element_type3A_526 : f32 to vector<16xf32>
        %mul3A_1776 = arith.mulf %mul3A_1775, %mul3A_1757 : vector<16xf32>
        %mul3A_1777 = arith.mulf %get3A_1741, %sub3A_1760 : vector<16xf32>
        %add3A_1778 = arith.addf %mul3A_1776, %mul3A_1777 : vector<16xf32>
        %swap3A_1779 = arith.constant 160 : index
        %swap3A_1780 = tpu.vector_load %arg12[%swap3A_1779] {strides = array<i32>} : memref<256xf32, #tpu.memory_space<vmem>>, vector<16xf32>,
        tpu.vector_store %arg12[%swap3A_1779], %add3A_1778 {strides = array<i32>} : memref<256xf32, #tpu.memory_space<vmem>>, vector<16xf32>,
        %mul3A_1781 = arith.constant 5.000000e-01 : f32
        %mul3A_1782 = vector.broadcast %mul3A_1781 : f32 to vector<16xf32>
        %mul3A_1783 = arith.mulf %add3A_1763, %mul3A_1782 : vector<16xf32>
        %get3A_1784 = arith.constant 160 : index
        %get3A_1785 = tpu.vector_load %arg8[%get3A_1784] {strides = array<i32>} : memref<256xf32, #tpu.memory_space<vmem>>, vector<16xf32>,
        %mul3A_1786 = arith.constant 5.000000e-01 : f32
        %mul3A_1787 = vector.broadcast %mul3A_1786 : f32 to vector<16xf32>
        %mul3A_1788 = arith.mulf %get3A_1785, %mul3A_1787 : vector<16xf32>
        %add3A_1789 = arith.addf %mul3A_1783, %mul3A_1788 : vector<16xf32>
        %mul3A_1790 = arith.constant -1.562500e-02 : f32
        %mul3A_1791 = vector.broadcast %mul3A_1790 : f32 to vector<16xf32>
        %mul3A_1792 = arith.mulf %add3A_1789, %mul3A_1791 : vector<16xf32>
        %exp3A_1793 = math.exp %mul3A_1792 : vector<16xf32>
        %mul3A_1794 = arith.mulf %exp3A_1793, %min3A_1770 : vector<16xf32>
        %gt3A_1795 = arith.cmpf ogt, %mul3A_1794, %select_n3A_1687 : vector<16xf32>
        %select_n3A_1796 = arith.select %gt3A_1795, %mul3A_1794, %select_n3A_1687 : vector<16xi1>, vector<16xf32>
        %jit3A_1797 = arith.constant 10 : i32
        %broadcast_in_dim3A_1798 = vector.broadcast %jit3A_1797 : i32 to vector<16xi32>
        %select_n3A_1799 = arith.select %gt3A_1795, %broadcast_in_dim3A_1798, %select_n3A_1690 : vector<16xi1>, vector<16xi32>
        %add3A_1800 = arith.constant 176 : i32
        %add3A_1801 = arith.addi %mul3A_2, %add3A_1800 : i32
        %add3A_1802 = vector.broadcast %add3A_1801 : i32 to vector<16xi32>
        %add3A_1803 = arith.addi %add3A_1802, %iota3A : vector<16xi32>
        %eq3A_1804 = vector.broadcast %convert_element_type3A_523 : i32 to vector<16xi32>
        %eq3A_1805 = arith.cmpi eq, %add3A_1803, %eq3A_1804 : vector<16xi32>
        %get3A_1806 = arith.constant 176 : index
        %get3A_1807 = tpu.vector_load %arg15[%get3A_1806] {strides = array<i32>} : memref<256xf32, #tpu.memory_space<vmem>>, vector<16xf32>,
        %get3A_1808 = arith.constant 176 : index
        %get3A_1809 = tpu.vector_load %arg13[%get3A_1808] {strides = array<i32>} : memref<256xf32, #tpu.memory_space<vmem>>, vector<16xf32>,
        %select_n3A_1810 = arith.select %eq3A_599, %get3A_1807, %get3A_1809 : vector<16xf32>
        %bitcast3A_1811 = vector.bitcast %select_n3A_1810 : vector<16xf32> to vector<16xi32>
        %add3A_1812 = arith.constant 32767 : i32
        %add3A_1813 = vector.broadcast %add3A_1812 : i32 to vector<16xi32>
        %add3A_1814 = arith.addi %bitcast3A_1811, %add3A_1813 : vector<16xi32>
        %shift_right_arithmetic3A_1815 = arith.constant 16 : i32
        %shift_right_arithmetic3A_1816 = vector.broadcast %shift_right_arithmetic3A_1815 : i32 to vector<16xi32>
        %shift_right_arithmetic3A_1817 = arith.shrsi %bitcast3A_1811, %shift_right_arithmetic3A_1816 : vector<16xi32>
        %and3A_1818 = arith.constant 1 : i32
        %and3A_1819 = vector.broadcast %and3A_1818 : i32 to vector<16xi32>
        %and3A_1820 = arith.andi %shift_right_arithmetic3A_1817, %and3A_1819 : vector<16xi32>
        %add3A_1821 = arith.addi %add3A_1814, %and3A_1820 : vector<16xi32>
        %and3A_1822 = arith.constant -65536 : i32
        %and3A_1823 = vector.broadcast %and3A_1822 : i32 to vector<16xi32>
        %and3A_1824 = arith.andi %add3A_1821, %and3A_1823 : vector<16xi32>
        %bitcast3A_1825 = vector.bitcast %and3A_1824 : vector<16xi32> to vector<16xf32>
        %jit3A_1826 = arith.constant 0.000000e+00 : f32
        %broadcast_in_dim3A_1827 = vector.broadcast %jit3A_1826 : f32 to vector<16xf32>
        %select_n3A_1828 = arith.select %eq3A_1805, %broadcast_in_dim3A_1827, %bitcast3A_1825 : vector<16xi1>, vector<16xf32>
        %get3A_1829 = arith.constant 176 : index
        %get3A_1830 = tpu.vector_load %arg16[%get3A_1829] {strides = array<i32>} : memref<256xf32, #tpu.memory_space<vmem>>, vector<16xf32>,
        %get3A_1831 = arith.constant 176 : index
        %get3A_1832 = tpu.vector_load %arg14[%get3A_1831] {strides = array<i32>} : memref<256xf32, #tpu.memory_space<vmem>>, vector<16xf32>,
        %select_n3A_1833 = arith.select %eq3A_599, %get3A_1830, %get3A_1832 : vector<16xf32>
        %eq3A_1834 = arith.constant 0x7F800000 : f32
        %eq3A_1835 = vector.broadcast %eq3A_1834 : f32 to vector<16xf32>
        %eq3A_1836 = arith.cmpf oeq, %select_n3A_1833, %eq3A_1835 : vector<16xf32>
        %jit3A_1837 = arith.constant 0.000000e+00 : f32
        %broadcast_in_dim3A_1838 = vector.broadcast %jit3A_1837 : f32 to vector<16xf32>
        %select_n3A_1839 = arith.select %eq3A_1836, %broadcast_in_dim3A_1838, %select_n3A_1833 : vector<16xi1>, vector<16xf32>
        %jit3A_1840 = arith.constant 0.000000e+00 : f32
        %broadcast_in_dim3A_1841 = vector.broadcast %jit3A_1840 : f32 to vector<16xf32>
        %select_n3A_1842 = arith.select %eq3A_1805, %broadcast_in_dim3A_1841, %select_n3A_1839 : vector<16xi1>, vector<16xf32>
        %get3A_1843 = arith.constant 176 : index
        %get3A_1844 = tpu.vector_load %arg10[%get3A_1843] {strides = array<i32>} : memref<256xf32, #tpu.memory_space<vmem>>, vector<16xf32>,
        %get3A_1845 = arith.constant 176 : index
        %get3A_1846 = tpu.vector_load %arg11[%get3A_1845] {strides = array<i32>} : memref<256xf32, #tpu.memory_space<vmem>>, vector<16xf32>,
        %get3A_1847 = arith.constant 176 : index
        %get3A_1848 = tpu.vector_load %arg9[%get3A_1847] {strides = array<i32>} : memref<256xf32, #tpu.memory_space<vmem>>, vector<16xf32>,
        %get3A_1849 = arith.constant 176 : index
        %get3A_1850 = tpu.vector_load %arg12[%get3A_1849] {strides = array<i32>} : memref<256xf32, #tpu.memory_space<vmem>>, vector<16xf32>,
        %sub3A_1851 = arith.constant 1.000000e+00 : f32
        %sub3A_1852 = vector.broadcast %sub3A_1851 : f32 to vector<16xf32>
        %sub3A_1853 = arith.subf %sub3A_1852, %get3A_1844 : vector<16xf32>
        %sub3A_1854 = arith.constant 1.000000e+00 : f32
        %sub3A_1855 = vector.broadcast %sub3A_1854 : f32 to vector<16xf32>
        %sub3A_1856 = arith.subf %sub3A_1855, %get3A_1846 : vector<16xf32>
        %mul3A_1857 = arith.mulf %sub3A_1853, %sub3A_1856 : vector<16xf32>
        %mul3A_1858 = arith.mulf %select_n3A_1828, %mul3A_1857 : vector<16xf32>
        %add3A_1859 = vector.broadcast %squeeze3A_525 : f32 to vector<16xf32>
        %add3A_1860 = arith.addf %add3A_1859, %select_n3A_1842 : vector<16xf32>
        %gt3A_1861 = arith.cmpf ogt, %get3A_1848, %add3A_1860 : vector<16xf32>
        %convert_element_type3A_1862 = arith.extui %gt3A_1861 : vector<16xi1> to vector<16xi32>
        %convert_element_type3A_1863 = arith.sitofp %convert_element_type3A_1862 : vector<16xi32> to vector<16xf32>
        %mul3A_1864 = arith.mulf %get3A_1844, %convert_element_type3A_1863 : vector<16xf32>
        %add3A_1865 = arith.addf %mul3A_1857, %mul3A_1864 : vector<16xf32>
        %mul3A_1866 = arith.mulf %add3A_1865, %mul3A_1858 : vector<16xf32>
        %sub3A_1867 = arith.constant 1.000000e+00 : f32
        %sub3A_1868 = vector.broadcast %sub3A_1867 : f32 to vector<16xf32>
        %sub3A_1869 = arith.subf %sub3A_1868, %mul3A_1866 : vector<16xf32>
        %mul3A_1870 = arith.mulf %add3A_1860, %mul3A_1866 : vector<16xf32>
        %mul3A_1871 = arith.mulf %get3A_1848, %sub3A_1869 : vector<16xf32>
        %add3A_1872 = arith.addf %mul3A_1870, %mul3A_1871 : vector<16xf32>
        %add3A_1873 = arith.addf %get3A_1844, %mul3A_1866 : vector<16xf32>
        %jit3A_1874 = arith.constant 0.000000e+00 : f32
        %jit3A_1875 = arith.constant 1.000000e+00 : f32
        %max3A_1876 = vector.broadcast %jit3A_1874 : f32 to vector<16xf32>
        %max3A_1877 = arith.maximumf %max3A_1876, %add3A_1873 : vector<16xf32>
        %min3A_1878 = vector.broadcast %jit3A_1875 : f32 to vector<16xf32>
        %min3A_1879 = arith.minimumf %min3A_1878, %max3A_1877 : vector<16xf32>
        %swap3A_1880 = arith.constant 176 : index
        %swap3A_1881 = tpu.vector_load %arg9[%swap3A_1880] {strides = array<i32>} : memref<256xf32, #tpu.memory_space<vmem>>, vector<16xf32>,
        tpu.vector_store %arg9[%swap3A_1880], %add3A_1872 {strides = array<i32>} : memref<256xf32, #tpu.memory_space<vmem>>, vector<16xf32>,
        %swap3A_1882 = arith.constant 176 : index
        %swap3A_1883 = tpu.vector_load %arg10[%swap3A_1882] {strides = array<i32>} : memref<256xf32, #tpu.memory_space<vmem>>, vector<16xf32>,
        tpu.vector_store %arg10[%swap3A_1882], %min3A_1879 {strides = array<i32>} : memref<256xf32, #tpu.memory_space<vmem>>, vector<16xf32>,
        %mul3A_1884 = vector.broadcast %convert_element_type3A_526 : f32 to vector<16xf32>
        %mul3A_1885 = arith.mulf %mul3A_1884, %mul3A_1866 : vector<16xf32>
        %mul3A_1886 = arith.mulf %get3A_1850, %sub3A_1869 : vector<16xf32>
        %add3A_1887 = arith.addf %mul3A_1885, %mul3A_1886 : vector<16xf32>
        %swap3A_1888 = arith.constant 176 : index
        %swap3A_1889 = tpu.vector_load %arg12[%swap3A_1888] {strides = array<i32>} : memref<256xf32, #tpu.memory_space<vmem>>, vector<16xf32>,
        tpu.vector_store %arg12[%swap3A_1888], %add3A_1887 {strides = array<i32>} : memref<256xf32, #tpu.memory_space<vmem>>, vector<16xf32>,
        %mul3A_1890 = arith.constant 5.000000e-01 : f32
        %mul3A_1891 = vector.broadcast %mul3A_1890 : f32 to vector<16xf32>
        %mul3A_1892 = arith.mulf %add3A_1872, %mul3A_1891 : vector<16xf32>
        %get3A_1893 = arith.constant 176 : index
        %get3A_1894 = tpu.vector_load %arg8[%get3A_1893] {strides = array<i32>} : memref<256xf32, #tpu.memory_space<vmem>>, vector<16xf32>,
        %mul3A_1895 = arith.constant 5.000000e-01 : f32
        %mul3A_1896 = vector.broadcast %mul3A_1895 : f32 to vector<16xf32>
        %mul3A_1897 = arith.mulf %get3A_1894, %mul3A_1896 : vector<16xf32>
        %add3A_1898 = arith.addf %mul3A_1892, %mul3A_1897 : vector<16xf32>
        %mul3A_1899 = arith.constant -1.562500e-02 : f32
        %mul3A_1900 = vector.broadcast %mul3A_1899 : f32 to vector<16xf32>
        %mul3A_1901 = arith.mulf %add3A_1898, %mul3A_1900 : vector<16xf32>
        %exp3A_1902 = math.exp %mul3A_1901 : vector<16xf32>
        %mul3A_1903 = arith.mulf %exp3A_1902, %min3A_1879 : vector<16xf32>
        %gt3A_1904 = arith.cmpf ogt, %mul3A_1903, %select_n3A_1796 : vector<16xf32>
        %select_n3A_1905 = arith.select %gt3A_1904, %mul3A_1903, %select_n3A_1796 : vector<16xi1>, vector<16xf32>
        %jit3A_1906 = arith.constant 11 : i32
        %broadcast_in_dim3A_1907 = vector.broadcast %jit3A_1906 : i32 to vector<16xi32>
        %select_n3A_1908 = arith.select %gt3A_1904, %broadcast_in_dim3A_1907, %select_n3A_1799 : vector<16xi1>, vector<16xi32>
        %add3A_1909 = arith.constant 192 : i32
        %add3A_1910 = arith.addi %mul3A_2, %add3A_1909 : i32
        %add3A_1911 = vector.broadcast %add3A_1910 : i32 to vector<16xi32>
        %add3A_1912 = arith.addi %add3A_1911, %iota3A : vector<16xi32>
        %eq3A_1913 = vector.broadcast %convert_element_type3A_523 : i32 to vector<16xi32>
        %eq3A_1914 = arith.cmpi eq, %add3A_1912, %eq3A_1913 : vector<16xi32>
        %get3A_1915 = arith.constant 192 : index
        %get3A_1916 = tpu.vector_load %arg15[%get3A_1915] {strides = array<i32>} : memref<256xf32, #tpu.memory_space<vmem>>, vector<16xf32>,
        %get3A_1917 = arith.constant 192 : index
        %get3A_1918 = tpu.vector_load %arg13[%get3A_1917] {strides = array<i32>} : memref<256xf32, #tpu.memory_space<vmem>>, vector<16xf32>,
        %select_n3A_1919 = arith.select %eq3A_599, %get3A_1916, %get3A_1918 : vector<16xf32>
        %bitcast3A_1920 = vector.bitcast %select_n3A_1919 : vector<16xf32> to vector<16xi32>
        %add3A_1921 = arith.constant 32767 : i32
        %add3A_1922 = vector.broadcast %add3A_1921 : i32 to vector<16xi32>
        %add3A_1923 = arith.addi %bitcast3A_1920, %add3A_1922 : vector<16xi32>
        %shift_right_arithmetic3A_1924 = arith.constant 16 : i32
        %shift_right_arithmetic3A_1925 = vector.broadcast %shift_right_arithmetic3A_1924 : i32 to vector<16xi32>
        %shift_right_arithmetic3A_1926 = arith.shrsi %bitcast3A_1920, %shift_right_arithmetic3A_1925 : vector<16xi32>
        %and3A_1927 = arith.constant 1 : i32
        %and3A_1928 = vector.broadcast %and3A_1927 : i32 to vector<16xi32>
        %and3A_1929 = arith.andi %shift_right_arithmetic3A_1926, %and3A_1928 : vector<16xi32>
        %add3A_1930 = arith.addi %add3A_1923, %and3A_1929 : vector<16xi32>
        %and3A_1931 = arith.constant -65536 : i32
        %and3A_1932 = vector.broadcast %and3A_1931 : i32 to vector<16xi32>
        %and3A_1933 = arith.andi %add3A_1930, %and3A_1932 : vector<16xi32>
        %bitcast3A_1934 = vector.bitcast %and3A_1933 : vector<16xi32> to vector<16xf32>
        %jit3A_1935 = arith.constant 0.000000e+00 : f32
        %broadcast_in_dim3A_1936 = vector.broadcast %jit3A_1935 : f32 to vector<16xf32>
        %select_n3A_1937 = arith.select %eq3A_1914, %broadcast_in_dim3A_1936, %bitcast3A_1934 : vector<16xi1>, vector<16xf32>
        %get3A_1938 = arith.constant 192 : index
        %get3A_1939 = tpu.vector_load %arg16[%get3A_1938] {strides = array<i32>} : memref<256xf32, #tpu.memory_space<vmem>>, vector<16xf32>,
        %get3A_1940 = arith.constant 192 : index
        %get3A_1941 = tpu.vector_load %arg14[%get3A_1940] {strides = array<i32>} : memref<256xf32, #tpu.memory_space<vmem>>, vector<16xf32>,
        %select_n3A_1942 = arith.select %eq3A_599, %get3A_1939, %get3A_1941 : vector<16xf32>
        %eq3A_1943 = arith.constant 0x7F800000 : f32
        %eq3A_1944 = vector.broadcast %eq3A_1943 : f32 to vector<16xf32>
        %eq3A_1945 = arith.cmpf oeq, %select_n3A_1942, %eq3A_1944 : vector<16xf32>
        %jit3A_1946 = arith.constant 0.000000e+00 : f32
        %broadcast_in_dim3A_1947 = vector.broadcast %jit3A_1946 : f32 to vector<16xf32>
        %select_n3A_1948 = arith.select %eq3A_1945, %broadcast_in_dim3A_1947, %select_n3A_1942 : vector<16xi1>, vector<16xf32>
        %jit3A_1949 = arith.constant 0.000000e+00 : f32
        %broadcast_in_dim3A_1950 = vector.broadcast %jit3A_1949 : f32 to vector<16xf32>
        %select_n3A_1951 = arith.select %eq3A_1914, %broadcast_in_dim3A_1950, %select_n3A_1948 : vector<16xi1>, vector<16xf32>
        %get3A_1952 = arith.constant 192 : index
        %get3A_1953 = tpu.vector_load %arg10[%get3A_1952] {strides = array<i32>} : memref<256xf32, #tpu.memory_space<vmem>>, vector<16xf32>,
        %get3A_1954 = arith.constant 192 : index
        %get3A_1955 = tpu.vector_load %arg11[%get3A_1954] {strides = array<i32>} : memref<256xf32, #tpu.memory_space<vmem>>, vector<16xf32>,
        %get3A_1956 = arith.constant 192 : index
        %get3A_1957 = tpu.vector_load %arg9[%get3A_1956] {strides = array<i32>} : memref<256xf32, #tpu.memory_space<vmem>>, vector<16xf32>,
        %get3A_1958 = arith.constant 192 : index
        %get3A_1959 = tpu.vector_load %arg12[%get3A_1958] {strides = array<i32>} : memref<256xf32, #tpu.memory_space<vmem>>, vector<16xf32>,
        %sub3A_1960 = arith.constant 1.000000e+00 : f32
        %sub3A_1961 = vector.broadcast %sub3A_1960 : f32 to vector<16xf32>
        %sub3A_1962 = arith.subf %sub3A_1961, %get3A_1953 : vector<16xf32>
        %sub3A_1963 = arith.constant 1.000000e+00 : f32
        %sub3A_1964 = vector.broadcast %sub3A_1963 : f32 to vector<16xf32>
        %sub3A_1965 = arith.subf %sub3A_1964, %get3A_1955 : vector<16xf32>
        %mul3A_1966 = arith.mulf %sub3A_1962, %sub3A_1965 : vector<16xf32>
        %mul3A_1967 = arith.mulf %select_n3A_1937, %mul3A_1966 : vector<16xf32>
        %add3A_1968 = vector.broadcast %squeeze3A_525 : f32 to vector<16xf32>
        %add3A_1969 = arith.addf %add3A_1968, %select_n3A_1951 : vector<16xf32>
        %gt3A_1970 = arith.cmpf ogt, %get3A_1957, %add3A_1969 : vector<16xf32>
        %convert_element_type3A_1971 = arith.extui %gt3A_1970 : vector<16xi1> to vector<16xi32>
        %convert_element_type3A_1972 = arith.sitofp %convert_element_type3A_1971 : vector<16xi32> to vector<16xf32>
        %mul3A_1973 = arith.mulf %get3A_1953, %convert_element_type3A_1972 : vector<16xf32>
        %add3A_1974 = arith.addf %mul3A_1966, %mul3A_1973 : vector<16xf32>
        %mul3A_1975 = arith.mulf %add3A_1974, %mul3A_1967 : vector<16xf32>
        %sub3A_1976 = arith.constant 1.000000e+00 : f32
        %sub3A_1977 = vector.broadcast %sub3A_1976 : f32 to vector<16xf32>
        %sub3A_1978 = arith.subf %sub3A_1977, %mul3A_1975 : vector<16xf32>
        %mul3A_1979 = arith.mulf %add3A_1969, %mul3A_1975 : vector<16xf32>
        %mul3A_1980 = arith.mulf %get3A_1957, %sub3A_1978 : vector<16xf32>
        %add3A_1981 = arith.addf %mul3A_1979, %mul3A_1980 : vector<16xf32>
        %add3A_1982 = arith.addf %get3A_1953, %mul3A_1975 : vector<16xf32>
        %jit3A_1983 = arith.constant 0.000000e+00 : f32
        %jit3A_1984 = arith.constant 1.000000e+00 : f32
        %max3A_1985 = vector.broadcast %jit3A_1983 : f32 to vector<16xf32>
        %max3A_1986 = arith.maximumf %max3A_1985, %add3A_1982 : vector<16xf32>
        %min3A_1987 = vector.broadcast %jit3A_1984 : f32 to vector<16xf32>
        %min3A_1988 = arith.minimumf %min3A_1987, %max3A_1986 : vector<16xf32>
        %swap3A_1989 = arith.constant 192 : index
        %swap3A_1990 = tpu.vector_load %arg9[%swap3A_1989] {strides = array<i32>} : memref<256xf32, #tpu.memory_space<vmem>>, vector<16xf32>,
        tpu.vector_store %arg9[%swap3A_1989], %add3A_1981 {strides = array<i32>} : memref<256xf32, #tpu.memory_space<vmem>>, vector<16xf32>,
        %swap3A_1991 = arith.constant 192 : index
        %swap3A_1992 = tpu.vector_load %arg10[%swap3A_1991] {strides = array<i32>} : memref<256xf32, #tpu.memory_space<vmem>>, vector<16xf32>,
        tpu.vector_store %arg10[%swap3A_1991], %min3A_1988 {strides = array<i32>} : memref<256xf32, #tpu.memory_space<vmem>>, vector<16xf32>,
        %mul3A_1993 = vector.broadcast %convert_element_type3A_526 : f32 to vector<16xf32>
        %mul3A_1994 = arith.mulf %mul3A_1993, %mul3A_1975 : vector<16xf32>
        %mul3A_1995 = arith.mulf %get3A_1959, %sub3A_1978 : vector<16xf32>
        %add3A_1996 = arith.addf %mul3A_1994, %mul3A_1995 : vector<16xf32>
        %swap3A_1997 = arith.constant 192 : index
        %swap3A_1998 = tpu.vector_load %arg12[%swap3A_1997] {strides = array<i32>} : memref<256xf32, #tpu.memory_space<vmem>>, vector<16xf32>,
        tpu.vector_store %arg12[%swap3A_1997], %add3A_1996 {strides = array<i32>} : memref<256xf32, #tpu.memory_space<vmem>>, vector<16xf32>,
        %mul3A_1999 = arith.constant 5.000000e-01 : f32
        %mul3A_2000 = vector.broadcast %mul3A_1999 : f32 to vector<16xf32>
        %mul3A_2001 = arith.mulf %add3A_1981, %mul3A_2000 : vector<16xf32>
        %get3A_2002 = arith.constant 192 : index
        %get3A_2003 = tpu.vector_load %arg8[%get3A_2002] {strides = array<i32>} : memref<256xf32, #tpu.memory_space<vmem>>, vector<16xf32>,
        %mul3A_2004 = arith.constant 5.000000e-01 : f32
        %mul3A_2005 = vector.broadcast %mul3A_2004 : f32 to vector<16xf32>
        %mul3A_2006 = arith.mulf %get3A_2003, %mul3A_2005 : vector<16xf32>
        %add3A_2007 = arith.addf %mul3A_2001, %mul3A_2006 : vector<16xf32>
        %mul3A_2008 = arith.constant -1.562500e-02 : f32
        %mul3A_2009 = vector.broadcast %mul3A_2008 : f32 to vector<16xf32>
        %mul3A_2010 = arith.mulf %add3A_2007, %mul3A_2009 : vector<16xf32>
        %exp3A_2011 = math.exp %mul3A_2010 : vector<16xf32>
        %mul3A_2012 = arith.mulf %exp3A_2011, %min3A_1988 : vector<16xf32>
        %gt3A_2013 = arith.cmpf ogt, %mul3A_2012, %select_n3A_1905 : vector<16xf32>
        %select_n3A_2014 = arith.select %gt3A_2013, %mul3A_2012, %select_n3A_1905 : vector<16xi1>, vector<16xf32>
        %jit3A_2015 = arith.constant 12 : i32
        %broadcast_in_dim3A_2016 = vector.broadcast %jit3A_2015 : i32 to vector<16xi32>
        %select_n3A_2017 = arith.select %gt3A_2013, %broadcast_in_dim3A_2016, %select_n3A_1908 : vector<16xi1>, vector<16xi32>
        %add3A_2018 = arith.constant 208 : i32
        %add3A_2019 = arith.addi %mul3A_2, %add3A_2018 : i32
        %add3A_2020 = vector.broadcast %add3A_2019 : i32 to vector<16xi32>
        %add3A_2021 = arith.addi %add3A_2020, %iota3A : vector<16xi32>
        %eq3A_2022 = vector.broadcast %convert_element_type3A_523 : i32 to vector<16xi32>
        %eq3A_2023 = arith.cmpi eq, %add3A_2021, %eq3A_2022 : vector<16xi32>
        %get3A_2024 = arith.constant 208 : index
        %get3A_2025 = tpu.vector_load %arg15[%get3A_2024] {strides = array<i32>} : memref<256xf32, #tpu.memory_space<vmem>>, vector<16xf32>,
        %get3A_2026 = arith.constant 208 : index
        %get3A_2027 = tpu.vector_load %arg13[%get3A_2026] {strides = array<i32>} : memref<256xf32, #tpu.memory_space<vmem>>, vector<16xf32>,
        %select_n3A_2028 = arith.select %eq3A_599, %get3A_2025, %get3A_2027 : vector<16xf32>
        %bitcast3A_2029 = vector.bitcast %select_n3A_2028 : vector<16xf32> to vector<16xi32>
        %add3A_2030 = arith.constant 32767 : i32
        %add3A_2031 = vector.broadcast %add3A_2030 : i32 to vector<16xi32>
        %add3A_2032 = arith.addi %bitcast3A_2029, %add3A_2031 : vector<16xi32>
        %shift_right_arithmetic3A_2033 = arith.constant 16 : i32
        %shift_right_arithmetic3A_2034 = vector.broadcast %shift_right_arithmetic3A_2033 : i32 to vector<16xi32>
        %shift_right_arithmetic3A_2035 = arith.shrsi %bitcast3A_2029, %shift_right_arithmetic3A_2034 : vector<16xi32>
        %and3A_2036 = arith.constant 1 : i32
        %and3A_2037 = vector.broadcast %and3A_2036 : i32 to vector<16xi32>
        %and3A_2038 = arith.andi %shift_right_arithmetic3A_2035, %and3A_2037 : vector<16xi32>
        %add3A_2039 = arith.addi %add3A_2032, %and3A_2038 : vector<16xi32>
        %and3A_2040 = arith.constant -65536 : i32
        %and3A_2041 = vector.broadcast %and3A_2040 : i32 to vector<16xi32>
        %and3A_2042 = arith.andi %add3A_2039, %and3A_2041 : vector<16xi32>
        %bitcast3A_2043 = vector.bitcast %and3A_2042 : vector<16xi32> to vector<16xf32>
        %jit3A_2044 = arith.constant 0.000000e+00 : f32
        %broadcast_in_dim3A_2045 = vector.broadcast %jit3A_2044 : f32 to vector<16xf32>
        %select_n3A_2046 = arith.select %eq3A_2023, %broadcast_in_dim3A_2045, %bitcast3A_2043 : vector<16xi1>, vector<16xf32>
        %get3A_2047 = arith.constant 208 : index
        %get3A_2048 = tpu.vector_load %arg16[%get3A_2047] {strides = array<i32>} : memref<256xf32, #tpu.memory_space<vmem>>, vector<16xf32>,
        %get3A_2049 = arith.constant 208 : index
        %get3A_2050 = tpu.vector_load %arg14[%get3A_2049] {strides = array<i32>} : memref<256xf32, #tpu.memory_space<vmem>>, vector<16xf32>,
        %select_n3A_2051 = arith.select %eq3A_599, %get3A_2048, %get3A_2050 : vector<16xf32>
        %eq3A_2052 = arith.constant 0x7F800000 : f32
        %eq3A_2053 = vector.broadcast %eq3A_2052 : f32 to vector<16xf32>
        %eq3A_2054 = arith.cmpf oeq, %select_n3A_2051, %eq3A_2053 : vector<16xf32>
        %jit3A_2055 = arith.constant 0.000000e+00 : f32
        %broadcast_in_dim3A_2056 = vector.broadcast %jit3A_2055 : f32 to vector<16xf32>
        %select_n3A_2057 = arith.select %eq3A_2054, %broadcast_in_dim3A_2056, %select_n3A_2051 : vector<16xi1>, vector<16xf32>
        %jit3A_2058 = arith.constant 0.000000e+00 : f32
        %broadcast_in_dim3A_2059 = vector.broadcast %jit3A_2058 : f32 to vector<16xf32>
        %select_n3A_2060 = arith.select %eq3A_2023, %broadcast_in_dim3A_2059, %select_n3A_2057 : vector<16xi1>, vector<16xf32>
        %get3A_2061 = arith.constant 208 : index
        %get3A_2062 = tpu.vector_load %arg10[%get3A_2061] {strides = array<i32>} : memref<256xf32, #tpu.memory_space<vmem>>, vector<16xf32>,
        %get3A_2063 = arith.constant 208 : index
        %get3A_2064 = tpu.vector_load %arg11[%get3A_2063] {strides = array<i32>} : memref<256xf32, #tpu.memory_space<vmem>>, vector<16xf32>,
        %get3A_2065 = arith.constant 208 : index
        %get3A_2066 = tpu.vector_load %arg9[%get3A_2065] {strides = array<i32>} : memref<256xf32, #tpu.memory_space<vmem>>, vector<16xf32>,
        %get3A_2067 = arith.constant 208 : index
        %get3A_2068 = tpu.vector_load %arg12[%get3A_2067] {strides = array<i32>} : memref<256xf32, #tpu.memory_space<vmem>>, vector<16xf32>,
        %sub3A_2069 = arith.constant 1.000000e+00 : f32
        %sub3A_2070 = vector.broadcast %sub3A_2069 : f32 to vector<16xf32>
        %sub3A_2071 = arith.subf %sub3A_2070, %get3A_2062 : vector<16xf32>
        %sub3A_2072 = arith.constant 1.000000e+00 : f32
        %sub3A_2073 = vector.broadcast %sub3A_2072 : f32 to vector<16xf32>
        %sub3A_2074 = arith.subf %sub3A_2073, %get3A_2064 : vector<16xf32>
        %mul3A_2075 = arith.mulf %sub3A_2071, %sub3A_2074 : vector<16xf32>
        %mul3A_2076 = arith.mulf %select_n3A_2046, %mul3A_2075 : vector<16xf32>
        %add3A_2077 = vector.broadcast %squeeze3A_525 : f32 to vector<16xf32>
        %add3A_2078 = arith.addf %add3A_2077, %select_n3A_2060 : vector<16xf32>
        %gt3A_2079 = arith.cmpf ogt, %get3A_2066, %add3A_2078 : vector<16xf32>
        %convert_element_type3A_2080 = arith.extui %gt3A_2079 : vector<16xi1> to vector<16xi32>
        %convert_element_type3A_2081 = arith.sitofp %convert_element_type3A_2080 : vector<16xi32> to vector<16xf32>
        %mul3A_2082 = arith.mulf %get3A_2062, %convert_element_type3A_2081 : vector<16xf32>
        %add3A_2083 = arith.addf %mul3A_2075, %mul3A_2082 : vector<16xf32>
        %mul3A_2084 = arith.mulf %add3A_2083, %mul3A_2076 : vector<16xf32>
        %sub3A_2085 = arith.constant 1.000000e+00 : f32
        %sub3A_2086 = vector.broadcast %sub3A_2085 : f32 to vector<16xf32>
        %sub3A_2087 = arith.subf %sub3A_2086, %mul3A_2084 : vector<16xf32>
        %mul3A_2088 = arith.mulf %add3A_2078, %mul3A_2084 : vector<16xf32>
        %mul3A_2089 = arith.mulf %get3A_2066, %sub3A_2087 : vector<16xf32>
        %add3A_2090 = arith.addf %mul3A_2088, %mul3A_2089 : vector<16xf32>
        %add3A_2091 = arith.addf %get3A_2062, %mul3A_2084 : vector<16xf32>
        %jit3A_2092 = arith.constant 0.000000e+00 : f32
        %jit3A_2093 = arith.constant 1.000000e+00 : f32
        %max3A_2094 = vector.broadcast %jit3A_2092 : f32 to vector<16xf32>
        %max3A_2095 = arith.maximumf %max3A_2094, %add3A_2091 : vector<16xf32>
        %min3A_2096 = vector.broadcast %jit3A_2093 : f32 to vector<16xf32>
        %min3A_2097 = arith.minimumf %min3A_2096, %max3A_2095 : vector<16xf32>
        %swap3A_2098 = arith.constant 208 : index
        %swap3A_2099 = tpu.vector_load %arg9[%swap3A_2098] {strides = array<i32>} : memref<256xf32, #tpu.memory_space<vmem>>, vector<16xf32>,
        tpu.vector_store %arg9[%swap3A_2098], %add3A_2090 {strides = array<i32>} : memref<256xf32, #tpu.memory_space<vmem>>, vector<16xf32>,
        %swap3A_2100 = arith.constant 208 : index
        %swap3A_2101 = tpu.vector_load %arg10[%swap3A_2100] {strides = array<i32>} : memref<256xf32, #tpu.memory_space<vmem>>, vector<16xf32>,
        tpu.vector_store %arg10[%swap3A_2100], %min3A_2097 {strides = array<i32>} : memref<256xf32, #tpu.memory_space<vmem>>, vector<16xf32>,
        %mul3A_2102 = vector.broadcast %convert_element_type3A_526 : f32 to vector<16xf32>
        %mul3A_2103 = arith.mulf %mul3A_2102, %mul3A_2084 : vector<16xf32>
        %mul3A_2104 = arith.mulf %get3A_2068, %sub3A_2087 : vector<16xf32>
        %add3A_2105 = arith.addf %mul3A_2103, %mul3A_2104 : vector<16xf32>
        %swap3A_2106 = arith.constant 208 : index
        %swap3A_2107 = tpu.vector_load %arg12[%swap3A_2106] {strides = array<i32>} : memref<256xf32, #tpu.memory_space<vmem>>, vector<16xf32>,
        tpu.vector_store %arg12[%swap3A_2106], %add3A_2105 {strides = array<i32>} : memref<256xf32, #tpu.memory_space<vmem>>, vector<16xf32>,
        %mul3A_2108 = arith.constant 5.000000e-01 : f32
        %mul3A_2109 = vector.broadcast %mul3A_2108 : f32 to vector<16xf32>
        %mul3A_2110 = arith.mulf %add3A_2090, %mul3A_2109 : vector<16xf32>
        %get3A_2111 = arith.constant 208 : index
        %get3A_2112 = tpu.vector_load %arg8[%get3A_2111] {strides = array<i32>} : memref<256xf32, #tpu.memory_space<vmem>>, vector<16xf32>,
        %mul3A_2113 = arith.constant 5.000000e-01 : f32
        %mul3A_2114 = vector.broadcast %mul3A_2113 : f32 to vector<16xf32>
        %mul3A_2115 = arith.mulf %get3A_2112, %mul3A_2114 : vector<16xf32>
        %add3A_2116 = arith.addf %mul3A_2110, %mul3A_2115 : vector<16xf32>
        %mul3A_2117 = arith.constant -1.562500e-02 : f32
        %mul3A_2118 = vector.broadcast %mul3A_2117 : f32 to vector<16xf32>
        %mul3A_2119 = arith.mulf %add3A_2116, %mul3A_2118 : vector<16xf32>
        %exp3A_2120 = math.exp %mul3A_2119 : vector<16xf32>
        %mul3A_2121 = arith.mulf %exp3A_2120, %min3A_2097 : vector<16xf32>
        %gt3A_2122 = arith.cmpf ogt, %mul3A_2121, %select_n3A_2014 : vector<16xf32>
        %select_n3A_2123 = arith.select %gt3A_2122, %mul3A_2121, %select_n3A_2014 : vector<16xi1>, vector<16xf32>
        %jit3A_2124 = arith.constant 13 : i32
        %broadcast_in_dim3A_2125 = vector.broadcast %jit3A_2124 : i32 to vector<16xi32>
        %select_n3A_2126 = arith.select %gt3A_2122, %broadcast_in_dim3A_2125, %select_n3A_2017 : vector<16xi1>, vector<16xi32>
        %add3A_2127 = arith.constant 224 : i32
        %add3A_2128 = arith.addi %mul3A_2, %add3A_2127 : i32
        %add3A_2129 = vector.broadcast %add3A_2128 : i32 to vector<16xi32>
        %add3A_2130 = arith.addi %add3A_2129, %iota3A : vector<16xi32>
        %eq3A_2131 = vector.broadcast %convert_element_type3A_523 : i32 to vector<16xi32>
        %eq3A_2132 = arith.cmpi eq, %add3A_2130, %eq3A_2131 : vector<16xi32>
        %get3A_2133 = arith.constant 224 : index
        %get3A_2134 = tpu.vector_load %arg15[%get3A_2133] {strides = array<i32>} : memref<256xf32, #tpu.memory_space<vmem>>, vector<16xf32>,
        %get3A_2135 = arith.constant 224 : index
        %get3A_2136 = tpu.vector_load %arg13[%get3A_2135] {strides = array<i32>} : memref<256xf32, #tpu.memory_space<vmem>>, vector<16xf32>,
        %select_n3A_2137 = arith.select %eq3A_599, %get3A_2134, %get3A_2136 : vector<16xf32>
        %bitcast3A_2138 = vector.bitcast %select_n3A_2137 : vector<16xf32> to vector<16xi32>
        %add3A_2139 = arith.constant 32767 : i32
        %add3A_2140 = vector.broadcast %add3A_2139 : i32 to vector<16xi32>
        %add3A_2141 = arith.addi %bitcast3A_2138, %add3A_2140 : vector<16xi32>
        %shift_right_arithmetic3A_2142 = arith.constant 16 : i32
        %shift_right_arithmetic3A_2143 = vector.broadcast %shift_right_arithmetic3A_2142 : i32 to vector<16xi32>
        %shift_right_arithmetic3A_2144 = arith.shrsi %bitcast3A_2138, %shift_right_arithmetic3A_2143 : vector<16xi32>
        %and3A_2145 = arith.constant 1 : i32
        %and3A_2146 = vector.broadcast %and3A_2145 : i32 to vector<16xi32>
        %and3A_2147 = arith.andi %shift_right_arithmetic3A_2144, %and3A_2146 : vector<16xi32>
        %add3A_2148 = arith.addi %add3A_2141, %and3A_2147 : vector<16xi32>
        %and3A_2149 = arith.constant -65536 : i32
        %and3A_2150 = vector.broadcast %and3A_2149 : i32 to vector<16xi32>
        %and3A_2151 = arith.andi %add3A_2148, %and3A_2150 : vector<16xi32>
        %bitcast3A_2152 = vector.bitcast %and3A_2151 : vector<16xi32> to vector<16xf32>
        %jit3A_2153 = arith.constant 0.000000e+00 : f32
        %broadcast_in_dim3A_2154 = vector.broadcast %jit3A_2153 : f32 to vector<16xf32>
        %select_n3A_2155 = arith.select %eq3A_2132, %broadcast_in_dim3A_2154, %bitcast3A_2152 : vector<16xi1>, vector<16xf32>
        %get3A_2156 = arith.constant 224 : index
        %get3A_2157 = tpu.vector_load %arg16[%get3A_2156] {strides = array<i32>} : memref<256xf32, #tpu.memory_space<vmem>>, vector<16xf32>,
        %get3A_2158 = arith.constant 224 : index
        %get3A_2159 = tpu.vector_load %arg14[%get3A_2158] {strides = array<i32>} : memref<256xf32, #tpu.memory_space<vmem>>, vector<16xf32>,
        %select_n3A_2160 = arith.select %eq3A_599, %get3A_2157, %get3A_2159 : vector<16xf32>
        %eq3A_2161 = arith.constant 0x7F800000 : f32
        %eq3A_2162 = vector.broadcast %eq3A_2161 : f32 to vector<16xf32>
        %eq3A_2163 = arith.cmpf oeq, %select_n3A_2160, %eq3A_2162 : vector<16xf32>
        %jit3A_2164 = arith.constant 0.000000e+00 : f32
        %broadcast_in_dim3A_2165 = vector.broadcast %jit3A_2164 : f32 to vector<16xf32>
        %select_n3A_2166 = arith.select %eq3A_2163, %broadcast_in_dim3A_2165, %select_n3A_2160 : vector<16xi1>, vector<16xf32>
        %jit3A_2167 = arith.constant 0.000000e+00 : f32
        %broadcast_in_dim3A_2168 = vector.broadcast %jit3A_2167 : f32 to vector<16xf32>
        %select_n3A_2169 = arith.select %eq3A_2132, %broadcast_in_dim3A_2168, %select_n3A_2166 : vector<16xi1>, vector<16xf32>
        %get3A_2170 = arith.constant 224 : index
        %get3A_2171 = tpu.vector_load %arg10[%get3A_2170] {strides = array<i32>} : memref<256xf32, #tpu.memory_space<vmem>>, vector<16xf32>,
        %get3A_2172 = arith.constant 224 : index
        %get3A_2173 = tpu.vector_load %arg11[%get3A_2172] {strides = array<i32>} : memref<256xf32, #tpu.memory_space<vmem>>, vector<16xf32>,
        %get3A_2174 = arith.constant 224 : index
        %get3A_2175 = tpu.vector_load %arg9[%get3A_2174] {strides = array<i32>} : memref<256xf32, #tpu.memory_space<vmem>>, vector<16xf32>,
        %get3A_2176 = arith.constant 224 : index
        %get3A_2177 = tpu.vector_load %arg12[%get3A_2176] {strides = array<i32>} : memref<256xf32, #tpu.memory_space<vmem>>, vector<16xf32>,
        %sub3A_2178 = arith.constant 1.000000e+00 : f32
        %sub3A_2179 = vector.broadcast %sub3A_2178 : f32 to vector<16xf32>
        %sub3A_2180 = arith.subf %sub3A_2179, %get3A_2171 : vector<16xf32>
        %sub3A_2181 = arith.constant 1.000000e+00 : f32
        %sub3A_2182 = vector.broadcast %sub3A_2181 : f32 to vector<16xf32>
        %sub3A_2183 = arith.subf %sub3A_2182, %get3A_2173 : vector<16xf32>
        %mul3A_2184 = arith.mulf %sub3A_2180, %sub3A_2183 : vector<16xf32>
        %mul3A_2185 = arith.mulf %select_n3A_2155, %mul3A_2184 : vector<16xf32>
        %add3A_2186 = vector.broadcast %squeeze3A_525 : f32 to vector<16xf32>
        %add3A_2187 = arith.addf %add3A_2186, %select_n3A_2169 : vector<16xf32>
        %gt3A_2188 = arith.cmpf ogt, %get3A_2175, %add3A_2187 : vector<16xf32>
        %convert_element_type3A_2189 = arith.extui %gt3A_2188 : vector<16xi1> to vector<16xi32>
        %convert_element_type3A_2190 = arith.sitofp %convert_element_type3A_2189 : vector<16xi32> to vector<16xf32>
        %mul3A_2191 = arith.mulf %get3A_2171, %convert_element_type3A_2190 : vector<16xf32>
        %add3A_2192 = arith.addf %mul3A_2184, %mul3A_2191 : vector<16xf32>
        %mul3A_2193 = arith.mulf %add3A_2192, %mul3A_2185 : vector<16xf32>
        %sub3A_2194 = arith.constant 1.000000e+00 : f32
        %sub3A_2195 = vector.broadcast %sub3A_2194 : f32 to vector<16xf32>
        %sub3A_2196 = arith.subf %sub3A_2195, %mul3A_2193 : vector<16xf32>
        %mul3A_2197 = arith.mulf %add3A_2187, %mul3A_2193 : vector<16xf32>
        %mul3A_2198 = arith.mulf %get3A_2175, %sub3A_2196 : vector<16xf32>
        %add3A_2199 = arith.addf %mul3A_2197, %mul3A_2198 : vector<16xf32>
        %add3A_2200 = arith.addf %get3A_2171, %mul3A_2193 : vector<16xf32>
        %jit3A_2201 = arith.constant 0.000000e+00 : f32
        %jit3A_2202 = arith.constant 1.000000e+00 : f32
        %max3A_2203 = vector.broadcast %jit3A_2201 : f32 to vector<16xf32>
        %max3A_2204 = arith.maximumf %max3A_2203, %add3A_2200 : vector<16xf32>
        %min3A_2205 = vector.broadcast %jit3A_2202 : f32 to vector<16xf32>
        %min3A_2206 = arith.minimumf %min3A_2205, %max3A_2204 : vector<16xf32>
        %swap3A_2207 = arith.constant 224 : index
        %swap3A_2208 = tpu.vector_load %arg9[%swap3A_2207] {strides = array<i32>} : memref<256xf32, #tpu.memory_space<vmem>>, vector<16xf32>,
        tpu.vector_store %arg9[%swap3A_2207], %add3A_2199 {strides = array<i32>} : memref<256xf32, #tpu.memory_space<vmem>>, vector<16xf32>,
        %swap3A_2209 = arith.constant 224 : index
        %swap3A_2210 = tpu.vector_load %arg10[%swap3A_2209] {strides = array<i32>} : memref<256xf32, #tpu.memory_space<vmem>>, vector<16xf32>,
        tpu.vector_store %arg10[%swap3A_2209], %min3A_2206 {strides = array<i32>} : memref<256xf32, #tpu.memory_space<vmem>>, vector<16xf32>,
        %mul3A_2211 = vector.broadcast %convert_element_type3A_526 : f32 to vector<16xf32>
        %mul3A_2212 = arith.mulf %mul3A_2211, %mul3A_2193 : vector<16xf32>
        %mul3A_2213 = arith.mulf %get3A_2177, %sub3A_2196 : vector<16xf32>
        %add3A_2214 = arith.addf %mul3A_2212, %mul3A_2213 : vector<16xf32>
        %swap3A_2215 = arith.constant 224 : index
        %swap3A_2216 = tpu.vector_load %arg12[%swap3A_2215] {strides = array<i32>} : memref<256xf32, #tpu.memory_space<vmem>>, vector<16xf32>,
        tpu.vector_store %arg12[%swap3A_2215], %add3A_2214 {strides = array<i32>} : memref<256xf32, #tpu.memory_space<vmem>>, vector<16xf32>,
        %mul3A_2217 = arith.constant 5.000000e-01 : f32
        %mul3A_2218 = vector.broadcast %mul3A_2217 : f32 to vector<16xf32>
        %mul3A_2219 = arith.mulf %add3A_2199, %mul3A_2218 : vector<16xf32>
        %get3A_2220 = arith.constant 224 : index
        %get3A_2221 = tpu.vector_load %arg8[%get3A_2220] {strides = array<i32>} : memref<256xf32, #tpu.memory_space<vmem>>, vector<16xf32>,
        %mul3A_2222 = arith.constant 5.000000e-01 : f32
        %mul3A_2223 = vector.broadcast %mul3A_2222 : f32 to vector<16xf32>
        %mul3A_2224 = arith.mulf %get3A_2221, %mul3A_2223 : vector<16xf32>
        %add3A_2225 = arith.addf %mul3A_2219, %mul3A_2224 : vector<16xf32>
        %mul3A_2226 = arith.constant -1.562500e-02 : f32
        %mul3A_2227 = vector.broadcast %mul3A_2226 : f32 to vector<16xf32>
        %mul3A_2228 = arith.mulf %add3A_2225, %mul3A_2227 : vector<16xf32>
        %exp3A_2229 = math.exp %mul3A_2228 : vector<16xf32>
        %mul3A_2230 = arith.mulf %exp3A_2229, %min3A_2206 : vector<16xf32>
        %gt3A_2231 = arith.cmpf ogt, %mul3A_2230, %select_n3A_2123 : vector<16xf32>
        %select_n3A_2232 = arith.select %gt3A_2231, %mul3A_2230, %select_n3A_2123 : vector<16xi1>, vector<16xf32>
        %jit3A_2233 = arith.constant 14 : i32
        %broadcast_in_dim3A_2234 = vector.broadcast %jit3A_2233 : i32 to vector<16xi32>
        %select_n3A_2235 = arith.select %gt3A_2231, %broadcast_in_dim3A_2234, %select_n3A_2126 : vector<16xi1>, vector<16xi32>
        %add3A_2236 = arith.constant 240 : i32
        %add3A_2237 = arith.addi %mul3A_2, %add3A_2236 : i32
        %add3A_2238 = vector.broadcast %add3A_2237 : i32 to vector<16xi32>
        %add3A_2239 = arith.addi %add3A_2238, %iota3A : vector<16xi32>
        %eq3A_2240 = vector.broadcast %convert_element_type3A_523 : i32 to vector<16xi32>
        %eq3A_2241 = arith.cmpi eq, %add3A_2239, %eq3A_2240 : vector<16xi32>
        %get3A_2242 = arith.constant 240 : index
        %get3A_2243 = tpu.vector_load %arg15[%get3A_2242] {strides = array<i32>} : memref<256xf32, #tpu.memory_space<vmem>>, vector<16xf32>,
        %get3A_2244 = arith.constant 240 : index
        %get3A_2245 = tpu.vector_load %arg13[%get3A_2244] {strides = array<i32>} : memref<256xf32, #tpu.memory_space<vmem>>, vector<16xf32>,
        %select_n3A_2246 = arith.select %eq3A_599, %get3A_2243, %get3A_2245 : vector<16xf32>
        %bitcast3A_2247 = vector.bitcast %select_n3A_2246 : vector<16xf32> to vector<16xi32>
        %add3A_2248 = arith.constant 32767 : i32
        %add3A_2249 = vector.broadcast %add3A_2248 : i32 to vector<16xi32>
        %add3A_2250 = arith.addi %bitcast3A_2247, %add3A_2249 : vector<16xi32>
        %shift_right_arithmetic3A_2251 = arith.constant 16 : i32
        %shift_right_arithmetic3A_2252 = vector.broadcast %shift_right_arithmetic3A_2251 : i32 to vector<16xi32>
        %shift_right_arithmetic3A_2253 = arith.shrsi %bitcast3A_2247, %shift_right_arithmetic3A_2252 : vector<16xi32>
        %and3A_2254 = arith.constant 1 : i32
        %and3A_2255 = vector.broadcast %and3A_2254 : i32 to vector<16xi32>
        %and3A_2256 = arith.andi %shift_right_arithmetic3A_2253, %and3A_2255 : vector<16xi32>
        %add3A_2257 = arith.addi %add3A_2250, %and3A_2256 : vector<16xi32>
        %and3A_2258 = arith.constant -65536 : i32
        %and3A_2259 = vector.broadcast %and3A_2258 : i32 to vector<16xi32>
        %and3A_2260 = arith.andi %add3A_2257, %and3A_2259 : vector<16xi32>
        %bitcast3A_2261 = vector.bitcast %and3A_2260 : vector<16xi32> to vector<16xf32>
        %jit3A_2262 = arith.constant 0.000000e+00 : f32
        %broadcast_in_dim3A_2263 = vector.broadcast %jit3A_2262 : f32 to vector<16xf32>
        %select_n3A_2264 = arith.select %eq3A_2241, %broadcast_in_dim3A_2263, %bitcast3A_2261 : vector<16xi1>, vector<16xf32>
        %get3A_2265 = arith.constant 240 : index
        %get3A_2266 = tpu.vector_load %arg16[%get3A_2265] {strides = array<i32>} : memref<256xf32, #tpu.memory_space<vmem>>, vector<16xf32>,
        %get3A_2267 = arith.constant 240 : index
        %get3A_2268 = tpu.vector_load %arg14[%get3A_2267] {strides = array<i32>} : memref<256xf32, #tpu.memory_space<vmem>>, vector<16xf32>,
        %select_n3A_2269 = arith.select %eq3A_599, %get3A_2266, %get3A_2268 : vector<16xf32>
        %eq3A_2270 = arith.constant 0x7F800000 : f32
        %eq3A_2271 = vector.broadcast %eq3A_2270 : f32 to vector<16xf32>
        %eq3A_2272 = arith.cmpf oeq, %select_n3A_2269, %eq3A_2271 : vector<16xf32>
        %jit3A_2273 = arith.constant 0.000000e+00 : f32
        %broadcast_in_dim3A_2274 = vector.broadcast %jit3A_2273 : f32 to vector<16xf32>
        %select_n3A_2275 = arith.select %eq3A_2272, %broadcast_in_dim3A_2274, %select_n3A_2269 : vector<16xi1>, vector<16xf32>
        %jit3A_2276 = arith.constant 0.000000e+00 : f32
        %broadcast_in_dim3A_2277 = vector.broadcast %jit3A_2276 : f32 to vector<16xf32>
        %select_n3A_2278 = arith.select %eq3A_2241, %broadcast_in_dim3A_2277, %select_n3A_2275 : vector<16xi1>, vector<16xf32>
        %get3A_2279 = arith.constant 240 : index
        %get3A_2280 = tpu.vector_load %arg10[%get3A_2279] {strides = array<i32>} : memref<256xf32, #tpu.memory_space<vmem>>, vector<16xf32>,
        %get3A_2281 = arith.constant 240 : index
        %get3A_2282 = tpu.vector_load %arg11[%get3A_2281] {strides = array<i32>} : memref<256xf32, #tpu.memory_space<vmem>>, vector<16xf32>,
        %get3A_2283 = arith.constant 240 : index
        %get3A_2284 = tpu.vector_load %arg9[%get3A_2283] {strides = array<i32>} : memref<256xf32, #tpu.memory_space<vmem>>, vector<16xf32>,
        %get3A_2285 = arith.constant 240 : index
        %get3A_2286 = tpu.vector_load %arg12[%get3A_2285] {strides = array<i32>} : memref<256xf32, #tpu.memory_space<vmem>>, vector<16xf32>,
        %sub3A_2287 = arith.constant 1.000000e+00 : f32
        %sub3A_2288 = vector.broadcast %sub3A_2287 : f32 to vector<16xf32>
        %sub3A_2289 = arith.subf %sub3A_2288, %get3A_2280 : vector<16xf32>
        %sub3A_2290 = arith.constant 1.000000e+00 : f32
        %sub3A_2291 = vector.broadcast %sub3A_2290 : f32 to vector<16xf32>
        %sub3A_2292 = arith.subf %sub3A_2291, %get3A_2282 : vector<16xf32>
        %mul3A_2293 = arith.mulf %sub3A_2289, %sub3A_2292 : vector<16xf32>
        %mul3A_2294 = arith.mulf %select_n3A_2264, %mul3A_2293 : vector<16xf32>
        %add3A_2295 = vector.broadcast %squeeze3A_525 : f32 to vector<16xf32>
        %add3A_2296 = arith.addf %add3A_2295, %select_n3A_2278 : vector<16xf32>
        %gt3A_2297 = arith.cmpf ogt, %get3A_2284, %add3A_2296 : vector<16xf32>
        %convert_element_type3A_2298 = arith.extui %gt3A_2297 : vector<16xi1> to vector<16xi32>
        %convert_element_type3A_2299 = arith.sitofp %convert_element_type3A_2298 : vector<16xi32> to vector<16xf32>
        %mul3A_2300 = arith.mulf %get3A_2280, %convert_element_type3A_2299 : vector<16xf32>
        %add3A_2301 = arith.addf %mul3A_2293, %mul3A_2300 : vector<16xf32>
        %mul3A_2302 = arith.mulf %add3A_2301, %mul3A_2294 : vector<16xf32>
        %sub3A_2303 = arith.constant 1.000000e+00 : f32
        %sub3A_2304 = vector.broadcast %sub3A_2303 : f32 to vector<16xf32>
        %sub3A_2305 = arith.subf %sub3A_2304, %mul3A_2302 : vector<16xf32>
        %mul3A_2306 = arith.mulf %add3A_2296, %mul3A_2302 : vector<16xf32>
        %mul3A_2307 = arith.mulf %get3A_2284, %sub3A_2305 : vector<16xf32>
        %add3A_2308 = arith.addf %mul3A_2306, %mul3A_2307 : vector<16xf32>
        %add3A_2309 = arith.addf %get3A_2280, %mul3A_2302 : vector<16xf32>
        %jit3A_2310 = arith.constant 0.000000e+00 : f32
        %jit3A_2311 = arith.constant 1.000000e+00 : f32
        %max3A_2312 = vector.broadcast %jit3A_2310 : f32 to vector<16xf32>
        %max3A_2313 = arith.maximumf %max3A_2312, %add3A_2309 : vector<16xf32>
        %min3A_2314 = vector.broadcast %jit3A_2311 : f32 to vector<16xf32>
        %min3A_2315 = arith.minimumf %min3A_2314, %max3A_2313 : vector<16xf32>
        %swap3A_2316 = arith.constant 240 : index
        %swap3A_2317 = tpu.vector_load %arg9[%swap3A_2316] {strides = array<i32>} : memref<256xf32, #tpu.memory_space<vmem>>, vector<16xf32>,
        tpu.vector_store %arg9[%swap3A_2316], %add3A_2308 {strides = array<i32>} : memref<256xf32, #tpu.memory_space<vmem>>, vector<16xf32>,
        %swap3A_2318 = arith.constant 240 : index
        %swap3A_2319 = tpu.vector_load %arg10[%swap3A_2318] {strides = array<i32>} : memref<256xf32, #tpu.memory_space<vmem>>, vector<16xf32>,
        tpu.vector_store %arg10[%swap3A_2318], %min3A_2315 {strides = array<i32>} : memref<256xf32, #tpu.memory_space<vmem>>, vector<16xf32>,
        %mul3A_2320 = vector.broadcast %convert_element_type3A_526 : f32 to vector<16xf32>
        %mul3A_2321 = arith.mulf %mul3A_2320, %mul3A_2302 : vector<16xf32>
        %mul3A_2322 = arith.mulf %get3A_2286, %sub3A_2305 : vector<16xf32>
        %add3A_2323 = arith.addf %mul3A_2321, %mul3A_2322 : vector<16xf32>
        %swap3A_2324 = arith.constant 240 : index
        %swap3A_2325 = tpu.vector_load %arg12[%swap3A_2324] {strides = array<i32>} : memref<256xf32, #tpu.memory_space<vmem>>, vector<16xf32>,
        tpu.vector_store %arg12[%swap3A_2324], %add3A_2323 {strides = array<i32>} : memref<256xf32, #tpu.memory_space<vmem>>, vector<16xf32>,
        %mul3A_2326 = arith.constant 5.000000e-01 : f32
        %mul3A_2327 = vector.broadcast %mul3A_2326 : f32 to vector<16xf32>
        %mul3A_2328 = arith.mulf %add3A_2308, %mul3A_2327 : vector<16xf32>
        %get3A_2329 = arith.constant 240 : index
        %get3A_2330 = tpu.vector_load %arg8[%get3A_2329] {strides = array<i32>} : memref<256xf32, #tpu.memory_space<vmem>>, vector<16xf32>,
        %mul3A_2331 = arith.constant 5.000000e-01 : f32
        %mul3A_2332 = vector.broadcast %mul3A_2331 : f32 to vector<16xf32>
        %mul3A_2333 = arith.mulf %get3A_2330, %mul3A_2332 : vector<16xf32>
        %add3A_2334 = arith.addf %mul3A_2328, %mul3A_2333 : vector<16xf32>
        %mul3A_2335 = arith.constant -1.562500e-02 : f32
        %mul3A_2336 = vector.broadcast %mul3A_2335 : f32 to vector<16xf32>
        %mul3A_2337 = arith.mulf %add3A_2334, %mul3A_2336 : vector<16xf32>
        %exp3A_2338 = math.exp %mul3A_2337 : vector<16xf32>
        %mul3A_2339 = arith.mulf %exp3A_2338, %min3A_2315 : vector<16xf32>
        %gt3A_2340 = arith.cmpf ogt, %mul3A_2339, %select_n3A_2232 : vector<16xf32>
        %select_n3A_2341 = arith.select %gt3A_2340, %mul3A_2339, %select_n3A_2232 : vector<16xi1>, vector<16xf32>
        %jit3A_2342 = arith.constant 15 : i32
        %broadcast_in_dim3A_2343 = vector.broadcast %jit3A_2342 : i32 to vector<16xi32>
        %select_n3A_2344 = arith.select %gt3A_2340, %broadcast_in_dim3A_2343, %select_n3A_2235 : vector<16xi1>, vector<16xi32>
        %reduce_max3A_2345 = arith.constant true
        %reduce_max3A_2346 = vector.broadcast %reduce_max3A_2345 : i1 to vector<16xi1>
        %reduce_max3A_2347 = tpu.scan <max>, %select_n3A_2341 masked %reduce_max3A_2346 : vector<16xf32>, vector<16xi1> -> vector<16xf32>
        %reduce_max3A_2348 = vector.extract %reduce_max3A_2347[15] : f32 from vector<16xf32>
        %eq3A_2349 = vector.broadcast %reduce_max3A_2348 : f32 to vector<16xf32>
        %eq3A_2350 = arith.cmpf oeq, %select_n3A_2341, %eq3A_2349 : vector<16xf32>
        %mul3A_2351 = arith.constant 16 : i32
        %mul3A_2352 = vector.broadcast %mul3A_2351 : i32 to vector<16xi32>
        %mul3A_2353 = arith.muli %select_n3A_2344, %mul3A_2352 : vector<16xi32>
        %add3A_2354 = arith.addi %mul3A_2353, %iota3A : vector<16xi32>
        %jit3A_2355 = arith.constant 256 : i32
        %broadcast_in_dim3A_2356 = vector.broadcast %jit3A_2355 : i32 to vector<16xi32>
        %select_n3A_2357 = arith.select %eq3A_2350, %add3A_2354, %broadcast_in_dim3A_2356 : vector<16xi1>, vector<16xi32>
        %reduce_min3A_2358 = arith.constant true
        %reduce_min3A_2359 = vector.broadcast %reduce_min3A_2358 : i1 to vector<16xi1>
        %reduce_min3A_2360 = arith.constant -2147483648 : i32
        %reduce_min3A_2361 = vector.broadcast %reduce_min3A_2360 : i32 to vector<16xi32>
        %reduce_min3A_2362 = arith.xori %select_n3A_2357, %reduce_min3A_2361 : vector<16xi32>
        %reduce_min3A_2363 = tpu.scan <min>, %reduce_min3A_2362 masked %reduce_min3A_2359 : vector<16xi32>, vector<16xi1> -> vector<16xi32>
        %reduce_min3A_2364 = arith.xori %reduce_min3A_2363, %reduce_min3A_2361 : vector<16xi32>
        %reduce_min3A_2365 = vector.extract %reduce_min3A_2364[15] : i32 from vector<16xi32>
        %sub3A_2366 = arith.constant 1 : i32
        %sub3A_2367 = arith.subi %sub3A_2366, %scan3A_465 : i32
        scf.yield %reduce_max3A_2348, %reduce_min3A_2365, %convert_element_type3A_552, %sub3A_2367 : f32, i32, i32, i32
      }
      %scan3A_441 = arith.constant 204 : i32
      %dma_wait3A_442 = arith.constant 0 : i32
      %dma_wait3A_443 = arith.constant 0 : i32
      %dma_wait3A_444 = tpu.memref_slice %arg3[%dma_wait3A_442, %arg1, %dma_wait3A_443] : memref<4096x16x256xf32, #tpu.memory_space<hbm>> -> memref<1x1x256xf32, #tpu.memory_space<hbm>>
      %dma_wait3A_445 = tpu.memref_squeeze %dma_wait3A_444 : memref<1x1x256xf32, #tpu.memory_space<hbm>> -> memref<256xf32, #tpu.memory_space<hbm>>
      %dma_wait3A_446 = arith.constant 0 : i32
      %dma_wait3A_447 = tpu.memref_slice %arg3[%dma_wait3A_442, %arg1, %dma_wait3A_446] : memref<4096x16x256xf32, #tpu.memory_space<hbm>> -> memref<1x1x256xf32, #tpu.memory_space<hbm>>
      %dma_wait3A_448 = tpu.memref_squeeze %dma_wait3A_447 : memref<1x1x256xf32, #tpu.memory_space<hbm>> -> memref<256xf32, #tpu.memory_space<hbm>>
      tpu.wait_dma2 semaphore(%arg25 : memref<!tpu.dma_semaphore, #tpu.memory_space<semaphore_mem>>) src(%dma_wait3A_448 : memref<256xf32, #tpu.memory_space<hbm>>) dst(%arg15 : memref<256xf32, #tpu.memory_space<vmem>>)
      %dma_wait3A_449 = arith.constant 0 : i32
      %dma_wait3A_450 = arith.constant 0 : i32
      %dma_wait3A_451 = tpu.memref_slice %arg4[%dma_wait3A_449, %arg1, %dma_wait3A_450] : memref<4096x16x256xf32, #tpu.memory_space<hbm>> -> memref<1x1x256xf32, #tpu.memory_space<hbm>>
      %dma_wait3A_452 = tpu.memref_squeeze %dma_wait3A_451 : memref<1x1x256xf32, #tpu.memory_space<hbm>> -> memref<256xf32, #tpu.memory_space<hbm>>
      %dma_wait3A_453 = arith.constant 0 : i32
      %dma_wait3A_454 = tpu.memref_slice %arg4[%dma_wait3A_449, %arg1, %dma_wait3A_453] : memref<4096x16x256xf32, #tpu.memory_space<hbm>> -> memref<1x1x256xf32, #tpu.memory_space<hbm>>
      %dma_wait3A_455 = tpu.memref_squeeze %dma_wait3A_454 : memref<1x1x256xf32, #tpu.memory_space<hbm>> -> memref<256xf32, #tpu.memory_space<hbm>>
      tpu.wait_dma2 semaphore(%arg25 : memref<!tpu.dma_semaphore, #tpu.memory_space<semaphore_mem>>) src(%dma_wait3A_455 : memref<256xf32, #tpu.memory_space<hbm>>) dst(%arg16 : memref<256xf32, #tpu.memory_space<vmem>>)
      "tpu.region"() ({
        %run_scoped3A = tpu.sem_alloc : memref<!tpu.dma_semaphore, #tpu.memory_space<semaphore_mem>>
        %dma_start3A_461 = arith.constant 0 : i32
        %dma_start3A_462 = tpu.memref_slice %arg6[%arg1, %dma_start3A_461] : memref<16x256xf32, #tpu.memory_space<hbm>> -> memref<1x256xf32, #tpu.memory_space<hbm>>
        %dma_start3A_463 = tpu.memref_squeeze %dma_start3A_462 : memref<1x256xf32, #tpu.memory_space<hbm>> -> memref<256xf32, #tpu.memory_space<hbm>>
        %dma_start3A_464 = arith.constant 0 : i32
        %dma_start3A_465 = tpu.memref_slice %arg6[%arg1, %dma_start3A_464] : memref<16x256xf32, #tpu.memory_space<hbm>> -> memref<1x256xf32, #tpu.memory_space<hbm>>
        %dma_start3A_466 = tpu.memref_squeeze %dma_start3A_465 : memref<1x256xf32, #tpu.memory_space<hbm>> -> memref<256xf32, #tpu.memory_space<hbm>>
        tpu.enqueue_dma source(%arg11 : memref<256xf32, #tpu.memory_space<vmem>>) target(%dma_start3A_466 : memref<256xf32, #tpu.memory_space<hbm>>) target_semaphore(%run_scoped3A : memref<!tpu.dma_semaphore, #tpu.memory_space<semaphore_mem>>)
        %dma_wait3A_467 = arith.constant 0 : i32
        %dma_wait3A_468 = tpu.memref_slice %arg6[%arg1, %dma_wait3A_467] : memref<16x256xf32, #tpu.memory_space<hbm>> -> memref<1x256xf32, #tpu.memory_space<hbm>>
        %dma_wait3A_469 = tpu.memref_squeeze %dma_wait3A_468 : memref<1x256xf32, #tpu.memory_space<hbm>> -> memref<256xf32, #tpu.memory_space<hbm>>
        %dma_wait3A_470 = arith.constant 0 : i32
        %dma_wait3A_471 = tpu.memref_slice %arg6[%arg1, %dma_wait3A_470] : memref<16x256xf32, #tpu.memory_space<hbm>> -> memref<1x256xf32, #tpu.memory_space<hbm>>
        %dma_wait3A_472 = tpu.memref_squeeze %dma_wait3A_471 : memref<1x256xf32, #tpu.memory_space<hbm>> -> memref<256xf32, #tpu.memory_space<hbm>>
        tpu.wait_dma2 semaphore(%run_scoped3A : memref<!tpu.dma_semaphore, #tpu.memory_space<semaphore_mem>>) src(%arg11 : memref<256xf32, #tpu.memory_space<vmem>>) dst(%dma_wait3A_472 : memref<256xf32, #tpu.memory_space<hbm>>)
        tpu.yield
      }) : () -> ()
      "tpu.region"() ({
        %run_scoped3A = tpu.sem_alloc : memref<!tpu.dma_semaphore, #tpu.memory_space<semaphore_mem>>
        %dma_start3A_461 = tpu.memref_slice %arg23[%mul3A_2] : memref<4096xf32, #tpu.memory_space<vmem_shared>> -> memref<256xf32, #tpu.memory_space<vmem_shared>>
        %dma_start3A_462 = tpu.memref_slice %arg23[%mul3A_2] : memref<4096xf32, #tpu.memory_space<vmem_shared>> -> memref<256xf32, #tpu.memory_space<vmem_shared>>
        tpu.enqueue_dma source(%arg12 : memref<256xf32, #tpu.memory_space<vmem>>) target(%dma_start3A_462 : memref<256xf32, #tpu.memory_space<vmem_shared>>) target_semaphore(%run_scoped3A : memref<!tpu.dma_semaphore, #tpu.memory_space<semaphore_mem>>)
        %dma_wait3A_463 = tpu.memref_slice %arg23[%mul3A_2] : memref<4096xf32, #tpu.memory_space<vmem_shared>> -> memref<256xf32, #tpu.memory_space<vmem_shared>>
        %dma_wait3A_464 = tpu.memref_slice %arg23[%mul3A_2] : memref<4096xf32, #tpu.memory_space<vmem_shared>> -> memref<256xf32, #tpu.memory_space<vmem_shared>>
        tpu.wait_dma2 semaphore(%run_scoped3A : memref<!tpu.dma_semaphore, #tpu.memory_space<semaphore_mem>>) src(%arg12 : memref<256xf32, #tpu.memory_space<vmem>>) dst(%dma_wait3A_464 : memref<256xf32, #tpu.memory_space<vmem_shared>>)
        tpu.yield
      }) : () -> ()
      %barrier3A = arith.constant 0 : index
      tpu.barrier barrier_id(%barrier3A)
      %eq3A_456 = arith.constant 0 : i32
      %eq3A_457 = arith.cmpi eq, %arg1, %eq3A_456 : i32
      %convert_element_type3A_458 = arith.extui %eq3A_457 : i1 to i32
      %cond3A_459 = arith.constant 0 : i32
      %cond3A_460 = arith.cmpi ne, %convert_element_type3A_458, %cond3A_459 : i32
      scf.if %cond3A_460 {
        "tpu.region"() ({
          %run_scoped3A = tpu.sem_alloc : memref<!tpu.dma_semaphore, #tpu.memory_space<semaphore_mem>>
          tpu.enqueue_dma source(%arg23 : memref<4096xf32, #tpu.memory_space<vmem_shared>>) target(%arg20 : memref<4096xf32, #tpu.memory_space<vmem>>) target_semaphore(%run_scoped3A : memref<!tpu.dma_semaphore, #tpu.memory_space<semaphore_mem>>)
          tpu.wait_dma2 semaphore(%run_scoped3A : memref<!tpu.dma_semaphore, #tpu.memory_space<semaphore_mem>>) src(%arg23 : memref<4096xf32, #tpu.memory_space<vmem_shared>>) dst(%arg20 : memref<4096xf32, #tpu.memory_space<vmem>>)
          tpu.yield
        }) : () -> ()
        %scan3A_461 = arith.constant 0 : i32
        %scan3A_462 = arith.constant 0 : i32
        %scan3A_463 = arith.constant 256 : i32
        %scan3A_464 = arith.addi %scan3A_462, %scan3A_463 : i32
        %scan3A_465 = arith.constant 1 : i32
        %scan3A_466 = scf.for %scan3A_488 = %scan3A_462 to %scan3A_464 step %scan3A_465 iter_args(%scan3A_489 = %scan3A_461) -> (i32)  : i32 {
          %broadcast_in_dim3A_490 = arith.constant 0 : i32
          %broadcast_in_dim3A_491 = vector.broadcast %broadcast_in_dim3A_490 : i32 to vector<16xi32>
          %mul3A_492 = arith.constant 16 : i32
          %mul3A_493 = arith.muli %scan3A_488, %mul3A_492 : i32
          %swap3A = arith.index_cast %mul3A_493 : i32 to index
          %swap3A_494 = tpu.vector_load %arg21[%swap3A] {strides = array<i32>} : memref<4096xi32, #tpu.memory_space<vmem>>, vector<16xi32>,
          tpu.vector_store %arg21[%swap3A], %broadcast_in_dim3A_491 {strides = array<i32>} : memref<4096xi32, #tpu.memory_space<vmem>>, vector<16xi32>,
          %scan3A_495 = arith.constant 0 : i32
          scf.yield %scan3A_495 : i32
        }
        %scan3A_467 = arith.constant 256 : i32
        %broadcast_in_dim3A_468 = vector.broadcast %squeeze3A_5 : i32 to vector<16xi32>
        %broadcast_in_dim3A_469 = arith.constant 1 : i32
        %broadcast_in_dim3A_470 = vector.broadcast %broadcast_in_dim3A_469 : i32 to vector<16xi32>
        %eq3A_471 = arith.constant 0 : i32
        %eq3A_472 = vector.broadcast %eq3A_471 : i32 to vector<16xi32>
        %eq3A_473 = arith.cmpi eq, %iota3A, %eq3A_472 : vector<16xi32>
        tpu.vector_store_idx %arg21[%broadcast_in_dim3A_468], %broadcast_in_dim3A_470 masked %eq3A_473 : memref<4096xi32, #tpu.memory_space<vmem>>[vector<16xi32>], vector<16xi32>, vector<16xi1>
        %gather3A = tpu.vector_load_idx %arg20[%broadcast_in_dim3A_468] : memref<4096xf32, #tpu.memory_space<vmem>>[vector<16xi32>], vector<16xf32>,
        %reduce_max3A_474 = arith.constant true
        %reduce_max3A_475 = vector.broadcast %reduce_max3A_474 : i1 to vector<16xi1>
        %reduce_max3A_476 = tpu.scan <max>, %gather3A masked %reduce_max3A_475 : vector<16xf32>, vector<16xi1> -> vector<16xf32>
        %reduce_max3A_477 = vector.extract %reduce_max3A_476[15] : f32 from vector<16xf32>
        %convert_element_type3A_478 = arith.fptosi %reduce_max3A_477 : f32 to i32
        %convert_element_type3A_479 = arith.sitofp %convert_element_type3A_478 : i32 to f32
        %gt3A_480 = arith.cmpf ogt, %convert_element_type3A_479, %reduce_max3A_477 : f32
        %convert_element_type3A_481 = arith.extui %gt3A_480 : i1 to i32
        %sub3A = arith.subi %convert_element_type3A_478, %convert_element_type3A_481 : i32
        %scan3A_482 = arith.constant 0 : i32
        %scan3A_483 = arith.constant 203 : i32
        %scan3A_484 = arith.addi %scan3A_482, %scan3A_483 : i32
        %scan3A_485 = arith.constant 1 : i32
        %scan3A_486 = scf.for %scan3A_488 = %scan3A_482 to %scan3A_484 step %scan3A_485 iter_args(%scan3A_489 = %sub3A) -> (i32)  : i32 {
          %broadcast_in_dim3A_490 = vector.broadcast %scan3A_489 : i32 to vector<16xi32>
          %broadcast_in_dim3A_491 = arith.constant 1 : i32
          %broadcast_in_dim3A_492 = vector.broadcast %broadcast_in_dim3A_491 : i32 to vector<16xi32>
          %eq3A_493 = arith.constant 0 : i32
          %eq3A_494 = vector.broadcast %eq3A_493 : i32 to vector<16xi32>
          %eq3A_495 = arith.cmpi eq, %iota3A, %eq3A_494 : vector<16xi32>
          tpu.vector_store_idx %arg21[%broadcast_in_dim3A_490], %broadcast_in_dim3A_492 masked %eq3A_495 : memref<4096xi32, #tpu.memory_space<vmem>>[vector<16xi32>], vector<16xi32>, vector<16xi1>
          %gather3A_496 = tpu.vector_load_idx %arg20[%broadcast_in_dim3A_490] : memref<4096xf32, #tpu.memory_space<vmem>>[vector<16xi32>], vector<16xf32>,
          %reduce_max3A_497 = arith.constant true
          %reduce_max3A_498 = vector.broadcast %reduce_max3A_497 : i1 to vector<16xi1>
          %reduce_max3A_499 = tpu.scan <max>, %gather3A_496 masked %reduce_max3A_498 : vector<16xf32>, vector<16xi1> -> vector<16xf32>
          %reduce_max3A_500 = vector.extract %reduce_max3A_499[15] : f32 from vector<16xf32>
          %convert_element_type3A_501 = arith.fptosi %reduce_max3A_500 : f32 to i32
          %convert_element_type3A_502 = arith.sitofp %convert_element_type3A_501 : i32 to f32
          %gt3A_503 = arith.cmpf ogt, %convert_element_type3A_502, %reduce_max3A_500 : f32
          %convert_element_type3A_504 = arith.extui %gt3A_503 : i1 to i32
          %sub3A_505 = arith.subi %convert_element_type3A_501, %convert_element_type3A_504 : i32
          scf.yield %sub3A_505 : i32
        }
        %scan3A_487 = arith.constant 203 : i32
        "tpu.region"() ({
          %run_scoped3A = tpu.sem_alloc : memref<!tpu.dma_semaphore, #tpu.memory_space<semaphore_mem>>
          tpu.enqueue_dma source(%arg21 : memref<4096xi32, #tpu.memory_space<vmem>>) target(%arg7 : memref<4096xi32, #tpu.memory_space<hbm>>) target_semaphore(%run_scoped3A : memref<!tpu.dma_semaphore, #tpu.memory_space<semaphore_mem>>)
          tpu.wait_dma2 semaphore(%run_scoped3A : memref<!tpu.dma_semaphore, #tpu.memory_space<semaphore_mem>>) src(%arg21 : memref<4096xi32, #tpu.memory_space<vmem>>) dst(%arg7 : memref<4096xi32, #tpu.memory_space<hbm>>)
          tpu.yield
        }) : () -> ()
      } else {
      }
    } else {
    }
    return
  }
}

</mosaic_0001>

<sc_bundles>
// kernel: _run.3.cloned.1.call-start
scs
__scs_entry_jumppad:
0x0: {  	(pc) =	sbr.rel $0x88, $3  }
0x1: {  	(tag) =	ssettag $0x0;
	lr =	simm.s32 $0x1  }
0x2: {  	[smem:$0x3F9D] =	sst lr;
	_ =	strace $0xD0000000  }
0x3: {  	_ = 	snop  }
0x4: {  	_ = 	snop  }
0x5: {  	_ = 	snop  }
0x6: {  	_ = 	snop  }
0x7: {  	_ = 	snop  }
__scs_overlays_trampoline_lowered:
0x8: {  	[smem:$0x3FAC] =	sst s0  }
0x9: {  	[smem:$0x3FAD] =	sst s1  }
0xa: {  	[smem:$0x3FAE] =	sst s2  }
0xb: {  	[smem:$0x3FAF] =	sst s3  }
0xc: {  	[smem:$0x3FB0] =	sst s4  }
0xd: {  	[smem:$0x3FB1] =	sst s5  }
0xe: {  	[smem:$0x3FB2] =	sst s6  }
0xf: {  	[smem:$0x3FB3] =	sst s7  }
0x10: {  	[smem:$0x3FB4] =	sst s8  }
0x11: {  	[smem:$0x3FB5] =	sst s9;
	s0 =	simm.s32 @!p0 $0x0  }
0x12: {  	s1 =	sld [smem:$0x3F9B];
	s0 =	simm.s32 @p0 $0x1  }
0x13: {  	[smem:$0x3FB6] =	sst s0;
	s0 =	simm.s32 @!p1 $0x0  }
0x14: {  	s2 =	sld [smem:$0x3F9A];
	s0 =	simm.s32 @p1 $0x1  }
0x15: {  	[smem:$0x3FB7] =	sst s0;
	s0 =	simm.s32 @!p2 $0x0  }
0x16: {  	s3 =	sld [smem:$0x3FDB];
	s0 =	simm.s32 @p2 $0x1  }
0x17: {  	s4 =	simm.s32 $0x1BF5;
	[smem:$0x3FB9] =	sst s0  }
0x18: {  	s0 =	sld [smem:$0x3F9C];
	_ =	swait.ge [sflag:s4], $0x0  }
0x19: {  	s7 =	sld [smem:$0x3F9D]  }
0x1a: {  	s8 =	sadd.s32 $0xFFFFE003, lr  }
0x1b: {  	s9 =	sadd.s32 $0xFFFFFEF7, lr;
	s5 =	simm.s32 $0xFFFFFFFF;
	p2 =	slt.u32 s8, $0xFFFFF086  }
0x1c: {  	p1 =	slt.u32 s9, $0xF7A;
	s5 =	simm.s32 @!p2 $0x0  }
0x1d: {  	s5 =	simm.s32 @p1 $0x1;
	p0 =	seq.s32 s7, s2  }
0x1e: {  	s7 =	smul.u32 @!p0 $0xF7A, s2;
	p2 =	seq.s32 @!p0 s5, $0x0  }
0x1f: {  	s9 =	smul.u32 $0xF7A, s1;
	s8 =	simm.s32 @!p0 $0x1BF5;
	p2 =	por !p2, p0  }
0x20: {  	[sflag:s8] =	ssyncset.s32 @!p0 $0xFFFFF086;
	s6 =	sadd.s32 @!p0 s3, s7;
	s7 =	simm.s32 @!p0 $0x108  }
0x21: {  	s3 =	sadd.s32 s3, s9;
	s6 =	sadd.s32 @!p0 $0x88, s6;
	s7 =	simm.s32 @p2 $0x1082  }
0x22: {  	[simem:s7], [sflag:s8] =	dma.local @!p0 [hbm:s6], $0xF7A  }
0x23: {  	s9 =	sor.u32 $0xD0000000, s2;
	s6 =	simm.s32 $0x108;
	_ =	swait.ge @!p0 [sflag:s8], $0x0  }
0x24: {  	s3 =	sadd.s32 $0x88, s3;
	s6 =	simm.s32 @!p1 $0x1082;
	[sflag:s4] =	ssyncset.s32 $0xFFFFF086  }
0x25: {  	[simem:s6], [sflag:s4] =	dma.local [hbm:s3], $0xF7A  }
0x26: {  	[smem:$0x3F9D] =	sst s1;
	(tag) =	ssettag s2;
	_ =	strace s9  }
0x27: {  	s1 =	sld [smem:$0x3FAD]  }
0x28: {  	s2 =	sld [smem:$0x3FAE]  }
0x29: {  	s4 =	sld [smem:$0x3FB0]  }
0x2a: {  	p0 =	seq.s32 s5, $0x0;
	s5 =	sld [smem:$0x3FB1]  }
0x2b: {  	s6 =	sld [smem:$0x3FB2]  }
0x2c: {  	s7 =	sld [smem:$0x3FB3]  }
0x2d: {  	s3 =	simm.s32 $0x108;
	s8 =	sld [smem:$0x3FB4]  }
0x2e: {  	s3 =	simm.s32 @!p0 $0x1082;
	s9 =	sld [smem:$0x3FB5]  }
0x2f: {  	lr =	sadd.s32 s0, s3;
	s0 =	sld [smem:$0x3FAC]  }
0x30: {  	s3 =	sld [smem:$0x3FAF]  }
0x31: {  	[smem:$0x3FB8] =	sst s10  }
0x32: {  	s10 =	sld [smem:$0x3FB6];
	_ =	sdelay $0x3  }
0x33: {  	p0 =	seq.s32 s10, $0x1;
	s10 =	sld [smem:$0x3FB8];
	_ =	sdelay $0x3  }
0x34: {  	[smem:$0x3FB8] =	sst s10  }
0x35: {  	s10 =	sld [smem:$0x3FB7];
	_ =	sdelay $0x3  }
0x36: {  	p1 =	seq.s32 s10, $0x1;
	s10 =	sld [smem:$0x3FB8];
	_ =	sdelay $0x3  }
0x37: {  	[smem:$0x3FB8] =	sst s10  }
0x38: {  	s10 =	sld [smem:$0x3FB9]  }
0x39: {  	_ = 	snop;
	(pc) =	sbr.ind lr, $3  }
0x3a: {  	_ = 	snop  }
0x3b: {  	_ = 	snop  }
0x3c: {  	p2 =	seq.s32 s10, $0x1;
	s10 =	sld [smem:$0x3FB8]  }
0x3d: {  	_ =	shalt  }
0x3e: {  	_ =	shalt  }
0x3f: {  	_ =	shalt  }
0x40: {  	_ =	shalt  }
0x41: {  	_ =	shalt  }
0x42: {  	_ =	shalt  }
0x43: {  	_ =	shalt  }
0x44: {  	_ =	shalt  }
0x45: {  	_ =	shalt  }
0x46: {  	_ =	shalt  }
0x47: {  	_ =	shalt  }
0x48: {  	_ =	shalt  }
0x49: {  	_ =	shalt  }
0x4a: {  	_ =	shalt  }
0x4b: {  	_ =	shalt  }
0x4c: {  	_ =	shalt  }
0x4d: {  	_ =	shalt  }
0x4e: {  	_ =	shalt  }
0x4f: {  	_ =	shalt  }
0x50: {  	_ =	shalt  }
0x51: {  	_ =	shalt  }
0x52: {  	_ =	shalt  }
0x53: {  	_ =	shalt  }
0x54: {  	_ =	shalt  }
0x55: {  	_ =	shalt  }
0x56: {  	_ =	shalt  }
0x57: {  	_ =	shalt  }
0x58: {  	_ =	shalt  }
0x59: {  	_ =	shalt  }
0x5a: {  	_ =	shalt  }
0x5b: {  	_ =	shalt  }
0x5c: {  	_ =	shalt  }
0x5d: {  	_ =	shalt  }
0x5e: {  	_ =	shalt  }
0x5f: {  	_ =	shalt  }
0x60: {  	_ =	shalt  }
0x61: {  	_ =	shalt  }
0x62: {  	_ =	shalt  }
0x63: {  	_ =	shalt  }
0x64: {  	_ =	shalt  }
0x65: {  	_ =	shalt  }
0x66: {  	_ =	shalt  }
0x67: {  	_ =	shalt  }
0x68: {  	_ =	shalt  }
0x69: {  	_ =	shalt  }
0x6a: {  	_ =	shalt  }
0x6b: {  	_ =	shalt  }
0x6c: {  	_ =	shalt  }
0x6d: {  	_ =	shalt  }
0x6e: {  	_ =	shalt  }
0x6f: {  	_ =	shalt  }
0x70: {  	_ =	shalt  }
0x71: {  	_ =	shalt  }
0x72: {  	_ =	shalt  }
0x73: {  	_ =	shalt  }
0x74: {  	_ =	shalt  }
0x75: {  	_ =	shalt  }
0x76: {  	_ =	shalt  }
0x77: {  	_ =	shalt  }
0x78: {  	_ =	shalt  }
0x79: {  	_ =	shalt  }
0x7a: {  	_ =	shalt  }
0x7b: {  	_ =	shalt  }
0x7c: {  	_ =	shalt  }
0x7d: {  	_ =	shalt  }
0x7e: {  	_ =	shalt  }
0x7f: {  	_ =	shalt  }
0x80: {  	_ =	shalt  }
0x81: {  	_ =	shalt  }
0x82: {  	_ =	shalt  }
0x83: {  	_ =	shalt  }
0x84: {  	_ =	shalt  }
0x85: {  	_ =	shalt  }
0x86: {  	_ =	shalt  }
0x87: {  	_ =	shalt  }
.Lfunc_end0:
.L_simem_size_0:
called_computation_lowered:
.L_overlay_start_0:
0x88: {  	s2 =	sld [smem:$0x3FD9]  }
0x89: {  	s3 =	sld [smem:$0x3FFE];
	_ =	sdelay $0x1  }
0x8a: {  	s1 =	srdreg.scid  }
0x8b: {  	s0 =	sand.u32 $0x1, s1  }
0x8c: {  	s15 =	sshll.u32 s0, $0xA;
	s2 =	sadd.s32 s3, s2  }
0x8d: {  	s2 =	sadd.s32 s2, s15  }
0x8e: {  	[smem:$0x3FC4] =	sst s2  }
0x8f: {  	_ = 	snop  }
0x90: {  	s2 =	sld [smem:$0x3FC9]  }
0x91: {  	s16 =	sld [smem:$0x3FD0]  }
0x92: {  	s4 =	sld [smem:$0x3FC8]  }
0x93: {  	s5 =	sld [smem:$0x3FC7]  }
0x94: {  	s7 =	simm.s32 $0xA;
	s8 =	simm.s32 $0x10;
	s6 =	sld [smem:$0x3FC6]  }
0x95: {  	[smem:s8], [sflag:s7] =	dma.local [hbm:s16], $0x1  }
0x96: {  	_ =	swait.eq [sflag:s7], $0x1  }
0x97: {  	[sflag:s7] =	ssyncset.done $0x0  }
0x98: {  	s17 =	sld [smem:$0x10];
	[sflag:s7] =	ssyncadd.s32 $0xFFFFFFFF  }
0x99: {  	s18 =	sld [smem:$0x11];
	(tm) =	ssettm $0x1  }
0x9a: {  	s19 =	sld [smem:$0x3FFB];
	_ =	sdelay $0x3  }
0x9b: {  	_ =	strace s19  }
0x9c: {  	s8 =	sld [smem:$0x3FFC];
	_ =	sdelay $0x3  }
0x9d: {  	_ =	strace s8  }
0x9e: {  	s8 =	sld [smem:$0x3FFD];
	_ =	sdelay $0x3  }
0x9f: {  	_ =	strace s8  }
0xa0: {  	_ =	strace $0x8FFFFFFF  }
0xa1: {  	s20 =	sld [smem:$0x3FDB];
	_ =	sdelay $0x1  }
0xa2: {  	s9 =	simm.s32 $_scs_section_size  }
0xa3: {  	s10 =	simm.s32 $_size__tile_overlayer_lowered;
	s11 =	simm.s32 $_tile_overlayer_lowered  }
0xa4: {  	s23 =	simm.s32 $0x1BFF;
	s22 =	sshll.u32 s11, $0x1;
	s8 =	sadd.s32 s9, s20  }
0xa5: {  	s12 =	simm.s32 $0x0;
	s21 =	sshll.u32 s10, $0x1;
	s10 =	sadd.s32 s22, s8  }
0xa6: {  	[timem:s12], [sflag:s23] =	dma.local [hbm:s10], s21  }
0xa7: {  	_ =	swait.ge [sflag:s23], s21  }
0xa8: {  	s9 =	ssub.s32 $0x0, s21;
	[sflag:s23] =	ssyncset.done $0x0  }
0xa9: {  	[sflag:s23] =	ssyncadd.s32 s9;
	_ =	sdelay $0x1  }
0xaa: {  	s24 =	simm.s32 $0x1B8B  }
0xab: {  	_ =	swait.ge [sflag:s24], $0x1  }
0xac: {  	[sflag:s24] =	ssyncset.done $0x0  }
0xad: {  	s25 =	simm.s32 $0x1B8E;
	[sflag:s24] =	ssyncadd.s32 $0xFFFFFFFF  }
0xae: {  	s26 =	simm.s32 $execute0_lowered;
	[smem:$0x3FD2] =	sst s25  }
0xaf: {  	s9 =	sshll.u32 s26, $0x1;
	_ =	strace $0x80000046;
	[dreg:$0x1] =	wrdreg $0xFFFFFFFF  }
0xb0: {  	s28 =	simm.s32 $_size_execute0_lowered;
	s8 =	sadd.s32 s8, s9;
	[dreg:$0x0] =	wrdreg $0x0  }
0xb1: {  	s9 =	sshll.u32 s28, $0x1;
	[dreg:$0x2] =	wrdreg s8  }
0xb2: {  	[dreg:$0x3] =	wrdreg s9  }
0xb3: {  	[dreg:$0x4] =	wrdreg $0xC0  }
0xb4: {  	_ =	task [dreg:s12], $0x5FFFF  }
0xb5: {  	[dreg:$0x1] =	wrdreg $0xFFFFFFFF  }
0xb6: {  	[dreg:$0x0] =	wrdreg $0x60  }
0xb7: {  	[dreg:$0x2] =	wrdreg s2  }
0xb8: {  	[dreg:$0x3] =	wrdreg s4  }
0xb9: {  	[dreg:$0x4] =	wrdreg s5  }
0xba: {  	[dreg:$0x5] =	wrdreg s6  }
0xbb: {  	[dreg:$0x6] =	wrdreg s17  }
0xbc: {  	[dreg:$0x7] =	wrdreg s18  }
0xbd: {  	[dreg:$0x8] =	wrdreg $0x32000  }
0xbe: {  	[dreg:$0x9] =	wrdreg $0x32200  }
0xbf: {  	[dreg:$0xa] =	wrdreg $0x9  }
0xc0: {  	_ =	task.clear_ibuf [dreg:s12], $0xBFFFF;
	_ =	strace $0x90000046  }
0xc1: {  	s29 =	simm.s32 $0x9;
	_ =	strace $0x80000048  }
0xc2: {  	_ =	swait.ge [sflag:s29], $0x1  }
0xc3: {  	[sflag:s29] =	ssyncadd.s32 $0xFFFFFFFF  }
0xc4: {  	_ =	strace $0x90000048  }
0xc5: {  	_ =	sfence  }
0xc6: {  	s30 =	sld [smem:$0x0];
	_ =	sdelay $0x2  }
0xc7: {  	s31 =	sshll.u32 s1, $0xD;
	s1 =	sshrl.u32 s1, $0x2  }
0xc8: {  	s3 =	sand.u32 $0x4000, s31;
	s1 =	sadd.s32 s1, s30  }
0xc9: {  	s0 =	sor.u32 s3, s0;
	s1 =	sshll.u32 s1, $0x11  }
0xca: {  	s0 =	sor.u32 s1, s0  }
0xcb: {  	s0 =	sadd.s32 $0x8F2B, s0  }
0xcc: {  	[sflag:s0] =	ssyncadd.remote.s32 $0x1  }
0xcd: {  	_ =	sfence.sel $0xFFFF  }
0xce: {  	[dreg:$0x0] =	wrdreg $0xFFFFFFFF;
	(pc) =	sbr.abs _section_cstart, $3  }
0xcf: {  	[dreg:$0x1] =	wrdreg $0xFFFFFFFF  }
0xd0: {  	_ =	task.clear_ibuf [dreg:s12], $0x2FFFF;
	_ =	strace $0x9FFFFFFF  }
0xd1: {  	(tm) =	ssettm $0x7FFFFFFF  }
tec
execute0_lowered:
.L_overlay_start_1:
0x0: {  	(tag) =	ssettag $0x1  }
0x1: {  	s11 =	rddreg [dreg:$0x0]  }
0x2: {  	s4 =	rddreg [dreg:$0x1];
	s2 =	srdreg.scid  }
0x3: {  	s5 =	rddreg [dreg:$0x2];
	s2 =	sand.u32 $0x1, s2  }
0x4: {  	s7 =	rddreg [dreg:$0x3];
	p0 =	seq.s32 s2, $0x1  }
.Ltmp0:
0x5: {  	s9 =	rddreg [dreg:$0x4];
	(pc) =	sbr.rel @p0 .LBB2_18-.Ltmp0, $4  }
0x6: {  	s6 =	rddreg [dreg:$0x6]  }
0x7: {  	s3 =	rddreg [dreg:$0x7];
	s12 =	simm.s32 $0x0  }
0x8: {  	[smem:$0x7FF] =	sst s12  }
0x9: {  	s0 =	rddreg [dreg:$0x8];
	_ =	strace $0x80000047;
	s2 =	stileid.u32  }
0xa: {  	s8 =	simm.s32 $0x900;
	s13 =	simm.s32 $0x1  }
0xb: {  	[tilespmem:s8], [sflag:$0x1] =	stream.linear.gather [hbm4b:s7+s12], $0x80, $0x38;
	[tilespmem:$0x3320] =	vst v63  }
0xc: {  	_ =	swait.ge [sflag:s13], $0x80  }
0xd: {  	[sflag:s13] =	ssyncset.done $0x0  }
0xe: {  	[sflag:s13] =	ssyncadd.s32 $0xFFFFFF80  }
0xf: {  	v0 =	vld [tilespmem:$0x900];
	_ =	sdelay $0x4  }
0x10: {  	(v2sf) =	vpush v0, $0x1;
	_ =	sdelay $0x8  }
0x11: {  	s29 =	sshll.u32 s2, $0x7;
	s7 =	sshll.u32 s2, $0x8  }
0x12: {  	s15 =	sand.u32 $0x380, s29;
	s14 =	sand.u32 $0x800, s7  }
0x13: {  	s8 =	sor.u32 s15, s14  }
0x14: {  	s10 =	sshrl.u32 s8, $0x3  }
0x15: {  	s17 =	simm.s32 $0x80;
	s18 =	simm.s32 $0x400;
	s11 =	sadd.s32 s11, s10  }
0x16: {  	[tilespmem:s12], [sflag:$0x1] =	stream.strided.gather [hbm4b:s11+s17], $0x100, s18, s17, $0x38;
	[tilespmem:$0x3320] =	vst v63  }
0x17: {  	s16 =	spop (v2sf)  }
0x18: {  	_ =	swait.ge [sflag:s13], $0x100  }
0x19: {  	(v2sf) =	vpush v0, $0x0;
	_ =	sdelay $0xe  }
0x1a: {  	s30 =	spop (v2sf)  }
0x1b: {  	s11 =	sshll.u32 s30, $0xC  }
0x1c: {  	s11 =	sor.u32 s11, s14  }
0x1d: {  	s11 =	sor.u32 s15, s11  }
0x1e: {  	s31 =	simm.s32 $0x100;
	[sflag:s13] =	ssyncset.done $0x0;
	s11 =	sshrl.u32 s11, $0x3  }
0x1f: {  	[sflag:s13] =	ssyncadd.s32 $0xFFFFFF00;
	s15 =	sor.u32 $0x10, s7;
	s11 =	sadd.s32 s5, s11  }
0x20: {  	v17 =	vlaneseq.u32;
	[tilespmem:s31], [sflag:$0x1] =	stream.strided.gather [hbm4b:s11+s17], $0x100, s18, s17, $0x38;
	[tilespmem:$0x3320] =	vst v63  }
0x21: {  	v2 =	vor.u32 s15, v17;
	_ =	swait.ge [sflag:s13], $0x100  }
0x22: {  	s17 =	sor.u32 $0x20, s7;
	[tilespmem:$0x1FF70] =	vst v2  }
0x23: {  	s23 =	sor.u32 $0x80, s7;
	v2 =	vor.u32 s17, v17;
	[tilespmem:$0x1FFE0] =	vst v0  }
0x24: {  	v18 =	vbroadcast v0, $0x0;
	s18 =	sor.u32 $0x30, s7;
	[sflag:s13] =	ssyncset.done $0x0;
	v0 =	vor.u32 s23, v17;
	[tilespmem:$0x1FF80] =	vst v2  }
0x25: {  	s1 =	simm.s32 $0x0;
	s16 =	scvt.s32.f32 s16;
	[sflag:s13] =	ssyncadd.s32 $0xFFFFFF00;
	v2 =	vor.u32 s18, v17;
	[tilespmem:$0x1FFF0] =	vst v0  }
0x26: {  	v19 =	vimm.f32 $0.0e+00;
	v1 =	vor.u32 s7, v17;
	v14 =	vld [tilespmem:s1+$0x100];
	[tilespmem:$0x1FF90] =	vst v2  }
0x27: {  	vm1 =	veq.s32 v1, v18;
	v20 =	vmov s16;
	[tilespmem:s1+$0x300] =	vst v19  }
0x28: {  	s19 =	sor.u32 $0x40, s7;
	v15 =	vsel vm1, $0x3F800000, v19;
	[tilespmem:s1+$0x400] =	vst v20  }
0x29: {  	s20 =	sor.u32 $0x50, s7;
	s21 =	sor.u32 $0x60, s7;
	s22 =	sor.u32 $0x70, s7;
	v2 =	vor.u32 s19, v17;
	[tilespmem:s1+$0x200] =	vst v15  }
0x2a: {  	s24 =	sor.u32 $0x90, s7;
	s25 =	sor.u32 $0xA0, s7;
	s26 =	sor.u32 $0xB0, s7;
	[tilespmem:$0x1FFA0] =	vst v2;
	v2 =	vor.u32 s20, v17  }
0x2b: {  	s28 =	sor.u32 $0xC0, s7;
	s29 =	sor.u32 $0xD0, s7;
	v10 =	vor.u32 s24, v17;
	s9 =	sadd.s32 s9, s10;
	[tilespmem:$0x1FFB0] =	vst v2;
	v2 =	vor.u32 s21, v17;
	vm0 =	veq.f32 v14, $+Inf  }
0x2c: {  	v11 =	vor.u32 s25, v17;
	s12 =	smov.u32 s7;
	s30 =	sor.u32 $0xE0, s7;
	s14 =	sadd.s32 s4, s10;
	[tilespmem:$0x1FFC0] =	vst v2;
	v2 =	vor.u32 s22, v17;
	vm0 =	vmor vm1, vm0  }
0x2d: {  	v12 =	vor.u32 s26, v17;
	v13 =	vor.u32 s28, v17;
	s15 =	sadd.s32 s5, s10;
	s10 =	sadd.s32 s7, s3;
	s31 =	sor.u32 $0xF0, s7;
	[tilespmem:$0x1FFD0] =	vst v2;
	v21 =	vsel vm0, $0x0, v14  }
0x2e: {  	s11 =	simm.s32 $0x10;
	v16 =	vor.u32 s31, v17;
	s17 =	sshll.u32 s2, $0x9;
	s13 =	simm.s32 $0x80;
	v15 =	vor.u32 s30, v17;
	v14 =	vor.u32 s29, v17;
	[tilespmem:s1+$0x100] =	vst v21  }
.LBB2_2:
0x2f: {  	p0 =	sne.s32 s13, $0x3C0;
	v21 =	vld [tilespmem:s11+$0x100];
	[tilespmem:s11+$0x300] =	vst v19  }
0x30: {  	[tilespmem:s11+$0x400] =	vst v20;
	_ =	sdelay $0x1  }
0x31: {  	s12 =	sadd.s32 $0x10, s12  }
.Ltmp1:
0x32: {  	v22 =	vor.u32 s12, v17;
	(pc) =	sbr.rel @p0 .LBB2_2-.Ltmp1, $4  }
0x33: {  	vm1 =	veq.s32 v22, v18;
	vm0 =	veq.f32 v21, $+Inf  }
0x34: {  	v22 =	vsel vm1, $0x3F800000, v19;
	vm0 =	vmor vm1, vm0  }
0x35: {  	v21 =	vsel vm0, $0x0, v21;
	[tilespmem:s11+$0x200] =	vst v22  }
0x36: {  	[tilespmem:s11+$0x100] =	vst v21;
	s11 =	sshra.s32 s13, $0x2;
	s13 =	sadd.s32 $0x40, s13  }
0x37: {  	v21 =	vld [tilespmem:s11+$0x100];
	_ =	sdelay $0x2  }
0x38: {  	s12 =	sadd.s32 $0x10, s12  }
0x39: {  	v17 =	vor.u32 s12, v17  }
0x3a: {  	[tilespmem:s11+$0x300] =	vst v19;
	vm1 =	veq.s32 v17, v18;
	vm0 =	veq.f32 v21, $+Inf  }
0x3b: {  	[tilespmem:s11+$0x400] =	vst v20;
	v17 =	vsel vm1, $0x3F800000, v19;
	vm0 =	vmor vm1, vm0  }
0x3c: {  	[tilespmem:s11+$0x200] =	vst v17;
	v18 =	vsel vm0, $0x0, v21  }
0x3d: {  	[tilespmem:s11+$0x100] =	vst v18  }
0x3e: {  	v17 =	vld [tilespmem:$0x100]  }
0x3f: {  	v18 =	vld [tilespmem:$0x0]  }
0x40: {  	v19 =	vld [tilespmem:$0x110]  }
0x41: {  	v20 =	vld [tilespmem:$0x10];
	_ =	sdelay $0x1  }
0x42: {  	v21 =	vld [tilespmem:$0x120]  }
0x43: {  	v22 =	vld [tilespmem:$0x20]  }
0x44: {  	v17 =	vmul.f32 $5.000000000e-01, v17;
	v18 =	vmul.f32 $5.000000000e-01, v18  }
0x45: {  	v23 =	vld [tilespmem:$0x30];
	v19 =	vmul.f32 $5.000000000e-01, v19;
	v20 =	vmul.f32 $5.000000000e-01, v20  }
0x46: {  	v17 =	vadd.f32 v18, v17;
	v18 =	vld [tilespmem:$0x130]  }
0x47: {  	v24 =	vld [tilespmem:$0x140];
	v19 =	vadd.f32 v20, v19;
	v20 =	vmul.f32 $5.000000000e-01, v21  }
0x48: {  	v21 =	vmul.f32 $5.000000000e-01, v22;
	v22 =	vld [tilespmem:$0x40];
	v17 =	vmul.f32 $-1.562500000e-02, v17  }
0x49: {  	v19 =	vmul.f32 $-1.562500000e-02, v19  }
0x4a: {  	v20 =	vadd.f32 v21, v20;
	v21 =	vmul.f32 $5.000000000e-01, v23;
	v17 =	vmul.f32 $1.442695020e+00, v17  }
0x4b: {  	v25 =	vld [tilespmem:$0x170];
	v19 =	vmul.f32 $1.442695020e+00, v19;
	v18 =	vmul.f32 $5.000000000e-01, v18  }
0x4c: {  	v23 =	vld [tilespmem:$0x150];
	v20 =	vmul.f32 $-1.562500000e-02, v20;
	(erf) = vpow2.f32 v17  }
0x4d: {  	v22 =	vmul.f32 $5.000000000e-01, v22;
	v18 =	vadd.f32 v21, v18;
	v21 =	vmul.f32 $5.000000000e-01, v24;
	v24 =	vld [tilespmem:$0x50]  }
0x4e: {  	v26 =	vld [tilespmem:$0x70];
	v17 =	vmul.f32 $1.442695020e+00, v20;
	(erf) = vpow2.f32 v19  }
0x4f: {  	v28 =	vld [tilespmem:$0x180];
	v18 =	vmul.f32 $-1.562500000e-02, v18;
	v19 =	vadd.f32 v22, v21  }
0x50: {  	v30 =	vld [tilespmem:$0x80];
	(erf) = vpow2.f32 v17  }
0x51: {  	v20 =	vld [tilespmem:$0x200];
	v18 =	vmul.f32 $1.442695020e+00, v18;
	v19 =	vmul.f32 $-1.562500000e-02, v19  }
0x52: {  	v17 =	vld [tilespmem:$0x210];
	v22 =	vmul.f32 $5.000000000e-01, v23;
	v23 =	vmul.f32 $5.000000000e-01, v24  }
0x53: {  	(erf) = vpow2.f32 v18;
	v18 =	vmul.f32 $1.442695020e+00, v19;
	v19 =	vld [tilespmem:$0x160]  }
0x54: {  	v25 =	vmul.f32 $5.000000000e-01, v25;
	v22 =	vadd.f32 v23, v22;
	v23 =	vld [tilespmem:$0x60]  }
0x55: {  	v26 =	vmul.f32 $5.000000000e-01, v26;
	v21 =	vld [tilespmem:$0x220];
	(erf) = vpow2.f32 v18;
	v27 =	vpop (erf)  }
0x56: {  	v32 =	vld [tilespmem:$0xC0];
	v22 =	vmul.f32 $-1.562500000e-02, v22;
	v20 =	vmul.f32 v27, v20  }
0x57: {  	v25 =	vadd.f32 v26, v25;
	v26 =	vmul.f32 $5.000000000e-01, v28;
	v28 =	vmul.f32 $5.000000000e-01, v30;
	v30 =	vld [tilespmem:$0x1B0];
	v29 =	vpop (erf)  }
0x58: {  	v24 =	vld [tilespmem:$0x230];
	v17 =	vmul.f32 v29, v17;
	v22 =	vmul.f32 $1.442695020e+00, v22;
	vm0 =	vgt.f32 v20, $-1.000000000e+00  }
0x59: {  	v18 =	vld [tilespmem:$0x240];
	v27 =	vpop (erf);
	v19 =	vmul.f32 $5.000000000e-01, v19;
	v23 =	vmul.f32 $5.000000000e-01, v23;
	v20 =	vnsel vm0, $0xBF800000, v20  }
0x5a: {  	v21 =	vmul.f32 v27, v21;
	v27 =	vld [tilespmem:$0x90];
	vm0 =	vgt.f32 v17, v20  }
0x5b: {  	(erf) = vpow2.f32 v22;
	v22 =	vld [tilespmem:$0x190];
	v19 =	vadd.f32 v23, v19;
	v17 =	vsel vm0, v17, v20  }
0x5c: {  	v31 =	vld [tilespmem:$0xA0];
	vm1 =	vgt.f32 v21, v17  }
0x5d: {  	v20 =	vmul.f32 $5.000000000e-01, v30;
	v23 =	vpop (erf);
	v19 =	vmul.f32 $-1.562500000e-02, v19;
	v17 =	vsel vm1, v21, v17;
	v21 =	vld [tilespmem:$0x1E0]  }
0x5e: {  	v30 =	vmul.f32 $5.000000000e-01, v32;
	v23 =	vmul.f32 v23, v24;
	v24 =	vld [tilespmem:$0x1A0]  }
0x5f: {  	v27 =	vmul.f32 $5.000000000e-01, v27;
	v29 =	vpop (erf);
	v19 =	vmul.f32 $1.442695020e+00, v19  }
0x60: {  	v18 =	vmul.f32 v29, v18;
	v29 =	vld [tilespmem:$0x250];
	v22 =	vmul.f32 $5.000000000e-01, v22  }
0x61: {  	(erf) = vpow2.f32 v19;
	v19 =	vmul.f32 $-1.562500000e-02, v25  }
0x62: {  	v25 =	vadd.f32 v28, v26;
	v26 =	vld [tilespmem:$0xB0];
	v22 =	vadd.f32 v27, v22;
	v27 =	vmul.f32 $5.000000000e-01, v31  }
0x63: {  	v28 =	vld [tilespmem:$0x1C0];
	v21 =	vmul.f32 $5.000000000e-01, v21;
	v24 =	vmul.f32 $5.000000000e-01, v24  }
0x64: {  	v31 =	vpop (erf);
	v19 =	vmul.f32 $1.442695020e+00, v19;
	v25 =	vmul.f32 $-1.562500000e-02, v25  }
0x65: {  	v22 =	vmul.f32 $-1.562500000e-02, v22;
	v29 =	vmul.f32 v31, v29;
	v24 =	vadd.f32 v27, v24;
	v27 =	vld [tilespmem:$0x1D0]  }
0x66: {  	(erf) = vpow2.f32 v19;
	v19 =	vmul.f32 $1.442695020e+00, v25  }
0x67: {  	vm2 =	vgt.f32 v23, v17;
	v31 =	vld [tilespmem:$0xD0];
	v26 =	vmul.f32 $5.000000000e-01, v26;
	v24 =	vmul.f32 $-1.562500000e-02, v24  }
0x68: {  	v17 =	vsel vm2, v23, v17;
	v25 =	vld [tilespmem:$0x260];
	v22 =	vmul.f32 $1.442695020e+00, v22;
	v28 =	vmul.f32 $5.000000000e-01, v28  }
0x69: {  	(erf) = vpow2.f32 v19;
	v20 =	vadd.f32 v26, v20;
	v26 =	vld [tilespmem:$0xE0];
	v19 =	vmul.f32 $1.442695020e+00, v24  }
0x6a: {  	(erf) = vpow2.f32 v22;
	v22 =	vadd.f32 v30, v28;
	v23 =	vmul.f32 $5.000000000e-01, v27  }
0x6b: {  	v24 =	vpop (erf);
	(erf) = vpow2.f32 v19;
	v19 =	vmul.f32 $-1.562500000e-02, v20  }
0x6c: {  	vm3 =	vgt.f32 v18, v17;
	v28 =	vld [tilespmem:$0xF0];
	v27 =	vmul.f32 $5.000000000e-01, v31;
	v20 =	vmul.f32 $-1.562500000e-02, v22  }
0x6d: {  	v17 =	vsel vm3, v18, v17;
	v22 =	vld [tilespmem:$0x1F0];
	v24 =	vmul.f32 v24, v25;
	v18 =	vmul.f32 $1.442695020e+00, v19  }
0x6e: {  	v25 =	vld [tilespmem:$0x270];
	v19 =	vmul.f32 $1.442695020e+00, v20;
	v26 =	vmul.f32 $5.000000000e-01, v26  }
0x6f: {  	v30 =	vld [tilespmem:$0x280];
	v23 =	vadd.f32 v27, v23;
	(erf) = vpow2.f32 v18  }
0x70: {  	v20 =	vpop (erf);
	(erf) = vpow2.f32 v19;
	v19 =	vadd.f32 v26, v21  }
0x71: {  	vm4 =	vgt.f32 v29, v17;
	v18 =	vmul.f32 $-1.562500000e-02, v23;
	v23 =	vmul.f32 $5.000000000e-01, v28  }
0x72: {  	v17 =	vsel vm4, v29, v17;
	v21 =	vld [tilespmem:$0x290];
	v22 =	vmul.f32 $5.000000000e-01, v22;
	v19 =	vmul.f32 $-1.562500000e-02, v19  }
0x73: {  	vm5 =	vgt.f32 v24, v17;
	v20 =	vmul.f32 v20, v25;
	v25 =	vpop (erf);
	v18 =	vmul.f32 $1.442695020e+00, v18  }
0x74: {  	v17 =	vsel vm5, v24, v17;
	v24 =	vmul.f32 v25, v30  }
0x75: {  	v25 =	vld [tilespmem:$0x2A0];
	v22 =	vadd.f32 v23, v22;
	(erf) = vpow2.f32 v18;
	v18 =	vmul.f32 $1.442695020e+00, v19  }
0x76: {  	vm6 =	vgt.f32 v20, v17;
	v19 =	vpop (erf)  }
0x77: {  	v17 =	vsel vm6, v20, v17;
	v20 =	vld [tilespmem:$0x2B0];
	v22 =	vmul.f32 $-1.562500000e-02, v22;
	v19 =	vmul.f32 v19, v21  }
0x78: {  	vm7 =	vgt.f32 v24, v17;
	(erf) = vpow2.f32 v18  }
0x79: {  	v17 =	vsel vm7, v24, v17;
	v22 =	vmul.f32 $1.442695020e+00, v22;
	v21 =	vld [tilespmem:$0x2C0];
	v18 =	vpop (erf)  }
0x7a: {  	vm8 =	vgt.f32 v19, v17;
	v18 =	vmul.f32 v18, v25  }
0x7b: {  	v23 =	vld [tilespmem:$0x2D0];
	v17 =	vsel vm8, v19, v17;
	v19 =	vpop (erf);
	(erf) = vpow2.f32 v22  }
0x7c: {  	vm9 =	vgt.f32 v18, v17;
	v19 =	vmul.f32 v19, v20  }
0x7d: {  	v20 =	vpop (erf);
	v17 =	vsel vm9, v18, v17;
	v18 =	vld [tilespmem:$0x2E0]  }
0x7e: {  	v20 =	vmul.f32 v20, v21;
	vm10 =	vgt.f32 v19, v17  }
0x7f: {  	v21 =	vpop (erf);
	v17 =	vsel vm10, v19, v17  }
0x80: {  	v19 =	vmul.f32 v21, v23;
	v21 =	vld [tilespmem:$0x2F0];
	vm11 =	vgt.f32 v20, v17  }
0x81: {  	v22 =	vpop (erf);
	v20 =	vsel vm11, v20, v17  }
0x82: {  	v22 =	vmul.f32 v22, v18;
	v17 =	vlaneseq.u32;
	vm12 =	vgt.f32 v19, v20  }
0x83: {  	v18 =	vor.u32 $0x80000000, v17;
	v23 =	vsel vm12, v19, v20;
	v19 =	vor.u32 $0x80000010, v17  }
0x84: {  	v20 =	vor.u32 $0x80000020, v17;
	vm13 =	vgt.f32 v22, v23;
	v24 =	vpop (erf);
	v25 =	vsel vm0, v19, v18  }
0x85: {  	v24 =	vmul.f32 v24, v21;
	v25 =	vsel vm1, v20, v25;
	v21 =	vor.u32 $0x80000030, v17  }
0x86: {  	v26 =	vsel vm13, v22, v23;
	v22 =	vor.u32 $0x80000040, v17;
	v23 =	vsel vm2, v21, v25  }
0x87: {  	vm0 =	vgt.f32 v24, v26;
	v25 =	vsel vm3, v22, v23;
	v23 =	vor.u32 $0x80000050, v17  }
0x88: {  	v34 =	vsel vm0, v24, v26;
	v25 =	vsel vm4, v23, v25;
	v24 =	vor.u32 $0x80000060, v17  }
0x89: {  	(xrf0) =	vmax.scan.msk.f32 $0xffff, v34;
	v26 =	vsel vm5, v24, v25;
	v25 =	vor.u32 $0x80000070, v17  }
0x8a: {  	v27 =	vsel vm6, v25, v26;
	v26 =	vor.u32 $0x80000080, v17  }
0x8b: {  	v28 =	vsel vm7, v26, v27;
	v27 =	vor.u32 $0x80000090, v17  }
0x8c: {  	v29 =	vsel vm8, v27, v28;
	v28 =	vor.u32 $0x800000A0, v17  }
0x8d: {  	v30 =	vsel vm9, v28, v29;
	v29 =	vor.u32 $0x800000B0, v17  }
0x8e: {  	v31 =	vsel vm10, v29, v30;
	v30 =	vor.u32 $0x800000C0, v17  }
0x8f: {  	v35, _, _ =	vpop (xrf0);
	v62 =	vsel vm11, v30, v31;
	v31 =	vor.u32 $0x800000D0, v17  }
0x90: {  	v32 =	vor.u32 $0x800000E0, v17;
	v36 =	vbroadcast v35, $0xF;
	v33 =	vsel vm12, v31, v62  }
0x91: {  	v37 =	vsel vm13, v32, v33;
	v33 =	vor.u32 $0x800000F0, v17  }
0x92: {  	vm1 =	veq.f32 v34, v36;
	v63 =	vsel vm0, v33, v37  }
0x93: {  	v34 =	vnsel vm1, $0x80000100, v63  }
0x94: {  	(xrf0) =	vmin.scan.msk.u32 $0xffff, v34;
	_ =	sdelay $0x5  }
0x95: {  	(v2sf) =	vpush v35, $0xF;
	v34, _, _ =	vpop (xrf0)  }
0x96: {  	(v2sf) =	vpush v34, $0xF;
	_ =	sdelay $0x7  }
0x97: {  	s13 =	simm.s32 $0x700;
	s21 =	simm.s32 $0xFFFFFFFF  }
0x98: {  	s16 =	simm.s32 $0x0;
	s12 =	simm.s32 $0x400;
	s11 =	simm.s32 $0x80  }
0x99: {  	[tilespmem:s13], [sflag:$0x2] =	stream.strided.gather [hbm4b:s14+s11], $0x100, s12, s11, $0x38;
	[tilespmem:$0x3320] =	vst v63  }
.Ltmp2:
0x9a: {  	s17 =	sshrl.u32 s17, $0x2;
	s18 =	simm.s32 $0x980;
	(pc) =	sbr.rel .LBB2_4-.Ltmp2, $4  }
0x9b: {  	s19 =	simm.s32 $0x3;
	s20 =	simm.s32 $0xA00;
	s14 =	simm.s32 $0x800  }
0x9c: {  	[tilespmem:s14], [sflag:$0x2] =	stream.strided.gather [hbm4b:s15+s11], $0x100, s12, s11, $0x38;
	[tilespmem:$0x3320] =	vst v63  }
0x9d: {  	s22 =	simm.s32 $0x2;
	s23 =	simm.s32 $0x500;
	vm2 =	vcmask $0xB08;
	v35 =	vimm.s32 $0x0;
	s25 =	spop (v2sf)  }
0x9e: {  	s24 =	simm.s32 $0x600;
	s15 =	simm.s32 $0x1;
	vm0 =	vcmask $0x300;
	vm1 =	vcmask $0x704;
	v34 =	vmul.u32 $0x80, v17;
	s26 =	spop (v2sf)  }
.LBB2_5:
0x9f: {  	s29 =	sshll.u32 s26, $0xC  }
0xa0: {  	s29 =	sor.u32 s8, s29  }
0xa1: {  	s29 =	sshrl.u32 s29, $0x3  }
0xa2: {  	s30 =	sadd.s32 s4, s29  }
0xa3: {  	[tilespmem:s23], [sflag:$0x1] =	stream.strided.gather [hbm4b:s30+s11], $0x100, s12, s11, $0x38;
	[tilespmem:$0x3320] =	vst v63  }
0xa4: {  	s29 =	sadd.s32 s5, s29  }
0xa5: {  	[tilespmem:s24], [sflag:$0x1] =	stream.strided.gather [hbm4b:s29+s11], $0x100, s12, s11, $0x38;
	[tilespmem:$0x3320] =	vst v63  }
0xa6: {  	p0 =	por $0x0, $0x0;
	s30 =	simm.s32 $0x700;
	s29 =	simm.s32 $0x800  }
.LBB2_11:
0xa7: {  	s31 =	sshll.u32 s21, $0xC  }
0xa8: {  	s31 =	sor.u32 s8, s31  }
0xa9: {  	s31 =	sshrl.u32 s31, $0x3  }
0xaa: {  	s1 =	sadd.s32 s4, s31  }
0xab: {  	[tilespmem:s30], [sflag:$0x2] =	stream.strided.gather [hbm4b:s1+s11], $0x100, s12, s11, $0x38;
	[tilespmem:$0x3320] =	vst v63  }
0xac: {  	s30 =	sadd.s32 s5, s31;
	s31 =	ssub.s32 s26, s7  }
0xad: {  	p1 =	sgt.u32 s31, $0xFF  }
0xae: {  	[tilespmem:s29], [sflag:$0x2] =	stream.strided.gather [hbm4b:s30+s11], $0x100, s12, s11, $0x38;
	[tilespmem:$0x3320] =	vst v63  }
0xaf: {  	s1 =	sand.u32 @!p1 $0xF0, s26  }
0xb0: {  	v37 =	vld @!p1 [tilespmem:s1+$0x200]  }
0xb1: {  	v38 =	vld @!p1 [tilespmem:s1+$0x300]  }
0xb2: {  	s29 =	sand.u32 @!p1 $0xF, s26  }
0xb3: {  	v40 =	vlaneseq.u32 @!p1;
	v39 =	vmov @!p1 s29  }
0xb4: {  	vm3 =	veq.s32 @!p1 v39, v40  }
0xb5: {  	v37 =	vsel @!p1 vm3, $0x0, v37  }
0xb6: {  	p2 =	seq.s32 s28, s26;
	[tilespmem:s1+$0x200] =	vst @!p1 v37;
	v37 =	vsel @!p1 vm3, $0x3F800000, v38  }
0xb7: {  	[tilespmem:s1+$0x300] =	vst @!p1 v37;
	s1 =	simm.s32 @!p2 $0x1  }
0xb8: {  	_ =	swait.ge @!p2 [sflag:s1], $0x100  }
0xb9: {  	[sflag:s1] =	ssyncset.done @!p2 $0x0  }
0xba: {  	[sflag:s1] =	ssyncadd.s32 @!p2 $0xFFFFFF00  }
0xbb: {  	_ =	swait.ge @!p2 [sflag:s1], $0x100  }
0xbc: {  	s28 =	simm.s32 $0x800;
	[sflag:s1] =	ssyncset.done @!p2 $0x0  }
0xbd: {  	s28 =	simm.s32 @!p0 $0x600;
	[sflag:s1] =	ssyncadd.s32 @!p2 $0xFFFFFF00  }
0xbe: {  	v49 =	vld [tilespmem:s28+$0x0]  }
0xbf: {  	s1 =	simm.s32 $0x700  }
0xc0: {  	s1 =	simm.s32 @!p0 $0x500;
	v51 =	vld [tilespmem:$0x200]  }
0xc1: {  	v50 =	vld [tilespmem:s1+$0x0]  }
0xc2: {  	v52 =	vld [tilespmem:$0x300]  }
0xc3: {  	vm3 =	veq.s32 v1, s26;
	v41 =	vld [tilespmem:$0x100];
	vm4 =	veq.f32 v49, $+Inf  }
0xc4: {  	v36 =	vbroadcast v36, $0x2;
	vm4 =	vmor vm3, vm4  }
0xc5: {  	v37 =	vsel vm4, $0x0, v49  }
0xc6: {  	v42 =	vshrl.u32 v50, $0x10;
	v37 =	vadd.f32 v37, v36  }
0xc7: {  	v53 =	vsub.f32 $1.000000000e+00, v51;
	v42 =	vand.u32 $0x1, v42  }
0xc8: {  	v40 =	vsub.f32 $1.000000000e+00, v52;
	v38 =	vadd.s32 v42, v50;
	vm10 =	vgt.f32 v41, v37  }
0xc9: {  	v38 =	vadd.s32 $0x7FFF, v38;
	v43 =	vsel vm10, $0x3F800000, v35  }
0xca: {  	v40 =	vmul.f32 v40, v53;
	v38 =	vand.u32 $0xFFFF0000, v38;
	v54 =	vmul.f32 v43, v51  }
0xcb: {  	v38 =	vsel vm3, $0x0, v38  }
0xcc: {  	v38 =	vmul.f32 v38, v40;
	v40 =	vadd.f32 v54, v40;
	_ =	sdelay $0x1  }
0xcd: {  	v55 =	vld [tilespmem:$0x400];
	v38 =	vmul.f32 v40, v38;
	_ =	sdelay $0x1  }
0xce: {  	v56 =	vsub.f32 $1.000000000e+00, v38  }
0xcf: {  	v39 =	vadd.f32 v38, v51  }
0xd0: {  	v37 =	vmul.f32 v38, v37;
	v57 =	vmul.f32 v56, v41  }
0xd1: {  	v38 =	vmul.f32 s25, v38;
	v58 =	vmul.f32 v56, v55;
	v59 =	vmax.f32 v39, $0.0e+00  }
0xd2: {  	v40 =	vadd.f32 v57, v37;
	v37 =	vmin.f32 v59, $1.000000000e+00  }
0xd3: {  	v38 =	vadd.f32 v58, v38;
	[tilespmem:$0x200] =	vst v37  }
0xd4: {  	s1 =	simm.s32 $0x810;
	[tilespmem:$0x100] =	vst v40  }
0xd5: {  	v0 =	vld [tilespmem:$0x1FF70];
	s1 =	simm.s32 @!p0 $0x610;
	[tilespmem:$0x400] =	vst v38  }
0xd6: {  	v38 =	vld [tilespmem:s1+$0x0]  }
0xd7: {  	s28 =	simm.s32 $0x710  }
0xd8: {  	v61 =	vld [tilespmem:$0x210];
	s28 =	simm.s32 @!p0 $0x510  }
0xd9: {  	v60 =	vld [tilespmem:s28+$0x0]  }
0xda: {  	v62 =	vld [tilespmem:$0x310]  }
0xdb: {  	v63 =	vld [tilespmem:$0x110];
	vm3 =	veq.s32 v0, s26;
	vm11 =	veq.f32 v38, $+Inf  }
0xdc: {  	vm4 =	vmor vm3, vm11  }
0xdd: {  	v38 =	vsel vm4, $0x0, v38  }
0xde: {  	v44 =	vshrl.u32 v60, $0x10;
	v38 =	vadd.f32 v38, v36  }
0xdf: {  	v4 =	vsub.f32 $1.000000000e+00, v61;
	v44 =	vand.u32 $0x1, v44  }
0xe0: {  	v42 =	vsub.f32 $1.000000000e+00, v62;
	v39 =	vadd.s32 v44, v60;
	vm12 =	vgt.f32 v63, v38  }
0xe1: {  	v39 =	vadd.s32 $0x7FFF, v39;
	v45 =	vsel vm12, $0x3F800000, v35  }
0xe2: {  	v42 =	vmul.f32 v42, v4;
	v39 =	vand.u32 $0xFFFF0000, v39;
	v5 =	vmul.f32 v45, v61  }
0xe3: {  	v39 =	vsel vm3, $0x0, v39  }
0xe4: {  	v39 =	vmul.f32 v39, v42;
	v42 =	vadd.f32 v5, v42;
	_ =	sdelay $0x1  }
0xe5: {  	v6 =	vld [tilespmem:$0x410];
	v39 =	vmul.f32 v42, v39;
	_ =	sdelay $0x1  }
0xe6: {  	v7 =	vsub.f32 $1.000000000e+00, v39  }
0xe7: {  	v41 =	vadd.f32 v39, v61  }
0xe8: {  	v38 =	vmul.f32 v39, v38;
	v48 =	vmul.f32 v7, v63  }
0xe9: {  	v39 =	vmul.f32 s25, v39;
	v49 =	vmul.f32 v7, v6;
	v50 =	vmax.f32 v41, $0.0e+00  }
0xea: {  	v42 =	vadd.f32 v48, v38;
	v38 =	vmin.f32 v50, $1.000000000e+00  }
0xeb: {  	v39 =	vadd.f32 v49, v39;
	[tilespmem:$0x210] =	vst v38  }
0xec: {  	s1 =	simm.s32 $0x820;
	[tilespmem:$0x110] =	vst v42  }
0xed: {  	v0 =	vld [tilespmem:$0x1FF80];
	s1 =	simm.s32 @!p0 $0x620;
	[tilespmem:$0x410] =	vst v39  }
0xee: {  	v39 =	vld [tilespmem:s1+$0x0]  }
0xef: {  	s28 =	simm.s32 $0x720  }
0xf0: {  	v52 =	vld [tilespmem:$0x220];
	s28 =	simm.s32 @!p0 $0x520  }
0xf1: {  	v51 =	vld [tilespmem:s28+$0x0]  }
0xf2: {  	v53 =	vld [tilespmem:$0x320]  }
0xf3: {  	v54 =	vld [tilespmem:$0x120];
	vm3 =	veq.s32 v0, s26;
	vm13 =	veq.f32 v39, $+Inf  }
0xf4: {  	vm4 =	vmor vm3, vm13  }
0xf5: {  	v39 =	vsel vm4, $0x0, v39  }
0xf6: {  	v46 =	vshrl.u32 v51, $0x10;
	v39 =	vadd.f32 v39, v36  }
0xf7: {  	v55 =	vsub.f32 $1.000000000e+00, v52;
	v46 =	vand.u32 $0x1, v46  }
0xf8: {  	v44 =	vsub.f32 $1.000000000e+00, v53;
	v41 =	vadd.s32 v46, v51;
	vm14 =	vgt.f32 v54, v39  }
0xf9: {  	v41 =	vadd.s32 $0x7FFF, v41;
	v47 =	vsel vm14, $0x3F800000, v35  }
0xfa: {  	v44 =	vmul.f32 v44, v55;
	v41 =	vand.u32 $0xFFFF0000, v41;
	v56 =	vmul.f32 v47, v52  }
0xfb: {  	v41 =	vsel vm3, $0x0, v41  }
0xfc: {  	v41 =	vmul.f32 v41, v44;
	v44 =	vadd.f32 v56, v44;
	_ =	sdelay $0x1  }
0xfd: {  	v57 =	vld [tilespmem:$0x420];
	v41 =	vmul.f32 v44, v41;
	_ =	sdelay $0x1  }
0xfe: {  	v58 =	vsub.f32 $1.000000000e+00, v41  }
0xff: {  	v43 =	vadd.f32 v41, v52  }
0x100: {  	v39 =	vmul.f32 v41, v39;
	v59 =	vmul.f32 v58, v54  }
0x101: {  	v41 =	vmul.f32 s25, v41;
	v60 =	vmul.f32 v58, v57;
	v61 =	vmax.f32 v43, $0.0e+00  }
0x102: {  	v44 =	vadd.f32 v59, v39;
	v39 =	vmin.f32 v61, $1.000000000e+00  }
0x103: {  	v41 =	vadd.f32 v60, v41;
	[tilespmem:$0x220] =	vst v39  }
0x104: {  	s1 =	simm.s32 $0x830;
	[tilespmem:$0x120] =	vst v44  }
0x105: {  	v0 =	vld [tilespmem:$0x1FF90];
	s1 =	simm.s32 @!p0 $0x630;
	[tilespmem:$0x420] =	vst v41  }
0x106: {  	v41 =	vld [tilespmem:s1+$0x0]  }
0x107: {  	s28 =	simm.s32 $0x730  }
0x108: {  	v4 =	vld [tilespmem:$0x330];
	s28 =	simm.s32 @!p0 $0x530  }
0x109: {  	v62 =	vld [tilespmem:s28+$0x0]  }
0x10a: {  	v63 =	vld [tilespmem:$0x230]  }
0x10b: {  	v5 =	vld [tilespmem:$0x130];
	vm3 =	veq.s32 v0, s26;
	vm15 =	veq.f32 v41, $+Inf  }
0x10c: {  	vm4 =	vmor vm3, vm15  }
0x10d: {  	v41 =	vsel vm4, $0x0, v41  }
0x10e: {  	v48 =	vshrl.u32 v62, $0x10;
	v41 =	vadd.f32 v41, v36  }
0x10f: {  	v6 =	vsub.f32 $1.000000000e+00, v63;
	v48 =	vand.u32 $0x1, v48  }
0x110: {  	v46 =	vsub.f32 $1.000000000e+00, v4;
	v43 =	vadd.s32 v48, v62;
	vm8 =	vgt.f32 v5, v41  }
0x111: {  	v43 =	vadd.s32 $0x7FFF, v43;
	v49 =	vsel vm8, $0x3F800000, v35  }
0x112: {  	v46 =	vmul.f32 v46, v6;
	v43 =	vand.u32 $0xFFFF0000, v43;
	v7 =	vmul.f32 v49, v63  }
0x113: {  	v43 =	vsel vm3, $0x0, v43  }
0x114: {  	v43 =	vmul.f32 v43, v46;
	v46 =	vadd.f32 v7, v46;
	_ =	sdelay $0x1  }
0x115: {  	v52 =	vld [tilespmem:$0x430];
	v43 =	vmul.f32 v46, v43;
	_ =	sdelay $0x1  }
0x116: {  	v53 =	vsub.f32 $1.000000000e+00, v43  }
0x117: {  	v45 =	vadd.f32 v43, v63  }
0x118: {  	v41 =	vmul.f32 v43, v41;
	v54 =	vmul.f32 v53, v5  }
0x119: {  	v43 =	vmul.f32 s25, v43;
	v55 =	vmul.f32 v53, v52;
	v56 =	vmax.f32 v45, $0.0e+00  }
0x11a: {  	v46 =	vadd.f32 v54, v41;
	v41 =	vmin.f32 v56, $1.000000000e+00  }
0x11b: {  	v43 =	vadd.f32 v55, v43;
	[tilespmem:$0x230] =	vst v41  }
0x11c: {  	s1 =	simm.s32 $0x840;
	[tilespmem:$0x130] =	vst v46  }
0x11d: {  	v0 =	vld [tilespmem:$0x1FFA0];
	s1 =	simm.s32 @!p0 $0x640;
	[tilespmem:$0x430] =	vst v43  }
0x11e: {  	v43 =	vld [tilespmem:s1+$0x0]  }
0x11f: {  	s28 =	simm.s32 $0x740  }
0x120: {  	v58 =	vld [tilespmem:$0x240];
	s28 =	simm.s32 @!p0 $0x540  }
0x121: {  	v57 =	vld [tilespmem:s28+$0x0]  }
0x122: {  	v59 =	vld [tilespmem:$0x340]  }
0x123: {  	v60 =	vld [tilespmem:$0x140];
	vm3 =	veq.s32 v0, s26;
	vm9 =	veq.f32 v43, $+Inf  }
0x124: {  	vm4 =	vmor vm3, vm9  }
0x125: {  	v43 =	vsel vm4, $0x0, v43  }
0x126: {  	v50 =	vshrl.u32 v57, $0x10;
	v43 =	vadd.f32 v43, v36  }
0x127: {  	v61 =	vsub.f32 $1.000000000e+00, v58;
	v50 =	vand.u32 $0x1, v50  }
0x128: {  	v48 =	vsub.f32 $1.000000000e+00, v59;
	v45 =	vadd.s32 v50, v57;
	vm10 =	vgt.f32 v60, v43  }
0x129: {  	v45 =	vadd.s32 $0x7FFF, v45;
	v51 =	vsel vm10, $0x3F800000, v35  }
0x12a: {  	v48 =	vmul.f32 v48, v61;
	v45 =	vand.u32 $0xFFFF0000, v45;
	v62 =	vmul.f32 v51, v58  }
0x12b: {  	v45 =	vsel vm3, $0x0, v45  }
0x12c: {  	v45 =	vmul.f32 v45, v48;
	v48 =	vadd.f32 v62, v48;
	_ =	sdelay $0x1  }
0x12d: {  	v63 =	vld [tilespmem:$0x440];
	v45 =	vmul.f32 v48, v45;
	_ =	sdelay $0x1  }
0x12e: {  	v4 =	vsub.f32 $1.000000000e+00, v45  }
0x12f: {  	v47 =	vadd.f32 v45, v58  }
0x130: {  	v43 =	vmul.f32 v45, v43;
	v49 =	vmul.f32 v4, v60  }
0x131: {  	v45 =	vmul.f32 s25, v45;
	v48 =	vmul.f32 v4, v63;
	v5 =	vmax.f32 v47, $0.0e+00  }
0x132: {  	v49 =	vadd.f32 v49, v43;
	v43 =	vmin.f32 v5, $1.000000000e+00  }
0x133: {  	v45 =	vadd.f32 v48, v45;
	[tilespmem:$0x240] =	vst v43  }
0x134: {  	s1 =	simm.s32 $0x850;
	[tilespmem:$0x140] =	vst v49  }
0x135: {  	v0 =	vld [tilespmem:$0x1FFB0];
	s1 =	simm.s32 @!p0 $0x650;
	[tilespmem:$0x440] =	vst v45  }
0x136: {  	v45 =	vld [tilespmem:s1+$0x0]  }
0x137: {  	s28 =	simm.s32 $0x750  }
0x138: {  	v7 =	vld [tilespmem:$0x250];
	s28 =	simm.s32 @!p0 $0x550  }
0x139: {  	v6 =	vld [tilespmem:s28+$0x0]  }
0x13a: {  	v56 =	vld [tilespmem:$0x350]  }
0x13b: {  	v57 =	vld [tilespmem:$0x150];
	vm3 =	veq.s32 v0, s26;
	vm11 =	veq.f32 v45, $+Inf  }
0x13c: {  	vm4 =	vmor vm3, vm11  }
0x13d: {  	v45 =	vsel vm4, $0x0, v45  }
0x13e: {  	v52 =	vshrl.u32 v6, $0x10;
	v45 =	vadd.f32 v45, v36  }
0x13f: {  	v50 =	vsub.f32 $1.000000000e+00, v56;
	v52 =	vand.u32 $0x1, v52  }
0x140: {  	v58 =	vsub.f32 $1.000000000e+00, v7;
	v47 =	vadd.s32 v52, v6;
	vm12 =	vgt.f32 v57, v45  }
0x141: {  	v47 =	vadd.s32 $0x7FFF, v47;
	v53 =	vsel vm12, $0x3F800000, v35  }
0x142: {  	v50 =	vmul.f32 v50, v58;
	v47 =	vand.u32 $0xFFFF0000, v47;
	v59 =	vmul.f32 v53, v7  }
0x143: {  	v47 =	vsel vm3, $0x0, v47  }
0x144: {  	v47 =	vmul.f32 v47, v50;
	v50 =	vadd.f32 v59, v50;
	_ =	sdelay $0x1  }
0x145: {  	v60 =	vld [tilespmem:$0x450];
	v47 =	vmul.f32 v50, v47;
	_ =	sdelay $0x1  }
0x146: {  	v61 =	vsub.f32 $1.000000000e+00, v47  }
0x147: {  	v48 =	vadd.f32 v47, v7  }
0x148: {  	v45 =	vmul.f32 v47, v45;
	v62 =	vmul.f32 v61, v57  }
0x149: {  	v47 =	vmul.f32 s25, v47;
	v63 =	vmul.f32 v61, v60;
	v4 =	vmax.f32 v48, $0.0e+00  }
0x14a: {  	v50 =	vadd.f32 v62, v45;
	v45 =	vmin.f32 v4, $1.000000000e+00  }
0x14b: {  	v47 =	vadd.f32 v63, v47;
	[tilespmem:$0x250] =	vst v45  }
0x14c: {  	s1 =	simm.s32 $0x860;
	[tilespmem:$0x150] =	vst v50  }
0x14d: {  	v0 =	vld [tilespmem:$0x1FFC0];
	s1 =	simm.s32 @!p0 $0x660;
	[tilespmem:$0x450] =	vst v47  }
0x14e: {  	v47 =	vld [tilespmem:s1+$0x0]  }
0x14f: {  	s28 =	simm.s32 $0x760  }
0x150: {  	s28 =	simm.s32 @!p0 $0x560;
	v6 =	vld [tilespmem:$0x260]  }
0x151: {  	v5 =	vld [tilespmem:s28+$0x0]  }
0x152: {  	v7 =	vld [tilespmem:$0x360]  }
0x153: {  	vm3 =	veq.s32 v0, s26;
	v57 =	vld [tilespmem:$0x160];
	vm13 =	veq.f32 v47, $+Inf  }
0x154: {  	vm4 =	vmor vm3, vm13  }
0x155: {  	v47 =	vsel vm4, $0x0, v47  }
0x156: {  	v54 =	vshrl.u32 v5, $0x10;
	v47 =	vadd.f32 v47, v36  }
0x157: {  	v58 =	vsub.f32 $1.000000000e+00, v6;
	v54 =	vand.u32 $0x1, v54  }
0x158: {  	v52 =	vsub.f32 $1.000000000e+00, v7;
	v48 =	vadd.s32 v54, v5;
	vm14 =	vgt.f32 v57, v47  }
0x159: {  	v48 =	vadd.s32 $0x7FFF, v48;
	v55 =	vsel vm14, $0x3F800000, v35  }
0x15a: {  	v52 =	vmul.f32 v52, v58;
	v48 =	vand.u32 $0xFFFF0000, v48;
	v59 =	vmul.f32 v55, v6  }
0x15b: {  	v48 =	vsel vm3, $0x0, v48  }
0x15c: {  	v48 =	vmul.f32 v48, v52;
	v52 =	vadd.f32 v59, v52;
	_ =	sdelay $0x1  }
0x15d: {  	v60 =	vld [tilespmem:$0x460];
	v48 =	vmul.f32 v52, v48;
	_ =	sdelay $0x1  }
0x15e: {  	v61 =	vsub.f32 $1.000000000e+00, v48  }
0x15f: {  	v51 =	vadd.f32 v48, v6  }
0x160: {  	v47 =	vmul.f32 v48, v47;
	v53 =	vmul.f32 v61, v57  }
0x161: {  	v48 =	vmul.f32 s25, v48;
	v52 =	vmul.f32 v61, v60;
	v62 =	vmax.f32 v51, $0.0e+00  }
0x162: {  	v53 =	vadd.f32 v53, v47;
	v47 =	vmin.f32 v62, $1.000000000e+00  }
0x163: {  	v48 =	vadd.f32 v52, v48;
	[tilespmem:$0x260] =	vst v47  }
0x164: {  	s1 =	simm.s32 $0x870;
	[tilespmem:$0x160] =	vst v53  }
0x165: {  	v0 =	vld [tilespmem:$0x1FFD0];
	s1 =	simm.s32 @!p0 $0x670;
	[tilespmem:$0x460] =	vst v48  }
0x166: {  	v48 =	vld [tilespmem:s1+$0x0]  }
0x167: {  	s28 =	simm.s32 $0x770  }
0x168: {  	v4 =	vld [tilespmem:$0x270];
	s28 =	simm.s32 @!p0 $0x570  }
0x169: {  	v63 =	vld [tilespmem:s28+$0x0]  }
0x16a: {  	v5 =	vld [tilespmem:$0x370]  }
0x16b: {  	vm3 =	veq.s32 v0, s26;
	v6 =	vld [tilespmem:$0x170];
	vm15 =	veq.f32 v48, $+Inf  }
0x16c: {  	vm4 =	vmor vm3, vm15  }
0x16d: {  	v48 =	vsel vm4, $0x0, v48  }
0x16e: {  	v56 =	vshrl.u32 v63, $0x10;
	v48 =	vadd.f32 v48, v36  }
0x16f: {  	v7 =	vsub.f32 $1.000000000e+00, v4;
	v56 =	vand.u32 $0x1, v56  }
0x170: {  	v54 =	vsub.f32 $1.000000000e+00, v5;
	v51 =	vadd.s32 v56, v63;
	vm8 =	vgt.f32 v6, v48  }
0x171: {  	v51 =	vadd.s32 $0x7FFF, v51;
	v57 =	vsel vm8, $0x3F800000, v35  }
0x172: {  	v54 =	vmul.f32 v54, v7;
	v51 =	vand.u32 $0xFFFF0000, v51;
	v60 =	vmul.f32 v57, v4  }
0x173: {  	v51 =	vsel vm3, $0x0, v51  }
0x174: {  	v51 =	vmul.f32 v51, v54;
	v54 =	vadd.f32 v60, v54;
	_ =	sdelay $0x1  }
0x175: {  	v61 =	vld [tilespmem:$0x470];
	v51 =	vmul.f32 v54, v51;
	_ =	sdelay $0x1  }
0x176: {  	v62 =	vsub.f32 $1.000000000e+00, v51  }
0x177: {  	v52 =	vadd.f32 v51, v4  }
0x178: {  	v48 =	vmul.f32 v51, v48;
	v55 =	vmul.f32 v62, v6  }
0x179: {  	v63 =	vmul.f32 s25, v51;
	v4 =	vmul.f32 v62, v61;
	v52 =	vmax.f32 v52, $0.0e+00  }
0x17a: {  	v52 =	vmin.f32 v52, $1.000000000e+00;
	v55 =	vadd.f32 v55, v48  }
0x17b: {  	v48 =	vadd.f32 v4, v63;
	[tilespmem:$0x270] =	vst v52  }
0x17c: {  	s1 =	simm.s32 $0x880;
	[tilespmem:$0x170] =	vst v55  }
0x17d: {  	v0 =	vld [tilespmem:$0x1FFF0];
	s1 =	simm.s32 @!p0 $0x680;
	[tilespmem:$0x470] =	vst v48  }
0x17e: {  	v48 =	vld [tilespmem:s1+$0x0]  }
0x17f: {  	s28 =	simm.s32 $0x780  }
0x180: {  	v7 =	vld [tilespmem:$0x380];
	s28 =	simm.s32 @!p0 $0x580  }
0x181: {  	v5 =	vld [tilespmem:s28+$0x0]  }
0x182: {  	v60 =	vld [tilespmem:$0x180]  }
0x183: {  	vm3 =	veq.s32 v0, s26;
	v6 =	vld [tilespmem:$0x280];
	vm9 =	veq.f32 v48, $+Inf  }
0x184: {  	vm4 =	vmor vm3, vm9  }
0x185: {  	v48 =	vsel vm4, $0x0, v48  }
0x186: {  	v58 =	vshrl.u32 v5, $0x10;
	v48 =	vadd.f32 v48, v36  }
0x187: {  	v56 =	vsub.f32 $1.000000000e+00, v7;
	v58 =	vand.u32 $0x1, v58  }
0x188: {  	v61 =	vsub.f32 $1.000000000e+00, v6;
	v51 =	vadd.s32 v58, v5;
	vm10 =	vgt.f32 v60, v48  }
0x189: {  	v51 =	vadd.s32 $0x7FFF, v51;
	v59 =	vsel vm10, $0x3F800000, v35  }
0x18a: {  	v56 =	vmul.f32 v56, v61;
	v51 =	vand.u32 $0xFFFF0000, v51;
	v62 =	vmul.f32 v59, v6  }
0x18b: {  	v51 =	vsel vm3, $0x0, v51  }
0x18c: {  	v51 =	vmul.f32 v51, v56;
	v56 =	vadd.f32 v62, v56;
	_ =	sdelay $0x1  }
0x18d: {  	v63 =	vld [tilespmem:$0x480];
	v51 =	vmul.f32 v56, v51;
	_ =	sdelay $0x1  }
0x18e: {  	v4 =	vsub.f32 $1.000000000e+00, v51  }
0x18f: {  	v54 =	vadd.f32 v51, v6  }
0x190: {  	v48 =	vmul.f32 v51, v48;
	v57 =	vmul.f32 v4, v60  }
0x191: {  	v51 =	vmul.f32 s25, v51;
	v56 =	vmul.f32 v4, v63;
	v5 =	vmax.f32 v54, $0.0e+00  }
0x192: {  	v57 =	vadd.f32 v57, v48;
	v48 =	vmin.f32 v5, $1.000000000e+00  }
0x193: {  	v51 =	vadd.f32 v56, v51;
	[tilespmem:$0x280] =	vst v48  }
0x194: {  	s1 =	simm.s32 $0x890;
	[tilespmem:$0x180] =	vst v57  }
0x195: {  	s1 =	simm.s32 @!p0 $0x690;
	[tilespmem:$0x480] =	vst v51  }
0x196: {  	v51 =	vld [tilespmem:s1+$0x0]  }
0x197: {  	s28 =	simm.s32 $0x790  }
0x198: {  	v7 =	vld [tilespmem:$0x390];
	s28 =	simm.s32 @!p0 $0x590  }
0x199: {  	v6 =	vld [tilespmem:s28+$0x0]  }
0x19a: {  	v59 =	vld [tilespmem:$0x190]  }
0x19b: {  	vm3 =	veq.s32 v10, s26;
	v56 =	vld [tilespmem:$0x290];
	vm11 =	veq.f32 v51, $+Inf  }
0x19c: {  	vm4 =	vmor vm3, vm11  }
0x19d: {  	v51 =	vsel vm4, $0x0, v51  }
0x19e: {  	v60 =	vshrl.u32 v6, $0x10;
	v51 =	vadd.f32 v51, v36  }
0x19f: {  	v58 =	vsub.f32 $1.000000000e+00, v7;
	v60 =	vand.u32 $0x1, v60  }
0x1a0: {  	v4 =	vsub.f32 $1.000000000e+00, v56;
	v54 =	vadd.s32 v60, v6;
	vm12 =	vgt.f32 v59, v51  }
0x1a1: {  	v54 =	vadd.s32 $0x7FFF, v54;
	v61 =	vsel vm12, $0x3F800000, v35  }
0x1a2: {  	v58 =	vmul.f32 v58, v4;
	v54 =	vand.u32 $0xFFFF0000, v54;
	v5 =	vmul.f32 v61, v56  }
0x1a3: {  	v54 =	vsel vm3, $0x0, v54  }
0x1a4: {  	v54 =	vmul.f32 v54, v58;
	v58 =	vadd.f32 v5, v58;
	_ =	sdelay $0x1  }
0x1a5: {  	v6 =	vld [tilespmem:$0x490];
	v54 =	vmul.f32 v58, v54;
	_ =	sdelay $0x1  }
0x1a6: {  	v7 =	vsub.f32 $1.000000000e+00, v54  }
0x1a7: {  	v56 =	vadd.f32 v54, v56  }
0x1a8: {  	v51 =	vmul.f32 v54, v51;
	v62 =	vmul.f32 v7, v59  }
0x1a9: {  	v54 =	vmul.f32 s25, v54;
	v63 =	vmul.f32 v7, v6;
	v4 =	vmax.f32 v56, $0.0e+00  }
0x1aa: {  	v58 =	vadd.f32 v62, v51;
	v51 =	vmin.f32 v4, $1.000000000e+00  }
0x1ab: {  	v54 =	vadd.f32 v63, v54;
	[tilespmem:$0x290] =	vst v51  }
0x1ac: {  	s1 =	simm.s32 $0x8A0;
	[tilespmem:$0x190] =	vst v58  }
0x1ad: {  	s1 =	simm.s32 @!p0 $0x6A0;
	[tilespmem:$0x490] =	vst v54  }
0x1ae: {  	v54 =	vld [tilespmem:s1+$0x0]  }
0x1af: {  	s28 =	simm.s32 $0x7A0  }
0x1b0: {  	s28 =	simm.s32 @!p0 $0x5A0;
	v61 =	vld [tilespmem:$0x1A0]  }
0x1b1: {  	v5 =	vld [tilespmem:s28+$0x0]  }
0x1b2: {  	v59 =	vld [tilespmem:$0x2A0]  }
0x1b3: {  	vm3 =	veq.s32 v11, s26;
	v6 =	vld [tilespmem:$0x3A0];
	vm13 =	veq.f32 v54, $+Inf  }
0x1b4: {  	vm4 =	vmor vm3, vm13  }
0x1b5: {  	v54 =	vsel vm4, $0x0, v54  }
0x1b6: {  	v62 =	vshrl.u32 v5, $0x10;
	v54 =	vadd.f32 v54, v36  }
0x1b7: {  	v7 =	vsub.f32 $1.000000000e+00, v59;
	v62 =	vand.u32 $0x1, v62  }
0x1b8: {  	v60 =	vsub.f32 $1.000000000e+00, v6;
	v56 =	vadd.s32 v62, v5;
	vm14 =	vgt.f32 v61, v54  }
0x1b9: {  	v56 =	vadd.s32 $0x7FFF, v56;
	v63 =	vsel vm14, $0x3F800000, v35  }
0x1ba: {  	v60 =	vmul.f32 v60, v7;
	v56 =	vand.u32 $0xFFFF0000, v56;
	v4 =	vmul.f32 v63, v59  }
0x1bb: {  	v56 =	vsel vm3, $0x0, v56  }
0x1bc: {  	v56 =	vmul.f32 v56, v60;
	v60 =	vadd.f32 v4, v60;
	_ =	sdelay $0x1  }
0x1bd: {  	v5 =	vld [tilespmem:$0x4A0];
	v56 =	vmul.f32 v60, v56;
	_ =	sdelay $0x1  }
0x1be: {  	v6 =	vsub.f32 $1.000000000e+00, v56  }
0x1bf: {  	v59 =	vadd.f32 v56, v59  }
0x1c0: {  	v54 =	vmul.f32 v56, v54;
	v7 =	vmul.f32 v6, v61  }
0x1c1: {  	v56 =	vmul.f32 s25, v56;
	v4 =	vmul.f32 v6, v5;
	v5 =	vmax.f32 v59, $0.0e+00  }
0x1c2: {  	v60 =	vadd.f32 v7, v54;
	v54 =	vmin.f32 v5, $1.000000000e+00  }
0x1c3: {  	v56 =	vadd.f32 v4, v56;
	[tilespmem:$0x2A0] =	vst v54  }
0x1c4: {  	s1 =	simm.s32 $0x8B0;
	[tilespmem:$0x1A0] =	vst v60  }
0x1c5: {  	s1 =	simm.s32 @!p0 $0x6B0;
	[tilespmem:$0x4A0] =	vst v56  }
0x1c6: {  	v56 =	vld [tilespmem:s1+$0x0]  }
0x1c7: {  	s28 =	simm.s32 $0x7B0  }
0x1c8: {  	s28 =	simm.s32 @!p0 $0x5B0;
	v61 =	vld [tilespmem:$0x2B0]  }
0x1c9: {  	v6 =	vld [tilespmem:s28+$0x0]  }
0x1ca: {  	v7 =	vld [tilespmem:$0x3B0]  }
0x1cb: {  	vm3 =	veq.s32 v12, s26;
	v4 =	vld [tilespmem:$0x1B0];
	vm15 =	veq.f32 v56, $+Inf  }
0x1cc: {  	vm4 =	vmor vm3, vm15  }
0x1cd: {  	v56 =	vsel vm4, $0x0, v56  }
0x1ce: {  	v0 =	vshrl.u32 v6, $0x10;
	v56 =	vadd.f32 v56, v36  }
0x1cf: {  	v5 =	vsub.f32 $1.000000000e+00, v61;
	v0 =	vand.u32 $0x1, v0  }
0x1d0: {  	v62 =	vsub.f32 $1.000000000e+00, v7;
	v0 =	vadd.s32 v0, v6;
	vm8 =	vgt.f32 v4, v56  }
0x1d1: {  	v0 =	vadd.s32 $0x7FFF, v0;
	v2 =	vsel vm8, $0x3F800000, v35  }
0x1d2: {  	v59 =	vmul.f32 v62, v5;
	v0 =	vand.u32 $0xFFFF0000, v0;
	v2 =	vmul.f32 v2, v61  }
0x1d3: {  	v0 =	vsel vm3, $0x0, v0  }
0x1d4: {  	v0 =	vmul.f32 v0, v59;
	v2 =	vadd.f32 v2, v59;
	_ =	sdelay $0x1  }
0x1d5: {  	v0 =	vmul.f32 v2, v0  }
0x1d6: {  	v2 =	vld [tilespmem:$0x4B0]  }
0x1d7: {  	v6 =	vsub.f32 $1.000000000e+00, v0;
	_ =	sdelay $0x1  }
0x1d8: {  	v56 =	vmul.f32 v0, v56;
	v7 =	vmul.f32 v6, v4  }
0x1d9: {  	v4 =	vadd.f32 v0, v61  }
0x1da: {  	v0 =	vmul.f32 s25, v0;
	v2 =	vmul.f32 v6, v2;
	v61 =	vadd.f32 v7, v56  }
0x1db: {  	v5 =	vmax.f32 v4, $0.0e+00  }
0x1dc: {  	v56 =	vmin.f32 v5, $1.000000000e+00;
	v0 =	vadd.f32 v2, v0;
	[tilespmem:$0x1B0] =	vst v61  }
0x1dd: {  	s1 =	simm.s32 $0x8C0;
	[tilespmem:$0x2B0] =	vst v56  }
0x1de: {  	s1 =	simm.s32 @!p0 $0x6C0;
	[tilespmem:$0x4B0] =	vst v0  }
0x1df: {  	v0 =	vld [tilespmem:s1+$0x0]  }
0x1e0: {  	s28 =	simm.s32 $0x7C0  }
0x1e1: {  	v63 =	vld [tilespmem:$0x1C0];
	s28 =	simm.s32 @!p0 $0x5C0  }
0x1e2: {  	v2 =	vld [tilespmem:s28+$0x0]  }
0x1e3: {  	v6 =	vld [tilespmem:$0x3C0]  }
0x1e4: {  	vm3 =	veq.s32 v13, s26;
	v59 =	vld [tilespmem:$0x2C0];
	vm9 =	veq.f32 v0, $+Inf  }
0x1e5: {  	vm4 =	vmor vm3, vm9  }
0x1e6: {  	v0 =	vsel vm4, $0x0, v0  }
0x1e7: {  	v3 =	vshrl.u32 v2, $0x10;
	v0 =	vadd.f32 v0, v36  }
0x1e8: {  	v62 =	vsub.f32 $1.000000000e+00, v6;
	v3 =	vand.u32 $0x1, v3  }
0x1e9: {  	v2 =	vadd.s32 v3, v2;
	v3 =	vsub.f32 $1.000000000e+00, v59;
	vm10 =	vgt.f32 v63, v0  }
0x1ea: {  	v2 =	vadd.s32 $0x7FFF, v2;
	v4 =	vsel vm10, $0x3F800000, v35  }
0x1eb: {  	v2 =	vand.u32 $0xFFFF0000, v2;
	v3 =	vmul.f32 v62, v3;
	v4 =	vmul.f32 v4, v59  }
0x1ec: {  	v2 =	vsel vm3, $0x0, v2  }
0x1ed: {  	v2 =	vmul.f32 v2, v3;
	v3 =	vadd.f32 v4, v3;
	_ =	sdelay $0x1  }
0x1ee: {  	v2 =	vmul.f32 v3, v2  }
0x1ef: {  	v3 =	vld [tilespmem:$0x4C0]  }
0x1f0: {  	v4 =	vsub.f32 $1.000000000e+00, v2;
	_ =	sdelay $0x1  }
0x1f1: {  	v0 =	vmul.f32 v2, v0;
	v7 =	vmul.f32 v4, v63  }
0x1f2: {  	v59 =	vadd.f32 v2, v59  }
0x1f3: {  	v62 =	vadd.f32 v7, v0;
	v0 =	vmul.f32 s25, v2;
	v2 =	vmul.f32 v4, v3  }
0x1f4: {  	v3 =	vmax.f32 v59, $0.0e+00  }
0x1f5: {  	v59 =	vmin.f32 v3, $1.000000000e+00;
	[tilespmem:$0x1C0] =	vst v62;
	v0 =	vadd.f32 v2, v0  }
0x1f6: {  	s1 =	simm.s32 $0x8D0;
	[tilespmem:$0x2C0] =	vst v59  }
0x1f7: {  	s1 =	simm.s32 @!p0 $0x6D0;
	[tilespmem:$0x4C0] =	vst v0  }
0x1f8: {  	v0 =	vld [tilespmem:s1+$0x0]  }
0x1f9: {  	s28 =	simm.s32 $0x7D0  }
0x1fa: {  	s28 =	simm.s32 @!p0 $0x5D0;
	v63 =	vld [tilespmem:$0x1D0]  }
0x1fb: {  	v2 =	vld [tilespmem:s28+$0x0]  }
0x1fc: {  	v4 =	vld [tilespmem:$0x3D0]  }
0x1fd: {  	vm3 =	veq.s32 v14, s26;
	v3 =	vld [tilespmem:$0x2D0];
	vm11 =	veq.f32 v0, $+Inf  }
0x1fe: {  	vm4 =	vmor vm3, vm11  }
0x1ff: {  	v0 =	vsel vm4, $0x0, v0  }
0x200: {  	v6 =	vld [tilespmem:$0x0];
	v5 =	vshrl.u32 v2, $0x10;
	v0 =	vadd.f32 v0, v36  }
0x201: {  	v4 =	vsub.f32 $1.000000000e+00, v4;
	v5 =	vand.u32 $0x1, v5  }
0x202: {  	v8 =	vld [tilespmem:$0x20];
	v2 =	vadd.s32 v5, v2;
	v5 =	vsub.f32 $1.000000000e+00, v3;
	vm12 =	vgt.f32 v63, v0  }
0x203: {  	v9 =	vld [tilespmem:$0x40];
	v2 =	vadd.s32 $0x7FFF, v2;
	v7 =	vsel vm12, $0x3F800000, v35  }
0x204: {  	v2 =	vand.u32 $0xFFFF0000, v2;
	v4 =	vmul.f32 v4, v5;
	v5 =	vmul.f32 v7, v3  }
0x205: {  	v6 =	vmul.f32 $5.000000000e-01, v6;
	v2 =	vsel vm3, $0x0, v2;
	v7 =	vmul.f32 $5.000000000e-01, v40;
	v40 =	vld [tilespmem:$0x10]  }
0x206: {  	v2 =	vmul.f32 v2, v4;
	v4 =	vadd.f32 v5, v4  }
0x207: {  	v8 =	vmul.f32 $5.000000000e-01, v8;
	v44 =	vmul.f32 $5.000000000e-01, v44;
	v5 =	vadd.f32 v7, v6  }
0x208: {  	v9 =	vmul.f32 $5.000000000e-01, v9;
	v6 =	vld [tilespmem:$0x4D0];
	v2 =	vmul.f32 v4, v2  }
0x209: {  	v8 =	vadd.f32 v44, v8;
	v44 =	vmul.f32 $5.000000000e-01, v46;
	v4 =	vmul.f32 $-1.562500000e-02, v5  }
0x20a: {  	v5 =	vmul.f32 $5.000000000e-01, v42;
	v7 =	vmul.f32 $5.000000000e-01, v40;
	v40 =	vld [tilespmem:$0x30];
	v42 =	vsub.f32 $1.000000000e+00, v2  }
0x20b: {  	v4 =	vmul.f32 $1.442695020e+00, v4;
	v0 =	vmul.f32 v2, v0  }
0x20c: {  	v3 =	vadd.f32 v2, v3;
	v5 =	vadd.f32 v5, v7;
	v63 =	vmul.f32 v42, v63  }
0x20d: {  	v2 =	vmul.f32 s25, v2;
	v6 =	vmul.f32 v42, v6  }
0x20e: {  	v3 =	vmax.f32 v3, $0.0e+00;
	v5 =	vmul.f32 $-1.562500000e-02, v5;
	v42 =	vadd.f32 v63, v0  }
0x20f: {  	v0 =	vmul.f32 $5.000000000e-01, v40;
	v63 =	vmul.f32 $5.000000000e-01, v49;
	v40 =	vmin.f32 v3, $1.000000000e+00  }
0x210: {  	v2 =	vadd.f32 v6, v2;
	v3 =	vmul.f32 $-1.562500000e-02, v8;
	[tilespmem:$0x2D0] =	vst v40;
	v5 =	vmul.f32 $1.442695020e+00, v5  }
0x211: {  	s1 =	simm.s32 $0x8E0;
	(erf) = vpow2.f32 v4;
	v49 =	vld [tilespmem:$0x50];
	v0 =	vadd.f32 v44, v0;
	[tilespmem:$0x1D0] =	vst v42;
	v46 =	vadd.f32 v63, v9  }
0x212: {  	s1 =	simm.s32 @!p0 $0x6E0;
	v8 =	vld [tilespmem:$0x1E0];
	[tilespmem:$0x4D0] =	vst v2;
	v2 =	vmul.f32 $1.442695020e+00, v3;
	(erf) = vpow2.f32 v5  }
0x213: {  	s28 =	simm.s32 $0x7E0;
	v4 =	vld [tilespmem:s1+$0x0];
	v0 =	vmul.f32 $-1.562500000e-02, v0;
	v3 =	vmul.f32 $-1.562500000e-02, v46  }
0x214: {  	s28 =	simm.s32 @!p0 $0x5E0;
	v5 =	vld [tilespmem:$0x60];
	(erf) = vpow2.f32 v2  }
0x215: {  	v0 =	vmul.f32 $1.442695020e+00, v0;
	v2 =	vmul.f32 $1.442695020e+00, v3;
	v3 =	vld [tilespmem:s28+$0x0]  }
0x216: {  	v63 =	vmul.f32 $5.000000000e-01, v50;
	v6 =	vmul.f32 $5.000000000e-01, v49;
	v49 =	vld [tilespmem:$0x70]  }
0x217: {  	vm3 =	veq.s32 v15, s26;
	(erf) = vpow2.f32 v0;
	v0 =	vld [tilespmem:$0x2E0]  }
0x218: {  	v6 =	vadd.f32 v63, v6;
	vm13 =	veq.f32 v4, $+Inf;
	(erf) = vpow2.f32 v2;
	v2 =	vld [tilespmem:$0x3E0]  }
0x219: {  	v9 =	vmul.f32 $5.000000000e-01, v53;
	v5 =	vmul.f32 $5.000000000e-01, v5;
	vm4 =	vmor vm3, vm13  }
0x21a: {  	v6 =	vmul.f32 $-1.562500000e-02, v6;
	v4 =	vsel vm4, $0x0, v4;
	v50 =	vshrl.u32 v3, $0x10  }
0x21b: {  	v5 =	vadd.f32 v9, v5;
	v4 =	vadd.f32 v4, v36;
	v53 =	vand.u32 $0x1, v50  }
0x21c: {  	v9 =	vmul.f32 $5.000000000e-01, v55;
	v44 =	vmul.f32 $5.000000000e-01, v49;
	v3 =	vadd.s32 v53, v3  }
0x21d: {  	v63 =	vsub.f32 $1.000000000e+00, v0;
	vm14 =	vgt.f32 v8, v4;
	v2 =	vsub.f32 $1.000000000e+00, v2  }
0x21e: {  	v9 =	vadd.f32 v9, v44;
	v3 =	vadd.s32 $0x7FFF, v3;
	v49 =	vsel vm14, $0x3F800000, v35  }
0x21f: {  	v3 =	vand.u32 $0xFFFF0000, v3;
	v50 =	vmul.f32 v49, v0;
	v2 =	vmul.f32 v2, v63  }
0x220: {  	v6 =	vmul.f32 $1.442695020e+00, v6;
	v5 =	vmul.f32 $-1.562500000e-02, v5;
	v3 =	vsel vm3, $0x0, v3  }
0x221: {  	v53 =	vmul.f32 $-1.562500000e-02, v9;
	v3 =	vmul.f32 v3, v2;
	v2 =	vadd.f32 v50, v2  }
0x222: {  	(erf) = vpow2.f32 v6;
	v5 =	vmul.f32 $1.442695020e+00, v5  }
0x223: {  	v55 =	vld [tilespmem:$0x4E0];
	v2 =	vmul.f32 v2, v3;
	v3 =	vmul.f32 $1.442695020e+00, v53  }
0x224: {  	(erf) = vpow2.f32 v5  }
0x225: {  	v63 =	vsub.f32 $1.000000000e+00, v2;
	(erf) = vpow2.f32 v3;
	v3 =	vld [tilespmem:$0x80]  }
0x226: {  	v4 =	vmul.f32 v2, v4;
	v0 =	vadd.f32 v2, v0  }
0x227: {  	v2 =	vmul.f32 s25, v2;
	v44 =	vmul.f32 v63, v8  }
0x228: {  	v8 =	vpop (erf);
	v5 =	vmul.f32 v63, v55;
	v0 =	vmax.f32 v0, $0.0e+00  }
0x229: {  	v46 =	vpop (erf);
	v49 =	vmul.f32 v8, v37;
	v37 =	vmin.f32 v0, $1.000000000e+00;
	v4 =	vadd.f32 v44, v4  }
0x22a: {  	v63 =	vld [tilespmem:$0xA0];
	v8 =	vmul.f32 $5.000000000e-01, v57;
	v9 =	vpop (erf);
	v0 =	vadd.f32 v5, v2;
	[tilespmem:$0x2E0] =	vst v37;
	v3 =	vmul.f32 $5.000000000e-01, v3  }
0x22b: {  	v61 =	vmul.f32 $5.000000000e-01, v61;
	s1 =	simm.s32 $0x8F0;
	v50 =	vmul.f32 v46, v38;
	v44 =	vld [tilespmem:$0x2F0];
	v2 =	vpop (erf);
	vm3 =	vgt.f32 v49, $-1.000000000e+00;
	[tilespmem:$0x1E0] =	vst v4  }
0x22c: {  	s1 =	simm.s32 @!p0 $0x6F0;
	s28 =	simm.s32 $0x7F0;
	v55 =	vmul.f32 v9, v39;
	v53 =	vpop (erf);
	[tilespmem:$0x4E0] =	vst v0;
	v0 =	vnsel vm3, $0xBF800000, v49;
	v3 =	vadd.f32 v8, v3;
	v8 =	vld [tilespmem:$0x90]  }
0x22d: {  	s28 =	simm.s32 @!p0 $0x5F0;
	v2 =	vmul.f32 v2, v41;
	v38 =	vld [tilespmem:s1+$0x0];
	vm3 =	vgt.f32 v50, v0;
	v6 =	vmul.f32 v53, v43  }
0x22e: {  	v9 =	vpop (erf);
	v53 =	vmul.f32 $5.000000000e-01, v58;
	v0 =	vsel vm3, v50, v0;
	v50 =	vld [tilespmem:s28+$0x0];
	v3 =	vmul.f32 $-1.562500000e-02, v3  }
0x22f: {  	vm5 =	veq.s32 v16, s26;
	v41 =	vmul.f32 $5.000000000e-01, v63;
	v57 =	vpop (erf);
	v5 =	vmul.f32 v9, v45  }
0x230: {  	v9 =	vmul.f32 v57, v47;
	vm4 =	vgt.f32 v55, v0;
	v57 =	vld [tilespmem:$0xB0];
	v3 =	vmul.f32 $1.442695020e+00, v3  }
0x231: {  	v49 =	vpop (erf);
	v63 =	vsub.f32 $1.000000000e+00, v44;
	v0 =	vsel vm4, v55, v0;
	v55 =	vld [tilespmem:$0x3F0];
	v8 =	vmul.f32 $5.000000000e-01, v8  }
0x232: {  	v39 =	vmul.f32 v49, v52;
	vm6 =	veq.f32 v38, $+Inf;
	(erf) = vpow2.f32 v3;
	v3 =	vld [tilespmem:$0x1F0]  }
0x233: {  	vm6 =	vmor vm5, vm6;
	v58 =	vshrl.u32 v50, $0x10;
	v7 =	vadd.f32 v53, v8  }
0x234: {  	v8 =	vmul.f32 $5.000000000e-01, v60;
	v38 =	vsel vm6, $0x0, v38;
	v60 =	vand.u32 $0x1, v58  }
0x235: {  	v52 =	vld [tilespmem:$0xD0];
	v46 =	vmul.f32 $5.000000000e-01, v57;
	v36 =	vadd.f32 v38, v36;
	v38 =	vadd.s32 v60, v50  }
0x236: {  	v45 =	vsub.f32 $1.000000000e+00, v55;
	v55 =	vmul.f32 $5.000000000e-01, v62;
	v60 =	vmul.f32 $5.000000000e-01, v42  }
0x237: {  	v7 =	vmul.f32 $-1.562500000e-02, v7;
	v8 =	vadd.f32 v8, v41;
	vm15 =	vgt.f32 v3, v36  }
0x238: {  	v38 =	vadd.s32 $0x7FFF, v38;
	v41 =	vadd.f32 v61, v46;
	v49 =	vsel vm15, $0x3F800000, v35  }
0x239: {  	v43 =	vmul.f32 v45, v63;
	v38 =	vand.u32 $0xFFFF0000, v38;
	v47 =	vmul.f32 v49, v44  }
0x23a: {  	v50 =	vld [tilespmem:$0xC0];
	v61 =	vmul.f32 $5.000000000e-01, v52;
	v38 =	vsel vm5, $0x0, v38;
	v8 =	vmul.f32 $-1.562500000e-02, v8  }
0x23b: {  	vm5 =	vgt.f32 v2, v0;
	v38 =	vmul.f32 v38, v43;
	v43 =	vadd.f32 v47, v43  }
0x23c: {  	v7 =	vmul.f32 $1.442695020e+00, v7;
	v0 =	vsel vm5, v2, v0;
	v2 =	vmul.f32 $-1.562500000e-02, v41  }
0x23d: {  	v58 =	vld [tilespmem:$0xE0];
	v53 =	vmul.f32 $1.442695020e+00, v8;
	v8 =	vmul.f32 v43, v38  }
0x23e: {  	v62 =	vld [tilespmem:$0xF0];
	(erf) = vpow2.f32 v7;
	v2 =	vmul.f32 $1.442695020e+00, v2  }
0x23f: {  	v57 =	vmul.f32 $5.000000000e-01, v50;
	(erf) = vpow2.f32 v53;
	v7 =	vsub.f32 $1.000000000e+00, v8  }
0x240: {  	v4 =	vmul.f32 $5.000000000e-01, v4;
	(erf) = vpow2.f32 v2;
	v2 =	vadd.f32 v60, v61  }
0x241: {  	v38 =	vadd.f32 v55, v57;
	v63 =	vmul.f32 v8, v36;
	v3 =	vmul.f32 v7, v3  }
0x242: {  	v42 =	vmul.f32 $5.000000000e-01, v58;
	vm6 =	vgt.f32 v6, v0;
	v2 =	vmul.f32 $-1.562500000e-02, v2  }
0x243: {  	v46 =	vmul.f32 $5.000000000e-01, v62;
	v41 =	vmul.f32 $-1.562500000e-02, v38;
	v3 =	vadd.f32 v3, v63  }
0x244: {  	v0 =	vsel vm6, v6, v0;
	v4 =	vadd.f32 v4, v42;
	v2 =	vmul.f32 $1.442695020e+00, v2  }
0x245: {  	vm7 =	vgt.f32 v5, v0;
	v36 =	vmul.f32 $1.442695020e+00, v41;
	v43 =	vmul.f32 $5.000000000e-01, v3  }
0x246: {  	v0 =	vsel vm7, v5, v0;
	v4 =	vmul.f32 $-1.562500000e-02, v4  }
0x247: {  	v49 =	vpop (erf);
	vm8 =	vgt.f32 v9, v0;
	(erf) = vpow2.f32 v36;
	v47 =	vadd.f32 v43, v46  }
0x248: {  	v6 =	vmul.f32 v49, v48;
	v0 =	vsel vm8, v9, v0;
	v4 =	vmul.f32 $1.442695020e+00, v4  }
0x249: {  	vm9 =	vgt.f32 v39, v0;
	(erf) = vpow2.f32 v2;
	v2 =	vpop (erf);
	v5 =	vmul.f32 $-1.562500000e-02, v47  }
0x24a: {  	v0 =	vsel vm9, v39, v0;
	v2 =	vmul.f32 v2, v51  }
0x24b: {  	vm10 =	vgt.f32 v6, v0;
	(erf) = vpow2.f32 v4;
	v50 =	vmul.f32 $1.442695020e+00, v5  }
0x24c: {  	v0 =	vsel vm10, v6, v0;
	v51 =	vpop (erf)  }
0x24d: {  	vm11 =	vgt.f32 v2, v0;
	v5 =	vmul.f32 v51, v54;
	(erf) = vpow2.f32 v50  }
0x24e: {  	v52 =	vpop (erf);
	v0 =	vsel vm11, v2, v0  }
0x24f: {  	v2 =	vmul.f32 v52, v56;
	vm12 =	vgt.f32 v5, v0  }
0x250: {  	v53 =	vpop (erf);
	v0 =	vsel vm12, v5, v0  }
0x251: {  	v4 =	vmul.f32 v53, v59;
	vm13 =	vgt.f32 v2, v0  }
0x252: {  	v54 =	vpop (erf);
	v0 =	vsel vm13, v2, v0  }
0x253: {  	v55 =	vadd.f32 v8, v44;
	v2 =	vmul.f32 v54, v40;
	vm14 =	vgt.f32 v4, v0  }
0x254: {  	v56 =	vpop (erf);
	v0 =	vsel vm14, v4, v0  }
0x255: {  	v5 =	vmax.f32 v55, $0.0e+00;
	v57 =	vmul.f32 v56, v37;
	vm15 =	vgt.f32 v2, v0  }
0x256: {  	v59 =	vsel vm3, v19, v18;
	v0 =	vsel vm15, v2, v0;
	v2 =	vmin.f32 v5, $1.000000000e+00;
	v58 =	vpop (erf)  }
0x257: {  	v6 =	vsel vm4, v20, v59;
	vm3 =	vgt.f32 v57, v0;
	v5 =	vmul.f32 v58, v2  }
0x258: {  	v60 =	vsel vm5, v21, v6;
	v0 =	vsel vm3, v57, v0  }
0x259: {  	v4 =	vsel vm6, v22, v60;
	vm4 =	vgt.f32 v5, v0  }
0x25a: {  	v4 =	vsel vm7, v23, v4;
	v0 =	vsel vm4, v5, v0  }
0x25b: {  	v4 =	vsel vm8, v24, v4;
	(xrf0) =	vmax.scan.msk.f32 $0xffff, v0  }
0x25c: {  	v4 =	vsel vm9, v25, v4  }
0x25d: {  	v4 =	vsel vm10, v26, v4  }
0x25e: {  	v4 =	vsel vm11, v27, v4  }
0x25f: {  	v4 =	vsel vm12, v28, v4  }
0x260: {  	v4 =	vsel vm13, v29, v4  }
0x261: {  	v4 =	vsel vm14, v30, v4;
	v61, _, _ =	vpop (xrf0)  }
0x262: {  	v4 =	vsel vm15, v31, v4;
	v62 =	vbroadcast v61, $0xF  }
0x263: {  	v4 =	vsel vm3, v32, v4  }
0x264: {  	vm3 =	veq.f32 v0, v62;
	v0 =	vsel vm4, v33, v4  }
0x265: {  	v0 =	vnsel vm3, $0x80000100, v0  }
0x266: {  	(xrf0) =	vmin.scan.msk.u32 $0xffff, v0;
	_ =	sdelay $0x5  }
0x267: {  	(v2sf) =	vpush v61, $0xF;
	v0, _, _ =	vpop (xrf0)  }
0x268: {  	(v2sf) =	vpush v0, $0xF;
	_ =	sdelay $0x5  }
0x269: {  	v0 =	vld [tilespmem:$0x4F0];
	_ =	sdelay $0x2  }
0x26a: {  	s16 =	sadd.s32 $0x800, s16  }
0x26b: {  	p0 =	sne.s32 s16, $0x66000  }
.Ltmp3:
0x26c: {  	v63 =	vmul.f32 s25, v8;
	v0 =	vmul.f32 v7, v0;
	(pc) =	sbr.rel @!p0 .LBB2_12-.Ltmp3, $4  }
0x26d: {  	_ = 	snop  }
0x26e: {  	[tilespmem:$0x1F0] =	vst v3;
	v0 =	vadd.f32 v0, v63  }
0x26f: {  	[tilespmem:$0x2F0] =	vst v2;
	s25 =	spop (v2sf)  }
0x270: {  	s15 =	sxor.u32 $0x1, s15;
	[tilespmem:$0x4F0] =	vst v0;
	s26 =	spop (v2sf)  }
.LBB2_4:
0x271: {  	s28 =	sxor.u32 $0x80000000, s26  }
0x272: {  	s29 =	sand.u32 $0xFFFFFFF0, s28  }
0x273: {  	v36 =	vld [tilespmem:s29+$0x100];
	_ =	sdelay $0x1  }
0x274: {  	s31 =	sand.u32 $0xF, s26  }
0x275: {  	v37 =	vmov s31  }
0x276: {  	vm3 =	veq.s32 v37, v17  }
0x277: {  	v36 =	vnsel vm3, $0x0, v36  }
0x278: {  	(xrf2) =	vadd.scan.msk.f32 $0xffff, v36;
	_ =	sdelay $0x8  }
0x279: {  	s1 =	sadd.s32 s7, s28  }
0x27a: {  	v57 =	vmov s25;
	s26 =	scvt.s32.f32 s1;
	v36, _, _ =	vpop (xrf2)  }
0x27b: {  	v37 =	vnsel vm0, $0x0, v57;
	v36 =	vbroadcast v36, $0xF  }
0x27c: {  	v37 =	vsel vm1, s26, v37;
	s26 =	sand.u32 $0x800, s16  }
0x27d: {  	s25 =	sadd.s32 s26, s6;
	v36 =	vsel vm2, v36, v37  }
0x27e: {  	s29 =	sadd.s32 s17, s25;
	[tilespmem:$0x980] =	vst v36  }
0x27f: {  	[spmem:s29] =	stream.linear.scatter [tilespmem:s18], [sflag:$0x3], $0x80, $0x38;
	[tilespmem:$0x3320] =	vst v63  }
0x280: {  	_ =	swait.ge [sflag:s19], $0x80  }
0x281: {  	[sflag:s19] =	ssyncset.done $0x0  }
0x282: {  	[sflag:s19] =	ssyncadd.s32 $0xFFFFFF80  }
0x283: {  	[bflag:$0x0] =	sbarrier.arrive $0xFFFF  }
0x284: {  	[tilespmem:s20], [sflag:$0x3] =	stream.linear.gather [spmem:s25], $0x800, $0x38;
	[tilespmem:$0x3320] =	vst v63  }
0x285: {  	_ =	swait.ge [sflag:s19], $0x800  }
0x286: {  	[sflag:s19] =	ssyncset.done $0x0  }
0x287: {  	[sflag:s19] =	ssyncadd.s32 $0xFFFFF800  }
0x288: {  	v58 =	vld.idx.msk [tilespmem:v34+s20+$0x0], $0xffff;
	_ =	sdelay $0x4  }
0x289: {  	(xrf0) =	vmax.scan.msk.f32 $0xffff, v58;
	_ =	sdelay $0x5  }
0x28a: {  	v59, _, _ =	vpop (xrf0)  }
0x28b: {  	v37 =	vbroadcast v59, $0xF;
	_ =	sdelay $0x1  }
0x28c: {  	vm3 =	veq.f32 v58, v37  }
0x28d: {  	v37 =	vmctz.xlane vm3;
	_ =	sdelay $0x1  }
0x28e: {  	v37 =	vxor.u32 $0x80000000, v37  }
0x28f: {  	(xrf0) =	vmax.scan.msk.u32 $0xffff, v37;
	_ =	sdelay $0x5  }
0x290: {  	v37, _, _ =	vpop (xrf0)  }
0x291: {  	(v2sf) =	vpush v37, $0xF;
	_ =	sdelay $0xe  }
0x292: {  	s30 =	spop (v2sf)  }
0x293: {  	s31 =	sxor.u32 $0x80000000, s30  }
0x294: {  	v60 =	vmov s31  }
0x295: {  	vm3 =	veq.s32 v60, v17  }
0x296: {  	v36 =	vsel vm3, $0xBF800000, v58  }
0x297: {  	(xrf0) =	vmax.scan.msk.f32 $0xffff, v36;
	_ =	sdelay $0x5  }
0x298: {  	v61, _, _ =	vpop (xrf0)  }
0x299: {  	v37 =	vbroadcast v61, $0xF;
	_ =	sdelay $0x1  }
0x29a: {  	vm3 =	veq.f32 v36, v37  }
0x29b: {  	v36 =	vmctz.xlane vm3;
	_ =	sdelay $0x1  }
0x29c: {  	s25 =	sshll.u32 s30, $0x9;
	v36 =	vxor.u32 $0x80000000, v36  }
0x29d: {  	s25 =	sshra.s32 s25, $0x2;
	(xrf0) =	vmax.scan.msk.u32 $0xffff, v36  }
0x29e: {  	v36 =	vld [tilespmem:s25+$0xA00];
	_ =	sdelay $0x4  }
0x29f: {  	(v2sf) =	vpush v36, $0x1;
	v62, _, _ =	vpop (xrf0)  }
0x2a0: {  	(v2sf) =	vpush v62, $0xF;
	_ =	sdelay $0xd  }
0x2a1: {  	s1 =	spop (v2sf)  }
0x2a2: {  	s30 =	spop (v2sf)  }
0x2a3: {  	s26 =	sshll.u32 s30, $0x9  }
0x2a4: {  	s26 =	sshra.s32 s26, $0x2  }
0x2a5: {  	v63 =	vld [tilespmem:s26+$0xA00];
	_ =	sdelay $0x4  }
0x2a6: {  	(v2sf) =	vpush v63, $0x1;
	_ =	sdelay $0xc  }
0x2a7: {  	s26 =	scvt.f32.s32 s1  }
0x2a8: {  	p0 =	sne.s32 s15, $0x0  }
0x2a9: {  	p1 =	seq.s32 @!p0 s21, s26;
	s31 =	spop (v2sf)  }
0x2aa: {  	p0 =	por p0, p1;
	_ =	swait.ge [sflag:s22], $0x100  }
.Ltmp4:
0x2ab: {  	[sflag:s22] =	ssyncset.done $0x0;
	(pc) =	sbr.rel @!p0 .LBB2_5-.Ltmp4, $4  }
0x2ac: {  	[sflag:s22] =	ssyncadd.s32 $0xFFFFFF00  }
0x2ad: {  	_ =	swait.ge [sflag:s22], $0x100  }
0x2ae: {  	s28 =	smov.u32 s21;
	[sflag:s22] =	ssyncset.done $0x0  }
0x2af: {  	s25 =	scvt.s32.f32 s26;
	s21 =	scvt.f32.s32 s31;
	[sflag:s22] =	ssyncadd.s32 $0xFFFFFF00  }
0x2b0: {  	p0 =	seq.s32 s15, $0x0  }
0x2b1: {  	p1 =	seq.s32 @!p0 s28, s26  }
0x2b2: {  	p1 =	por p0, p1  }
.Ltmp5:
0x2b3: {  	_ = 	snop;
	(pc) =	sbr.rel @p1 .LBB2_9-.Ltmp5, $1  }
0x2b4: {  	_ =	sdelay $0x3  }
0x2b5: {  	s29 =	sshll.u32 s26, $0xC  }
0x2b6: {  	s29 =	sor.u32 s8, s29  }
.Ltmp6:
0x2b7: {  	s29 =	sshrl.u32 s29, $0x3;
	(pc) =	sbr.rel .LBB2_8-.Ltmp6, $4  }
0x2b8: {  	s30 =	sadd.s32 s4, s29  }
0x2b9: {  	[tilespmem:s13], [sflag:$0x1] =	stream.strided.gather [hbm4b:s30+s11], $0x100, s12, s11, $0x38;
	[tilespmem:$0x3320] =	vst v63  }
0x2ba: {  	s29 =	sadd.s32 s5, s29  }
0x2bb: {  	[tilespmem:s14], [sflag:$0x1] =	stream.strided.gather [hbm4b:s29+s11], $0x100, s12, s11, $0x38;
	[tilespmem:$0x3320] =	vst v63  }
.LBB2_9:
.Ltmp7:
0x2bc: {  	(pc) =	sbr.rel @p0 .LBB2_10-.Ltmp7, $1  }
0x2bd: {  	_ =	sdelay $0x3  }
.LBB2_8:
.Ltmp8:
0x2be: {  	(pc) =	sbr.rel .LBB2_11-.Ltmp8, $2  }
0x2bf: {  	_ =	sdelay $0x2  }
0x2c0: {  	p0 =	por $0x1, $0x1;
	s29 =	simm.s32 $0x600;
	s30 =	simm.s32 $0x500  }
.LBB2_10:
.Ltmp9:
0x2c1: {  	(pc) =	sbr.rel .LBB2_11-.Ltmp9, $2  }
0x2c2: {  	_ =	sdelay $0x2  }
0x2c3: {  	p0 =	por $0x0, $0x0;
	s29 =	simm.s32 $0x800;
	s30 =	simm.s32 $0x700  }
.LBB2_12:
0x2c4: {  	s1 =	simm.s32 $0x2  }
0x2c5: {  	_ =	swait.ge [sflag:s1], $0x100  }
0x2c6: {  	[sflag:s1] =	ssyncset.done $0x0  }
0x2c7: {  	[sflag:s1] =	ssyncadd.s32 $0xFFFFFF00  }
0x2c8: {  	_ =	swait.ge [sflag:s1], $0x100  }
0x2c9: {  	s31 =	simm.s32 $0x80;
	[sflag:s1] =	ssyncset.done $0x0  }
0x2ca: {  	s5 =	simm.s32 $0x400;
	s4 =	simm.s32 $0x300;
	[sflag:s1] =	ssyncadd.s32 $0xFFFFFF00  }
0x2cb: {  	[hbm4b:s9+s31] =	stream.strided.scatter [tilespmem:s4], [sflag:$0x3], $0x100, s5, s31, $0x38;
	[tilespmem:$0x3320] =	vst v63  }
0x2cc: {  	s4 =	simm.s32 $0x3  }
0x2cd: {  	_ =	swait.ge [sflag:s4], $0x100  }
0x2ce: {  	[sflag:s4] =	ssyncset.done $0x0  }
0x2cf: {  	p0 =	sne.s32 s2, $0x0;
	[sflag:s4] =	ssyncadd.s32 $0xFFFFFF00  }
0x2d0: {  	[spmem:s10] =	stream.linear.scatter [tilespmem:s5], [sflag:$0x3], $0x100, $0x38;
	[tilespmem:$0x3320] =	vst v63  }
.Ltmp10:
0x2d1: {  	_ =	swait.ge [sflag:s4], $0x100;
	(pc) =	sbr.rel @p0 .LBB2_18-.Ltmp10, $4  }
0x2d2: {  	[sflag:s4] =	ssyncset.done $0x0  }
0x2d3: {  	[sflag:s4] =	ssyncadd.s32 $0xFFFFFF00  }
0x2d4: {  	[bflag:$0x0] =	sbarrier.arrive $0xFFFF  }
0x2d5: {  	s8 =	rddreg [dreg:$0x5]  }
0x2d6: {  	s1 =	simm.s32 $0x1200  }
0x2d7: {  	[tilespmem:s1], [sflag:$0x3] =	stream.linear.gather [spmem:s3], $0x1000, $0x38;
	[tilespmem:$0x3320] =	vst v63  }
0x2d8: {  	_ =	swait.ge [sflag:s4], $0x1000  }
0x2d9: {  	[sflag:s4] =	ssyncset.done $0x0  }
0x2da: {  	v1 =	vimm.s32 $0x0;
	s3 =	simm.s32 $0x40;
	[sflag:s4] =	ssyncadd.s32 $0xFFFFF000;
	s4 =	simm.s32 $0x0  }
.LBB2_14:
0x2db: {  	p0 =	sne.s32 s3, $0x3FC0;
	[tilespmem:s4+$0x2200] =	vst v1;
	s1 =	smov.u32 s3;
	s3 =	sadd.s32 $0x40, s3  }
.Ltmp11:
0x2dc: {  	(pc) =	sbr.rel @p0 .LBB2_14-.Ltmp11, $2  }
0x2dd: {  	_ =	sdelay $0x2  }
0x2de: {  	s4 =	sshra.s32 s1, $0x2  }
0x2df: {  	v0 =	vld [tilespmem:$0x1FFE0];
	_ =	sdelay $0x4  }
0x2e0: {  	v2 =	vbroadcast v0, $0x1;
	_ =	sdelay $0x4  }
0x2e1: {  	[tilespmem:s4+$0x2200] =	vst v1;
	s3 =	simm.s32 $0x2200;
	v0 =	vimm.s32 $0x1  }
0x2e2: {  	s4 =	simm.s32 $0x1200;
	[tilespmem:v2+s3+$0x0] =	vst.idx.msk $0x1, v0  }
0x2e3: {  	v1 =	vld.idx.msk [tilespmem:v2+s4+$0x0], $0xffff;
	_ =	sdelay $0x4  }
0x2e4: {  	(xrf0) =	vmax.scan.msk.f32 $0xffff, v1;
	_ =	sdelay $0x5  }
0x2e5: {  	v1, _, _ =	vpop (xrf0)  }
0x2e6: {  	(v2sf) =	vpush v1, $0xF;
	_ =	sdelay $0xe  }
0x2e7: {  	s1 =	spop (v2sf)  }
0x2e8: {  	s5 =	scvt.f32.s32 s1;
	_ =	sdelay $0x1  }
0x2e9: {  	s6 =	scvt.s32.f32 s5;
	_ =	sdelay $0x1  }
0x2ea: {  	p0 =	slt.f32 s1, s6  }
0x2eb: {  	s1 =	simm.s32 $0x1  }
0x2ec: {  	s1 =	simm.s32 @!p0 $0x0  }
0x2ed: {  	s1 =	ssub.s32 s5, s1  }
0x2ee: {  	s5 =	simm.s32 $0xCA;
	v1 =	vmov s1  }
.LBB2_16:
0x2ef: {  	p0 =	sne.s32 s5, $0x1;
	_ =	sdelay $0x3  }
0x2f0: {  	[tilespmem:v1+s3+$0x0] =	vst.idx.msk $0x1, v0  }
0x2f1: {  	v1 =	vld.idx.msk [tilespmem:v1+s4+$0x0], $0xffff;
	_ =	sdelay $0x5  }
0x2f2: {  	(xrf0) =	vmax.scan.msk.f32 $0xffff, v1;
	_ =	sdelay $0x5  }
0x2f3: {  	v1, _, _ =	vpop (xrf0)  }
0x2f4: {  	(v2sf) =	vpush v1, $0xF;
	_ =	sdelay $0xe  }
0x2f5: {  	s1 =	spop (v2sf)  }
0x2f6: {  	s6 =	scvt.f32.s32 s1;
	_ =	sdelay $0x1  }
0x2f7: {  	s7 =	scvt.s32.f32 s6;
	_ =	sdelay $0x1  }
.Ltmp12:
0x2f8: {  	p1 =	slt.f32 s1, s7;
	(pc) =	sbr.rel @p0 .LBB2_16-.Ltmp12, $4  }
0x2f9: {  	s1 =	simm.s32 $0x1  }
0x2fa: {  	s1 =	simm.s32 @!p1 $0x0  }
0x2fb: {  	s1 =	ssub.s32 s6, s1  }
0x2fc: {  	s5 =	sadd.s32 $0xFFFFFFFF, s5;
	v1 =	vmov s1  }
0x2fd: {  	_ =	sdelay $0x3  }
0x2fe: {  	[tilespmem:v1+s3+$0x0] =	vst.idx.msk $0x1, v0  }
0x2ff: {  	v0 =	vld.idx.msk [tilespmem:v1+s4+$0x0], $0xffff;
	_ =	sdelay $0x4  }
0x300: {  	(xrf0) =	vmax.scan.msk.f32 $0xffff, v0;
	_ =	sdelay $0x5  }
0x301: {  	v0, _, _ =	vpop (xrf0)  }
0x302: {  	(v2sf) =	vpush v0, $0xF;
	_ =	sdelay $0xc  }
0x303: {  	s1 =	simm.s32 $0x0;
	s30 =	simm.s32 $0x2200  }
0x304: {  	[hbm4b:s8+s1] =	stream.linear.scatter [tilespmem:s30], [sflag:$0x3], $0x1000, $0x38;
	[tilespmem:$0x3320] =	vst v63  }
0x305: {  	s1 =	simm.s32 $0x3;
	s31 =	spop (v2sf)  }
0x306: {  	_ =	swait.ge [sflag:s1], $0x1000  }
0x307: {  	[sflag:s1] =	ssyncset.done $0x0  }
0x308: {  	[sflag:s1] =	ssyncadd.s32 $0xFFFFF000  }
.LBB2_18:
0x309: {  	_ =	sfence.sel $0x180000  }
0x30a: {  	[bflag:$0x0] =	sbarrier.arrive $0xFFFF  }
0x30b: {  	p0 =	sne.s32 s2, $0x0;
	_ =	strace $0x90000047  }
0x30c: {  	s0 =	sadd.s32 @!p0 $0x100000, s0;
	[bflag:$0x2] =	sbarrier.arrive $0xFFFF  }
0x30d: {  	[sflag:s0] =	ssyncadd.tile.s32 @!p0 $0x1;
	_ =	shalt  }
.Lfunc_end2:
_tile_overlayer_lowered:
.L_overlay_start_2:
0x30e: {  	(tag) =	ssettag $0x2  }
0x30f: {  	s0 =	rddreg [dreg:$0x0];
	s2 =	stileid.u32  }
0x310: {  	s1 =	rddreg [dreg:$0x1];
	p0 =	sne.s32 s2, $0x0  }
0x311: {  	s3 =	rddreg [dreg:$0x2];
	[bflag:$0x3] =	sbarrier.arrive $0xFFFF;
	s2 =	simm.s32 @!p0 $0x1C03  }
0x312: {  	[timem:s3], [sflag:s2] =	dma.local @!p0 [hbm:s0], s1  }
0x313: {  	s0 =	simm.s32 @!p0 $0x3  }
0x314: {  	_ =	swait.ge @!p0 [sflag:s0], s1  }
0x315: {  	s1 =	ssub.s32 @!p0 $0x0, s1;
	[sflag:s0] =	ssyncset.done @!p0 $0x0  }
0x316: {  	[sflag:s0] =	ssyncadd.s32 @!p0 s1  }
0x317: {  	[bflag:$0x3] =	sbarrier.arrive $0xFFFF  }
0x318: {  	_ =	shalt  }

</sc_bundles>
